<compile_context>
chip_gen: v7x
topology: tpu7x:2x2x1
jax: 0.10.2.dev20260603
libtpu: 0.0.44.dev20260713+nightly
codegen_flags: <defaults>
</compile_context>

<pallas_src>
import functools

import jax
import jax.numpy as jnp
from jax import lax
from jax.experimental import pallas as pl
from jax.experimental.pallas import tpu as pltpu
from jax.experimental.pallas import tpu_sc as plsc

_B = 8
_N = 2048
_L = 16
_NC = 2
_NS = 16
_NCH = _N // _L
_UNROLL = 16
_RB = 256
_RPB = 16
_NBLK = _N // _RPB


def _cost_tc_kernel(p_ref, t_ref, o_ref):
    p = p_ref[0]
    t = t_ref[0]
    px, py, pz = p[:, 0:1], p[:, 1:2], p[:, 2:3]
    tx, ty, tz = t[0:1, :], t[1:2, :], t[2:3, :]
    a2 = px * px + py * py + pz * pz
    b2 = tx * tx + ty * ty + tz * tz
    g = lax.dot_general(p, t, (((1,), (0,)), ((), ())),
                        preferred_element_type=jnp.float32)
    d2 = a2 + b2 - 2.0 * g
    o_ref[0] = jnp.sqrt(jnp.maximum(d2, 1e-12))


_GATHER_DNUMS = lax.GatherDimensionNumbers(
    offset_dims=(), collapsed_slice_dims=(0,), start_index_map=(0,))


def _shuffle(v, perm):
    return lax.gather(v, perm[:, None], _GATHER_DNUMS, (1,),
                      mode=lax.GatherScatterMode.PROMISE_IN_BOUNDS)


def _allmin(v, lane):
    for k in (1, 2, 4, 8):
        v = jnp.minimum(v, _shuffle(v, lane ^ k))
    return v


def _greedy_sc_body(cost_hbm, out_hbm, blk0, blk1, pen_v, sel_v,
                    inbox, sem0, sem1):
    cid = lax.axis_index("c")
    sid = lax.axis_index("s")
    active = sid < _B
    batch = cid * 4 + sid // 2
    role = sid & 1
    partner = sid ^ 1

    @pl.when(active)
    def _():
        inbox[0] = 0
        inbox[1] = 0

    plsc.subcore_barrier()

    @pl.when(active)
    def _():
        lane = lax.iota(jnp.int32, _L)
        zero = jnp.zeros((_L,), jnp.float32)

        def initc(c, carry):
            pen_v[pl.ds(c * _L, _L)] = zero
            return carry

        lax.fori_loop(0, _NCH, initc, 0, unroll=8)

        big_i = jnp.full((_L,), jnp.int32(2 ** 30))
        inf_f = jnp.full((_L,), jnp.float32(jnp.inf))

        def argmin_row(blk, r):
            def chunks(cc, carry):
                minv, mini = carry
                for u in range(_UNROLL):
                    c = cc * _UNROLL + u
                    v = blk[r, pl.ds(c * _L, _L)] + pen_v[pl.ds(c * _L, _L)]
                    idx = lane + c * _L
                    upd = v < minv
                    minv = jnp.where(upd, v, minv)
                    mini = jnp.where(upd, idx, mini)
                return minv, mini

            minv, mini = lax.fori_loop(0, _NCH // _UNROLL, chunks,
                                       (inf_f, big_i))
            gmin = _allmin(minv, lane)
            cand = jnp.where(minv == gmin, mini, big_i)
            jv = _allmin(cand, lane)
            return gmin, jnp.min(jv)

        def poll(slot):
            def cond(v):
                return v == 0

            def body(v):
                return plsc.fetch_and_add(inbox.at[slot], 0, subcore_id=sid)

            first = plsc.fetch_and_add(inbox.at[slot], 0, subcore_id=sid)
            val = lax.while_loop(cond, body, first)
            inbox[slot] = 0
            return val - 1

        def mask_col(js):
            plsc.store_scatter(pen_v, [jnp.full((_L,), js)], inf_f,
                               mask=(lane == 0))

        def do_row(blk, r, i, total):
            gmin, js = argmin_row(blk, r)

            def with_recv(args):
                gmin, js = args
                jprev = poll(((i - 1) >> 1) & 1)
                mask_col(jprev)
                return lax.cond(js == jprev,
                                lambda _: argmin_row(blk, r),
                                lambda a: a, (gmin, js))

            gmin, js = lax.cond(i > 0, with_recv, lambda a: a, (gmin, js))
            plsc.fetch_and_add(inbox.at[(i >> 1) & 1], js + 1,
                               subcore_id=partner)
            mask_col(js)
            plsc.store_scatter(sel_v, [jnp.full((_L,), i)], gmin,
                               mask=(lane == 0))
            return total

        def fetch(bidx, blk, sem):
            pltpu.make_async_copy(
                cost_hbm.at[batch, pl.ds(bidx * _RPB, _RPB)], blk,
                sem).start()

        def drain(blk, sem):
            pltpu.make_async_copy(
                cost_hbm.at[batch, pl.ds(0, _RPB)], blk, sem).wait()

        fetch(0, blk0, sem0)
        fetch(1, blk1, sem1)

        def rows(blk, base, total):
            def one(rl, t):
                r = 2 * rl + role
                return do_row(blk, r, base + r, t)

            return lax.fori_loop(0, _RPB // 2, one, total)

        def pair(pb, total):
            i0 = 2 * pb * _RPB
            drain(blk0, sem0)
            total = rows(blk0, i0, total)

            @pl.when(2 * pb + 2 < _NBLK)
            def _():
                fetch(2 * pb + 2, blk0, sem0)

            drain(blk1, sem1)
            total = rows(blk1, i0 + _RPB, total)

            @pl.when(2 * pb + 3 < _NBLK)
            def _():
                fetch(2 * pb + 3, blk1, sem1)

            return total

        lax.fori_loop(0, _NBLK // 2, pair, 0)
        pltpu.sync_copy(sel_v, out_hbm.at[cid * _B + sid])


def _build_cost(pred, target_t):
    return pl.pallas_call(
        _cost_tc_kernel,
        grid=(_B, _N // _RB),
        in_specs=[
            pl.BlockSpec((1, _RB, 3), lambda b, r: (b, r, 0)),
            pl.BlockSpec((1, 3, _N), lambda b, r: (b, 0, 0)),
        ],
        out_specs=pl.BlockSpec((1, _RB, _N), lambda b, r: (b, r, 0)),
        out_shape=jax.ShapeDtypeStruct((_B, _N, _N), jnp.float32),
    )(pred, target_t)


def _run_greedy(cost):
    mesh = plsc.VectorSubcoreMesh(core_axis_name="c", subcore_axis_name="s",
                                  num_cores=_NC, num_subcores=_NS)
    return pl.kernel(
        _greedy_sc_body,
        out_type=jax.ShapeDtypeStruct((2 * _B, _N), jnp.float32),
        mesh=mesh,
        scratch_types=[
            pltpu.VMEM((_RPB, _N), jnp.float32),
            pltpu.VMEM((_RPB, _N), jnp.float32),
            pltpu.VMEM((_N,), jnp.float32),
            pltpu.VMEM((_N,), jnp.float32),
            pltpu.SMEM((2,), jnp.int32),
            pltpu.SemaphoreType.DMA,
            pltpu.SemaphoreType.DMA,
        ],
        compiler_params=pltpu.CompilerParams(needs_layout_passes=False),
    )(cost)


def _fold_tc_kernel(x_ref, o_ref):
    def body(i, acc):
        return acc + x_ref[pl.ds(i, 1), :]

    o_ref[...] = lax.fori_loop(0, _N, body, jnp.zeros((1, _B), jnp.float32))


def _fold(sel_t):
    return pl.pallas_call(
        _fold_tc_kernel,
        out_shape=jax.ShapeDtypeStruct((1, _B), jnp.float32),
    )(sel_t)


@jax.jit
def kernel(pred, target):
    target_t = jnp.transpose(target, (0, 2, 1))
    cost = _build_cost(pred, target_t)
    sel = _run_greedy(cost)
    pair = sel.reshape(_B, 2, _N)
    col = jnp.arange(_N)[None, :]
    merged = jnp.where(col % 2 == 0, pair[:, 0, :], pair[:, 1, :])
    totals = _fold(merged.T)[0]
    return jnp.mean(totals / _N)

# --- scband reference (transcript-rebuilt; emitter-appended) ---
"""Pipeline reference for scband-emdloss-45475113730205 (READ-ONLY COPY).

The authoritative reference and input builder live on the scoring server;
editing this copy changes nothing except your own understanding.
"""

import jax, jax.numpy as jnp
import numpy as np


def setup_inputs(seed: int = 0) -> dict:
    key = jax.random.key(seed)
    k1, k2 = jax.random.split(key)
    pred = jax.random.normal(k1, (8, 2048, 3), dtype=jnp.float32)
    target = jax.random.normal(k2, (8, 2048, 3), dtype=jnp.float32)
    return {"pred": pred, "target": target}


def _cdist(a, b):
    # torch.cdist(p=2) equivalent: batched pairwise euclidean distance
    a2 = jnp.sum(a * a, axis=-1)
    b2 = jnp.sum(b * b, axis=-1)
    d2 = a2[:, :, None] + b2[:, None, :] - 2.0 * jnp.einsum('bnd,bmd->bnm', a, b)
    return jnp.sqrt(jnp.maximum(d2, 1e-12))


def _greedy_emd(pred, target):
    # Faithful translation of the greedy nearest-unused-target assignment:
    # for each source point i in order, pick the min-cost target j not yet used.
    B, N, _ = pred.shape
    cost = _cdist(pred, target)  # [B, N, N]
    batch_idx = jnp.arange(B)

    def body(carry, i):
        used_mask, total = carry  # used_mask: [B, N] bool, total: [B]
        row = jax.lax.dynamic_slice_in_dim(cost, i, 1, axis=1)[:, 0, :]  # [B, N]
        masked = jnp.where(used_mask, jnp.inf, row)
        j = jnp.argmin(masked, axis=-1)  # [B]
        min_cost = jnp.take_along_axis(row, j[:, None], axis=-1)[:, 0]  # [B]
        used_mask = used_mask.at[batch_idx, j].set(True)
        return (used_mask, total + min_cost), None

    init = (jnp.zeros((B, N), dtype=bool), jnp.zeros((B,), dtype=cost.dtype))
    (_, total), _ = jax.lax.scan(body, init, jnp.arange(N))
    return total / N  # [B]


def reference(pred, target):
    emd = _greedy_emd(pred, target)
    return jnp.mean(emd)

if __name__ == "__main__":
    import jax
    _d = setup_inputs()
    print(jax.jit(kernel)(*tuple(_d.values())))

</pallas_src>

<mosaic_0001>
#map = affine_map<(d0, d1) -> (0, 0, 0)>
#map1 = affine_map<(d0, d1) -> (0, 0)>
module attributes {stable_mosaic.version = 14 : i64} {
  func.func @_greedy_sc_body(%arg0: i32, %arg1: i32, %arg2: memref<8x2048x2048xf32, #tpu.memory_space<hbm>>, %arg3: memref<16x2048xf32, #tpu.memory_space<hbm>>, %arg4: memref<16x2048xf32, #tpu.memory_space<vmem>>, %arg5: memref<16x2048xf32, #tpu.memory_space<vmem>>, %arg6: memref<2048xf32, #tpu.memory_space<vmem>>, %arg7: memref<2048xf32, #tpu.memory_space<vmem>>, %arg8: memref<2xi32, #tpu.memory_space<smem>>, %arg9: memref<!tpu.dma_semaphore, #tpu.memory_space<semaphore_mem>>, %arg10: memref<!tpu.dma_semaphore, #tpu.memory_space<semaphore_mem>>) attributes {dimension_semantics = [#tpu.dimension_semantics<core_parallel>, #tpu.dimension_semantics<subcore_parallel>], iteration_bounds = array<i64: 2, 16>, scalar_prefetch = 0 : i64, scratch_operands = 7 : i64, tpu.core_type = #tpu.core_type<sc_vector_subcore>, window_params = [{transform_indices = #map}, {transform_indices = #map1}]} {
    %lt3A = arith.constant 8 : i32
    %lt3A_0 = arith.cmpi slt, %arg1, %lt3A : i32
    %mul3A = arith.constant 4 : i32
    %mul3A_1 = arith.muli %arg0, %mul3A : i32
    %jit3A = arith.constant 2 : i32
    %div3A = arith.divsi %arg1, %jit3A : i32
    %sign3A = arith.constant 0 : i32
    %sign3A_2 = arith.cmpi sgt, %arg1, %sign3A : i32
    %sign3A_3 = arith.extui %sign3A_2 : i1 to i32
    %sign3A_4 = arith.constant 0 : i32
    %sign3A_5 = arith.cmpi slt, %arg1, %sign3A_4 : i32
    %sign3A_6 = arith.extui %sign3A_5 : i1 to i32
    %sign3A_7 = arith.subi %sign3A_3, %sign3A_6 : i32
    %sign3A_8 = arith.constant 0 : i32
    %sign3A_9 = arith.cmpi sgt, %jit3A, %sign3A_8 : i32
    %sign3A_10 = arith.extui %sign3A_9 : i1 to i32
    %sign3A_11 = arith.constant 0 : i32
    %sign3A_12 = arith.cmpi slt, %jit3A, %sign3A_11 : i32
    %sign3A_13 = arith.extui %sign3A_12 : i1 to i32
    %sign3A_14 = arith.subi %sign3A_10, %sign3A_13 : i32
    %ne3A = arith.cmpi ne, %sign3A_7, %sign3A_14 : i32
    %rem3A = arith.remsi %arg1, %jit3A : i32
    %ne3A_15 = arith.constant 0 : i32
    %ne3A_16 = arith.cmpi ne, %rem3A, %ne3A_15 : i32
    %and3A = arith.andi %ne3A, %ne3A_16 : i1
    %sub3A = arith.constant 1 : i32
    %sub3A_17 = arith.subi %div3A, %sub3A : i32
    %select_n3A = arith.select %and3A, %sub3A_17, %div3A : i32
    %add3A = arith.addi %mul3A_1, %select_n3A : i32
    %and3A_18 = arith.constant 1 : i32
    %and3A_19 = arith.andi %arg1, %and3A_18 : i32
    %xor3A = arith.constant 1 : i32
    %xor3A_20 = arith.xori %arg1, %xor3A : i32
    %convert_element_type3A = arith.extui %lt3A_0 : i1 to i32
    %cond3A = arith.constant 0 : i32
    %cond3A_21 = arith.cmpi ne, %convert_element_type3A, %cond3A : i32
    scf.if %cond3A_21 {
      %swap3A = arith.constant 0 : i32
      %swap3A_25 = arith.constant 0 : i32
      %swap3A_26 = arith.index_cast %swap3A_25 : i32 to index
      %swap3A_27 = memref.load %arg8[%swap3A_26] : memref<2xi32, #tpu.memory_space<smem>>
      memref.store %swap3A, %arg8[%swap3A_26] : memref<2xi32, #tpu.memory_space<smem>>
      %swap3A_28 = arith.constant 0 : i32
      %swap3A_29 = arith.constant 1 : i32
      %swap3A_30 = arith.index_cast %swap3A_29 : i32 to index
      %swap3A_31 = memref.load %arg8[%swap3A_30] : memref<2xi32, #tpu.memory_space<smem>>
      memref.store %swap3A_28, %arg8[%swap3A_30] : memref<2xi32, #tpu.memory_space<smem>>
    } else {
    }
    %barrier3A = arith.constant 0 : index
    tpu.barrier barrier_id(%barrier3A)
    %convert_element_type3A_22 = arith.extui %lt3A_0 : i1 to i32
    %cond3A_23 = arith.constant 0 : i32
    %cond3A_24 = arith.cmpi ne, %convert_element_type3A_22, %cond3A_23 : i32
    scf.if %cond3A_24 {
      %iota3A = tpu.iota {dimensions = array<i32: 0>} : vector<16xi32>
      %broadcast_in_dim3A = arith.constant 0.000000e+00 : f32
      %broadcast_in_dim3A_25 = vector.broadcast %broadcast_in_dim3A : f32 to vector<16xf32>
      %scan3A = arith.constant 0 : i32
      %scan3A_26 = arith.constant 0 : i32
      %scan3A_27 = arith.constant 128 : i32
      %scan3A_28 = arith.addi %scan3A_26, %scan3A_27 : i32
      %scan3A_29 = arith.constant 8 : i32
      scf.for %scan3A_59 = %scan3A_26 to %scan3A_28 step %scan3A_29  : i32 {
        %mul3A_60 = arith.constant 16 : i32
        %mul3A_61 = arith.muli %scan3A_59, %mul3A_60 : i32
        %swap3A = arith.index_cast %mul3A_61 : i32 to index
        %swap3A_62 = tpu.vector_load %arg6[%swap3A] {strides = array<i32>} : memref<2048xf32, #tpu.memory_space<vmem>>, vector<16xf32>,
        tpu.vector_store %arg6[%swap3A], %broadcast_in_dim3A_25 {strides = array<i32>} : memref<2048xf32, #tpu.memory_space<vmem>>, vector<16xf32>,
        %scan3A_63 = arith.constant 1 : i32
        %scan3A_64 = arith.addi %scan3A_59, %scan3A_63 : i32
        %mul3A_65 = arith.constant 16 : i32
        %mul3A_66 = arith.muli %scan3A_64, %mul3A_65 : i32
        %swap3A_67 = arith.index_cast %mul3A_66 : i32 to index
        %swap3A_68 = tpu.vector_load %arg6[%swap3A_67] {strides = array<i32>} : memref<2048xf32, #tpu.memory_space<vmem>>, vector<16xf32>,
        tpu.vector_store %arg6[%swap3A_67], %broadcast_in_dim3A_25 {strides = array<i32>} : memref<2048xf32, #tpu.memory_space<vmem>>, vector<16xf32>,
        %scan3A_69 = arith.constant 2 : i32
        %scan3A_70 = arith.addi %scan3A_59, %scan3A_69 : i32
        %mul3A_71 = arith.constant 16 : i32
        %mul3A_72 = arith.muli %scan3A_70, %mul3A_71 : i32
        %swap3A_73 = arith.index_cast %mul3A_72 : i32 to index
        %swap3A_74 = tpu.vector_load %arg6[%swap3A_73] {strides = array<i32>} : memref<2048xf32, #tpu.memory_space<vmem>>, vector<16xf32>,
        tpu.vector_store %arg6[%swap3A_73], %broadcast_in_dim3A_25 {strides = array<i32>} : memref<2048xf32, #tpu.memory_space<vmem>>, vector<16xf32>,
        %scan3A_75 = arith.constant 3 : i32
        %scan3A_76 = arith.addi %scan3A_59, %scan3A_75 : i32
        %mul3A_77 = arith.constant 16 : i32
        %mul3A_78 = arith.muli %scan3A_76, %mul3A_77 : i32
        %swap3A_79 = arith.index_cast %mul3A_78 : i32 to index
        %swap3A_80 = tpu.vector_load %arg6[%swap3A_79] {strides = array<i32>} : memref<2048xf32, #tpu.memory_space<vmem>>, vector<16xf32>,
        tpu.vector_store %arg6[%swap3A_79], %broadcast_in_dim3A_25 {strides = array<i32>} : memref<2048xf32, #tpu.memory_space<vmem>>, vector<16xf32>,
        %scan3A_81 = arith.constant 4 : i32
        %scan3A_82 = arith.addi %scan3A_59, %scan3A_81 : i32
        %mul3A_83 = arith.constant 16 : i32
        %mul3A_84 = arith.muli %scan3A_82, %mul3A_83 : i32
        %swap3A_85 = arith.index_cast %mul3A_84 : i32 to index
        %swap3A_86 = tpu.vector_load %arg6[%swap3A_85] {strides = array<i32>} : memref<2048xf32, #tpu.memory_space<vmem>>, vector<16xf32>,
        tpu.vector_store %arg6[%swap3A_85], %broadcast_in_dim3A_25 {strides = array<i32>} : memref<2048xf32, #tpu.memory_space<vmem>>, vector<16xf32>,
        %scan3A_87 = arith.constant 5 : i32
        %scan3A_88 = arith.addi %scan3A_59, %scan3A_87 : i32
        %mul3A_89 = arith.constant 16 : i32
        %mul3A_90 = arith.muli %scan3A_88, %mul3A_89 : i32
        %swap3A_91 = arith.index_cast %mul3A_90 : i32 to index
        %swap3A_92 = tpu.vector_load %arg6[%swap3A_91] {strides = array<i32>} : memref<2048xf32, #tpu.memory_space<vmem>>, vector<16xf32>,
        tpu.vector_store %arg6[%swap3A_91], %broadcast_in_dim3A_25 {strides = array<i32>} : memref<2048xf32, #tpu.memory_space<vmem>>, vector<16xf32>,
        %scan3A_93 = arith.constant 6 : i32
        %scan3A_94 = arith.addi %scan3A_59, %scan3A_93 : i32
        %mul3A_95 = arith.constant 16 : i32
        %mul3A_96 = arith.muli %scan3A_94, %mul3A_95 : i32
        %swap3A_97 = arith.index_cast %mul3A_96 : i32 to index
        %swap3A_98 = tpu.vector_load %arg6[%swap3A_97] {strides = array<i32>} : memref<2048xf32, #tpu.memory_space<vmem>>, vector<16xf32>,
        tpu.vector_store %arg6[%swap3A_97], %broadcast_in_dim3A_25 {strides = array<i32>} : memref<2048xf32, #tpu.memory_space<vmem>>, vector<16xf32>,
        %scan3A_99 = arith.constant 7 : i32
        %scan3A_100 = arith.addi %scan3A_59, %scan3A_99 : i32
        %mul3A_101 = arith.constant 16 : i32
        %mul3A_102 = arith.muli %scan3A_100, %mul3A_101 : i32
        %swap3A_103 = arith.index_cast %mul3A_102 : i32 to index
        %swap3A_104 = tpu.vector_load %arg6[%swap3A_103] {strides = array<i32>} : memref<2048xf32, #tpu.memory_space<vmem>>, vector<16xf32>,
        tpu.vector_store %arg6[%swap3A_103], %broadcast_in_dim3A_25 {strides = array<i32>} : memref<2048xf32, #tpu.memory_space<vmem>>, vector<16xf32>,
      }
      %scan3A_30 = arith.constant 128 : i32
      %broadcast_in_dim3A_31 = arith.constant 1073741824 : i32
      %broadcast_in_dim3A_32 = vector.broadcast %broadcast_in_dim3A_31 : i32 to vector<16xi32>
      %broadcast_in_dim3A_33 = arith.constant 0x7F800000 : f32
      %broadcast_in_dim3A_34 = vector.broadcast %broadcast_in_dim3A_33 : f32 to vector<16xf32>
      %dma_start3A = arith.constant 0 : i32
      %dma_start3A_35 = arith.constant 0 : i32
      %dma_start3A_36 = tpu.memref_slice %arg2[%add3A, %dma_start3A, %dma_start3A_35] : memref<8x2048x2048xf32, #tpu.memory_space<hbm>> -> memref<1x16x2048xf32, #tpu.memory_space<hbm>>
      %dma_start3A_37 = tpu.memref_squeeze %dma_start3A_36 : memref<1x16x2048xf32, #tpu.memory_space<hbm>> -> memref<16x2048xf32, #tpu.memory_space<hbm>>
      %dma_start3A_38 = arith.constant 0 : i32
      %dma_start3A_39 = arith.constant 0 : i32
      %dma_start3A_40 = tpu.memref_slice %arg2[%add3A, %dma_start3A_38, %dma_start3A_39] : memref<8x2048x2048xf32, #tpu.memory_space<hbm>> -> memref<1x16x2048xf32, #tpu.memory_space<hbm>>
      %dma_start3A_41 = tpu.memref_squeeze %dma_start3A_40 : memref<1x16x2048xf32, #tpu.memory_space<hbm>> -> memref<16x2048xf32, #tpu.memory_space<hbm>>
      tpu.enqueue_dma source(%dma_start3A_41 : memref<16x2048xf32, #tpu.memory_space<hbm>>) target(%arg4 : memref<16x2048xf32, #tpu.memory_space<vmem>>) target_semaphore(%arg9 : memref<!tpu.dma_semaphore, #tpu.memory_space<semaphore_mem>>)
      %dma_start3A_42 = arith.constant 16 : i32
      %dma_start3A_43 = arith.constant 0 : i32
      %dma_start3A_44 = tpu.memref_slice %arg2[%add3A, %dma_start3A_42, %dma_start3A_43] : memref<8x2048x2048xf32, #tpu.memory_space<hbm>> -> memref<1x16x2048xf32, #tpu.memory_space<hbm>>
      %dma_start3A_45 = tpu.memref_squeeze %dma_start3A_44 : memref<1x16x2048xf32, #tpu.memory_space<hbm>> -> memref<16x2048xf32, #tpu.memory_space<hbm>>
      %dma_start3A_46 = arith.constant 16 : i32
      %dma_start3A_47 = arith.constant 0 : i32
      %dma_start3A_48 = tpu.memref_slice %arg2[%add3A, %dma_start3A_46, %dma_start3A_47] : memref<8x2048x2048xf32, #tpu.memory_space<hbm>> -> memref<1x16x2048xf32, #tpu.memory_space<hbm>>
      %dma_start3A_49 = tpu.memref_squeeze %dma_start3A_48 : memref<1x16x2048xf32, #tpu.memory_space<hbm>> -> memref<16x2048xf32, #tpu.memory_space<hbm>>
      tpu.enqueue_dma source(%dma_start3A_49 : memref<16x2048xf32, #tpu.memory_space<hbm>>) target(%arg5 : memref<16x2048xf32, #tpu.memory_space<vmem>>) target_semaphore(%arg10 : memref<!tpu.dma_semaphore, #tpu.memory_space<semaphore_mem>>)
      %scan3A_50 = arith.constant 0 : i32
      %scan3A_51 = arith.constant 0 : i32
      %scan3A_52 = arith.constant 64 : i32
      %scan3A_53 = arith.addi %scan3A_51, %scan3A_52 : i32
      %scan3A_54 = arith.constant 1 : i32
      scf.for %scan3A_59 = %scan3A_51 to %scan3A_53 step %scan3A_54  : i32 {
        %mul3A_60 = arith.constant 2 : i32
        %mul3A_61 = arith.muli %mul3A_60, %scan3A_59 : i32
        %mul3A_62 = arith.constant 16 : i32
        %mul3A_63 = arith.muli %mul3A_61, %mul3A_62 : i32
        %dma_wait3A = arith.constant 0 : i32
        %dma_wait3A_64 = arith.constant 0 : i32
        %dma_wait3A_65 = tpu.memref_slice %arg2[%add3A, %dma_wait3A, %dma_wait3A_64] : memref<8x2048x2048xf32, #tpu.memory_space<hbm>> -> memref<1x16x2048xf32, #tpu.memory_space<hbm>>
        %dma_wait3A_66 = tpu.memref_squeeze %dma_wait3A_65 : memref<1x16x2048xf32, #tpu.memory_space<hbm>> -> memref<16x2048xf32, #tpu.memory_space<hbm>>
        %dma_wait3A_67 = arith.constant 0 : i32
        %dma_wait3A_68 = arith.constant 0 : i32
        %dma_wait3A_69 = tpu.memref_slice %arg2[%add3A, %dma_wait3A_67, %dma_wait3A_68] : memref<8x2048x2048xf32, #tpu.memory_space<hbm>> -> memref<1x16x2048xf32, #tpu.memory_space<hbm>>
        %dma_wait3A_70 = tpu.memref_squeeze %dma_wait3A_69 : memref<1x16x2048xf32, #tpu.memory_space<hbm>> -> memref<16x2048xf32, #tpu.memory_space<hbm>>
        tpu.wait_dma2 semaphore(%arg9 : memref<!tpu.dma_semaphore, #tpu.memory_space<semaphore_mem>>) src(%dma_wait3A_70 : memref<16x2048xf32, #tpu.memory_space<hbm>>) dst(%arg4 : memref<16x2048xf32, #tpu.memory_space<vmem>>)
        %scan3A_71 = arith.constant 0 : i32
        %scan3A_72 = arith.constant 8 : i32
        %scan3A_73 = arith.addi %scan3A_71, %scan3A_72 : i32
        %scan3A_74 = arith.constant 1 : i32
        scf.for %scan3A_109 = %scan3A_71 to %scan3A_73 step %scan3A_74  : i32 {
          %mul3A_110 = arith.constant 2 : i32
          %mul3A_111 = arith.muli %mul3A_110, %scan3A_109 : i32
          %add3A_112 = arith.addi %mul3A_111, %and3A_19 : i32
          %add3A_113 = arith.addi %mul3A_63, %add3A_112 : i32
          %scan3A_114 = arith.constant 0 : i32
          %scan3A_115 = arith.constant 8 : i32
          %scan3A_116 = arith.addi %scan3A_114, %scan3A_115 : i32
          %scan3A_117 = arith.constant 1 : i32
          %scan3A_118:2 = scf.for %scan3A_200 = %scan3A_114 to %scan3A_116 step %scan3A_117 iter_args(%scan3A_201 = %broadcast_in_dim3A_34, %scan3A_202 = %broadcast_in_dim3A_32) -> (vector<16xf32>, vector<16xi32>)  : i32 {
            %mul3A_203 = arith.constant 16 : i32
            %mul3A_204 = arith.muli %scan3A_200, %mul3A_203 : i32
            %add3A_205 = arith.constant 0 : i32
            %add3A_206 = arith.addi %mul3A_204, %add3A_205 : i32
            %mul3A_207 = arith.constant 16 : i32
            %mul3A_208 = arith.muli %add3A_206, %mul3A_207 : i32
            %get3A = arith.index_cast %add3A_112 : i32 to index
            %get3A_209 = arith.index_cast %mul3A_208 : i32 to index
            %get3A_210 = tpu.vector_load %arg4[%get3A, %get3A_209] {strides = array<i32>} : memref<16x2048xf32, #tpu.memory_space<vmem>>, vector<16xf32>,
            %mul3A_211 = arith.constant 16 : i32
            %mul3A_212 = arith.muli %add3A_206, %mul3A_211 : i32
            %get3A_213 = arith.index_cast %mul3A_212 : i32 to index
            %get3A_214 = tpu.vector_load %arg6[%get3A_213] {strides = array<i32>} : memref<2048xf32, #tpu.memory_space<vmem>>, vector<16xf32>,
            %add3A_215 = arith.addf %get3A_210, %get3A_214 : vector<16xf32>
            %mul3A_216 = arith.constant 16 : i32
            %mul3A_217 = arith.muli %add3A_206, %mul3A_216 : i32
            %add3A_218 = vector.broadcast %mul3A_217 : i32 to vector<16xi32>
            %add3A_219 = arith.addi %iota3A, %add3A_218 : vector<16xi32>
            %lt3A_220 = arith.cmpf olt, %add3A_215, %scan3A_201 : vector<16xf32>
            %select_n3A_221 = arith.select %lt3A_220, %add3A_215, %scan3A_201 : vector<16xi1>, vector<16xf32>
            %select_n3A_222 = arith.select %lt3A_220, %add3A_219, %scan3A_202 : vector<16xi1>, vector<16xi32>
            %mul3A_223 = arith.constant 16 : i32
            %mul3A_224 = arith.muli %scan3A_200, %mul3A_223 : i32
            %add3A_225 = arith.constant 1 : i32
            %add3A_226 = arith.addi %mul3A_224, %add3A_225 : i32
            %mul3A_227 = arith.constant 16 : i32
            %mul3A_228 = arith.muli %add3A_226, %mul3A_227 : i32
            %get3A_229 = arith.index_cast %add3A_112 : i32 to index
            %get3A_230 = arith.index_cast %mul3A_228 : i32 to index
            %get3A_231 = tpu.vector_load %arg4[%get3A_229, %get3A_230] {strides = array<i32>} : memref<16x2048xf32, #tpu.memory_space<vmem>>, vector<16xf32>,
            %mul3A_232 = arith.constant 16 : i32
            %mul3A_233 = arith.muli %add3A_226, %mul3A_232 : i32
            %get3A_234 = arith.index_cast %mul3A_233 : i32 to index
            %get3A_235 = tpu.vector_load %arg6[%get3A_234] {strides = array<i32>} : memref<2048xf32, #tpu.memory_space<vmem>>, vector<16xf32>,
            %add3A_236 = arith.addf %get3A_231, %get3A_235 : vector<16xf32>
            %mul3A_237 = arith.constant 16 : i32
            %mul3A_238 = arith.muli %add3A_226, %mul3A_237 : i32
            %add3A_239 = vector.broadcast %mul3A_238 : i32 to vector<16xi32>
            %add3A_240 = arith.addi %iota3A, %add3A_239 : vector<16xi32>
            %lt3A_241 = arith.cmpf olt, %add3A_236, %select_n3A_221 : vector<16xf32>
            %select_n3A_242 = arith.select %lt3A_241, %add3A_236, %select_n3A_221 : vector<16xi1>, vector<16xf32>
            %select_n3A_243 = arith.select %lt3A_241, %add3A_240, %select_n3A_222 : vector<16xi1>, vector<16xi32>
            %mul3A_244 = arith.constant 16 : i32
            %mul3A_245 = arith.muli %scan3A_200, %mul3A_244 : i32
            %add3A_246 = arith.constant 2 : i32
            %add3A_247 = arith.addi %mul3A_245, %add3A_246 : i32
            %mul3A_248 = arith.constant 16 : i32
            %mul3A_249 = arith.muli %add3A_247, %mul3A_248 : i32
            %get3A_250 = arith.index_cast %add3A_112 : i32 to index
            %get3A_251 = arith.index_cast %mul3A_249 : i32 to index
            %get3A_252 = tpu.vector_load %arg4[%get3A_250, %get3A_251] {strides = array<i32>} : memref<16x2048xf32, #tpu.memory_space<vmem>>, vector<16xf32>,
            %mul3A_253 = arith.constant 16 : i32
            %mul3A_254 = arith.muli %add3A_247, %mul3A_253 : i32
            %get3A_255 = arith.index_cast %mul3A_254 : i32 to index
            %get3A_256 = tpu.vector_load %arg6[%get3A_255] {strides = array<i32>} : memref<2048xf32, #tpu.memory_space<vmem>>, vector<16xf32>,
            %add3A_257 = arith.addf %get3A_252, %get3A_256 : vector<16xf32>
            %mul3A_258 = arith.constant 16 : i32
            %mul3A_259 = arith.muli %add3A_247, %mul3A_258 : i32
            %add3A_260 = vector.broadcast %mul3A_259 : i32 to vector<16xi32>
            %add3A_261 = arith.addi %iota3A, %add3A_260 : vector<16xi32>
            %lt3A_262 = arith.cmpf olt, %add3A_257, %select_n3A_242 : vector<16xf32>
            %select_n3A_263 = arith.select %lt3A_262, %add3A_257, %select_n3A_242 : vector<16xi1>, vector<16xf32>
            %select_n3A_264 = arith.select %lt3A_262, %add3A_261, %select_n3A_243 : vector<16xi1>, vector<16xi32>
            %mul3A_265 = arith.constant 16 : i32
            %mul3A_266 = arith.muli %scan3A_200, %mul3A_265 : i32
            %add3A_267 = arith.constant 3 : i32
            %add3A_268 = arith.addi %mul3A_266, %add3A_267 : i32
            %mul3A_269 = arith.constant 16 : i32
            %mul3A_270 = arith.muli %add3A_268, %mul3A_269 : i32
            %get3A_271 = arith.index_cast %add3A_112 : i32 to index
            %get3A_272 = arith.index_cast %mul3A_270 : i32 to index
            %get3A_273 = tpu.vector_load %arg4[%get3A_271, %get3A_272] {strides = array<i32>} : memref<16x2048xf32, #tpu.memory_space<vmem>>, vector<16xf32>,
            %mul3A_274 = arith.constant 16 : i32
            %mul3A_275 = arith.muli %add3A_268, %mul3A_274 : i32
            %get3A_276 = arith.index_cast %mul3A_275 : i32 to index
            %get3A_277 = tpu.vector_load %arg6[%get3A_276] {strides = array<i32>} : memref<2048xf32, #tpu.memory_space<vmem>>, vector<16xf32>,
            %add3A_278 = arith.addf %get3A_273, %get3A_277 : vector<16xf32>
            %mul3A_279 = arith.constant 16 : i32
            %mul3A_280 = arith.muli %add3A_268, %mul3A_279 : i32
            %add3A_281 = vector.broadcast %mul3A_280 : i32 to vector<16xi32>
            %add3A_282 = arith.addi %iota3A, %add3A_281 : vector<16xi32>
            %lt3A_283 = arith.cmpf olt, %add3A_278, %select_n3A_263 : vector<16xf32>
            %select_n3A_284 = arith.select %lt3A_283, %add3A_278, %select_n3A_263 : vector<16xi1>, vector<16xf32>
            %select_n3A_285 = arith.select %lt3A_283, %add3A_282, %select_n3A_264 : vector<16xi1>, vector<16xi32>
            %mul3A_286 = arith.constant 16 : i32
            %mul3A_287 = arith.muli %scan3A_200, %mul3A_286 : i32
            %add3A_288 = arith.constant 4 : i32
            %add3A_289 = arith.addi %mul3A_287, %add3A_288 : i32
            %mul3A_290 = arith.constant 16 : i32
            %mul3A_291 = arith.muli %add3A_289, %mul3A_290 : i32
            %get3A_292 = arith.index_cast %add3A_112 : i32 to index
            %get3A_293 = arith.index_cast %mul3A_291 : i32 to index
            %get3A_294 = tpu.vector_load %arg4[%get3A_292, %get3A_293] {strides = array<i32>} : memref<16x2048xf32, #tpu.memory_space<vmem>>, vector<16xf32>,
            %mul3A_295 = arith.constant 16 : i32
            %mul3A_296 = arith.muli %add3A_289, %mul3A_295 : i32
            %get3A_297 = arith.index_cast %mul3A_296 : i32 to index
            %get3A_298 = tpu.vector_load %arg6[%get3A_297] {strides = array<i32>} : memref<2048xf32, #tpu.memory_space<vmem>>, vector<16xf32>,
            %add3A_299 = arith.addf %get3A_294, %get3A_298 : vector<16xf32>
            %mul3A_300 = arith.constant 16 : i32
            %mul3A_301 = arith.muli %add3A_289, %mul3A_300 : i32
            %add3A_302 = vector.broadcast %mul3A_301 : i32 to vector<16xi32>
            %add3A_303 = arith.addi %iota3A, %add3A_302 : vector<16xi32>
            %lt3A_304 = arith.cmpf olt, %add3A_299, %select_n3A_284 : vector<16xf32>
            %select_n3A_305 = arith.select %lt3A_304, %add3A_299, %select_n3A_284 : vector<16xi1>, vector<16xf32>
            %select_n3A_306 = arith.select %lt3A_304, %add3A_303, %select_n3A_285 : vector<16xi1>, vector<16xi32>
            %mul3A_307 = arith.constant 16 : i32
            %mul3A_308 = arith.muli %scan3A_200, %mul3A_307 : i32
            %add3A_309 = arith.constant 5 : i32
            %add3A_310 = arith.addi %mul3A_308, %add3A_309 : i32
            %mul3A_311 = arith.constant 16 : i32
            %mul3A_312 = arith.muli %add3A_310, %mul3A_311 : i32
            %get3A_313 = arith.index_cast %add3A_112 : i32 to index
            %get3A_314 = arith.index_cast %mul3A_312 : i32 to index
            %get3A_315 = tpu.vector_load %arg4[%get3A_313, %get3A_314] {strides = array<i32>} : memref<16x2048xf32, #tpu.memory_space<vmem>>, vector<16xf32>,
            %mul3A_316 = arith.constant 16 : i32
            %mul3A_317 = arith.muli %add3A_310, %mul3A_316 : i32
            %get3A_318 = arith.index_cast %mul3A_317 : i32 to index
            %get3A_319 = tpu.vector_load %arg6[%get3A_318] {strides = array<i32>} : memref<2048xf32, #tpu.memory_space<vmem>>, vector<16xf32>,
            %add3A_320 = arith.addf %get3A_315, %get3A_319 : vector<16xf32>
            %mul3A_321 = arith.constant 16 : i32
            %mul3A_322 = arith.muli %add3A_310, %mul3A_321 : i32
            %add3A_323 = vector.broadcast %mul3A_322 : i32 to vector<16xi32>
            %add3A_324 = arith.addi %iota3A, %add3A_323 : vector<16xi32>
            %lt3A_325 = arith.cmpf olt, %add3A_320, %select_n3A_305 : vector<16xf32>
            %select_n3A_326 = arith.select %lt3A_325, %add3A_320, %select_n3A_305 : vector<16xi1>, vector<16xf32>
            %select_n3A_327 = arith.select %lt3A_325, %add3A_324, %select_n3A_306 : vector<16xi1>, vector<16xi32>
            %mul3A_328 = arith.constant 16 : i32
            %mul3A_329 = arith.muli %scan3A_200, %mul3A_328 : i32
            %add3A_330 = arith.constant 6 : i32
            %add3A_331 = arith.addi %mul3A_329, %add3A_330 : i32
            %mul3A_332 = arith.constant 16 : i32
            %mul3A_333 = arith.muli %add3A_331, %mul3A_332 : i32
            %get3A_334 = arith.index_cast %add3A_112 : i32 to index
            %get3A_335 = arith.index_cast %mul3A_333 : i32 to index
            %get3A_336 = tpu.vector_load %arg4[%get3A_334, %get3A_335] {strides = array<i32>} : memref<16x2048xf32, #tpu.memory_space<vmem>>, vector<16xf32>,
            %mul3A_337 = arith.constant 16 : i32
            %mul3A_338 = arith.muli %add3A_331, %mul3A_337 : i32
            %get3A_339 = arith.index_cast %mul3A_338 : i32 to index
            %get3A_340 = tpu.vector_load %arg6[%get3A_339] {strides = array<i32>} : memref<2048xf32, #tpu.memory_space<vmem>>, vector<16xf32>,
            %add3A_341 = arith.addf %get3A_336, %get3A_340 : vector<16xf32>
            %mul3A_342 = arith.constant 16 : i32
            %mul3A_343 = arith.muli %add3A_331, %mul3A_342 : i32
            %add3A_344 = vector.broadcast %mul3A_343 : i32 to vector<16xi32>
            %add3A_345 = arith.addi %iota3A, %add3A_344 : vector<16xi32>
            %lt3A_346 = arith.cmpf olt, %add3A_341, %select_n3A_326 : vector<16xf32>
            %select_n3A_347 = arith.select %lt3A_346, %add3A_341, %select_n3A_326 : vector<16xi1>, vector<16xf32>
            %select_n3A_348 = arith.select %lt3A_346, %add3A_345, %select_n3A_327 : vector<16xi1>, vector<16xi32>
            %mul3A_349 = arith.constant 16 : i32
            %mul3A_350 = arith.muli %scan3A_200, %mul3A_349 : i32
            %add3A_351 = arith.constant 7 : i32
            %add3A_352 = arith.addi %mul3A_350, %add3A_351 : i32
            %mul3A_353 = arith.constant 16 : i32
            %mul3A_354 = arith.muli %add3A_352, %mul3A_353 : i32
            %get3A_355 = arith.index_cast %add3A_112 : i32 to index
            %get3A_356 = arith.index_cast %mul3A_354 : i32 to index
            %get3A_357 = tpu.vector_load %arg4[%get3A_355, %get3A_356] {strides = array<i32>} : memref<16x2048xf32, #tpu.memory_space<vmem>>, vector<16xf32>,
            %mul3A_358 = arith.constant 16 : i32
            %mul3A_359 = arith.muli %add3A_352, %mul3A_358 : i32
            %get3A_360 = arith.index_cast %mul3A_359 : i32 to index
            %get3A_361 = tpu.vector_load %arg6[%get3A_360] {strides = array<i32>} : memref<2048xf32, #tpu.memory_space<vmem>>, vector<16xf32>,
            %add3A_362 = arith.addf %get3A_357, %get3A_361 : vector<16xf32>
            %mul3A_363 = arith.constant 16 : i32
            %mul3A_364 = arith.muli %add3A_352, %mul3A_363 : i32
            %add3A_365 = vector.broadcast %mul3A_364 : i32 to vector<16xi32>
            %add3A_366 = arith.addi %iota3A, %add3A_365 : vector<16xi32>
            %lt3A_367 = arith.cmpf olt, %add3A_362, %select_n3A_347 : vector<16xf32>
            %select_n3A_368 = arith.select %lt3A_367, %add3A_362, %select_n3A_347 : vector<16xi1>, vector<16xf32>
            %select_n3A_369 = arith.select %lt3A_367, %add3A_366, %select_n3A_348 : vector<16xi1>, vector<16xi32>
            %mul3A_370 = arith.constant 16 : i32
            %mul3A_371 = arith.muli %scan3A_200, %mul3A_370 : i32
            %add3A_372 = arith.constant 8 : i32
            %add3A_373 = arith.addi %mul3A_371, %add3A_372 : i32
            %mul3A_374 = arith.constant 16 : i32
            %mul3A_375 = arith.muli %add3A_373, %mul3A_374 : i32
            %get3A_376 = arith.index_cast %add3A_112 : i32 to index
            %get3A_377 = arith.index_cast %mul3A_375 : i32 to index
            %get3A_378 = tpu.vector_load %arg4[%get3A_376, %get3A_377] {strides = array<i32>} : memref<16x2048xf32, #tpu.memory_space<vmem>>, vector<16xf32>,
            %mul3A_379 = arith.constant 16 : i32
            %mul3A_380 = arith.muli %add3A_373, %mul3A_379 : i32
            %get3A_381 = arith.index_cast %mul3A_380 : i32 to index
            %get3A_382 = tpu.vector_load %arg6[%get3A_381] {strides = array<i32>} : memref<2048xf32, #tpu.memory_space<vmem>>, vector<16xf32>,
            %add3A_383 = arith.addf %get3A_378, %get3A_382 : vector<16xf32>
            %mul3A_384 = arith.constant 16 : i32
            %mul3A_385 = arith.muli %add3A_373, %mul3A_384 : i32
            %add3A_386 = vector.broadcast %mul3A_385 : i32 to vector<16xi32>
            %add3A_387 = arith.addi %iota3A, %add3A_386 : vector<16xi32>
            %lt3A_388 = arith.cmpf olt, %add3A_383, %select_n3A_368 : vector<16xf32>
            %select_n3A_389 = arith.select %lt3A_388, %add3A_383, %select_n3A_368 : vector<16xi1>, vector<16xf32>
            %select_n3A_390 = arith.select %lt3A_388, %add3A_387, %select_n3A_369 : vector<16xi1>, vector<16xi32>
            %mul3A_391 = arith.constant 16 : i32
            %mul3A_392 = arith.muli %scan3A_200, %mul3A_391 : i32
            %add3A_393 = arith.constant 9 : i32
            %add3A_394 = arith.addi %mul3A_392, %add3A_393 : i32
            %mul3A_395 = arith.constant 16 : i32
            %mul3A_396 = arith.muli %add3A_394, %mul3A_395 : i32
            %get3A_397 = arith.index_cast %add3A_112 : i32 to index
            %get3A_398 = arith.index_cast %mul3A_396 : i32 to index
            %get3A_399 = tpu.vector_load %arg4[%get3A_397, %get3A_398] {strides = array<i32>} : memref<16x2048xf32, #tpu.memory_space<vmem>>, vector<16xf32>,
            %mul3A_400 = arith.constant 16 : i32
            %mul3A_401 = arith.muli %add3A_394, %mul3A_400 : i32
            %get3A_402 = arith.index_cast %mul3A_401 : i32 to index
            %get3A_403 = tpu.vector_load %arg6[%get3A_402] {strides = array<i32>} : memref<2048xf32, #tpu.memory_space<vmem>>, vector<16xf32>,
            %add3A_404 = arith.addf %get3A_399, %get3A_403 : vector<16xf32>
            %mul3A_405 = arith.constant 16 : i32
            %mul3A_406 = arith.muli %add3A_394, %mul3A_405 : i32
            %add3A_407 = vector.broadcast %mul3A_406 : i32 to vector<16xi32>
            %add3A_408 = arith.addi %iota3A, %add3A_407 : vector<16xi32>
            %lt3A_409 = arith.cmpf olt, %add3A_404, %select_n3A_389 : vector<16xf32>
            %select_n3A_410 = arith.select %lt3A_409, %add3A_404, %select_n3A_389 : vector<16xi1>, vector<16xf32>
            %select_n3A_411 = arith.select %lt3A_409, %add3A_408, %select_n3A_390 : vector<16xi1>, vector<16xi32>
            %mul3A_412 = arith.constant 16 : i32
            %mul3A_413 = arith.muli %scan3A_200, %mul3A_412 : i32
            %add3A_414 = arith.constant 10 : i32
            %add3A_415 = arith.addi %mul3A_413, %add3A_414 : i32
            %mul3A_416 = arith.constant 16 : i32
            %mul3A_417 = arith.muli %add3A_415, %mul3A_416 : i32
            %get3A_418 = arith.index_cast %add3A_112 : i32 to index
            %get3A_419 = arith.index_cast %mul3A_417 : i32 to index
            %get3A_420 = tpu.vector_load %arg4[%get3A_418, %get3A_419] {strides = array<i32>} : memref<16x2048xf32, #tpu.memory_space<vmem>>, vector<16xf32>,
            %mul3A_421 = arith.constant 16 : i32
            %mul3A_422 = arith.muli %add3A_415, %mul3A_421 : i32
            %get3A_423 = arith.index_cast %mul3A_422 : i32 to index
            %get3A_424 = tpu.vector_load %arg6[%get3A_423] {strides = array<i32>} : memref<2048xf32, #tpu.memory_space<vmem>>, vector<16xf32>,
            %add3A_425 = arith.addf %get3A_420, %get3A_424 : vector<16xf32>
            %mul3A_426 = arith.constant 16 : i32
            %mul3A_427 = arith.muli %add3A_415, %mul3A_426 : i32
            %add3A_428 = vector.broadcast %mul3A_427 : i32 to vector<16xi32>
            %add3A_429 = arith.addi %iota3A, %add3A_428 : vector<16xi32>
            %lt3A_430 = arith.cmpf olt, %add3A_425, %select_n3A_410 : vector<16xf32>
            %select_n3A_431 = arith.select %lt3A_430, %add3A_425, %select_n3A_410 : vector<16xi1>, vector<16xf32>
            %select_n3A_432 = arith.select %lt3A_430, %add3A_429, %select_n3A_411 : vector<16xi1>, vector<16xi32>
            %mul3A_433 = arith.constant 16 : i32
            %mul3A_434 = arith.muli %scan3A_200, %mul3A_433 : i32
            %add3A_435 = arith.constant 11 : i32
            %add3A_436 = arith.addi %mul3A_434, %add3A_435 : i32
            %mul3A_437 = arith.constant 16 : i32
            %mul3A_438 = arith.muli %add3A_436, %mul3A_437 : i32
            %get3A_439 = arith.index_cast %add3A_112 : i32 to index
            %get3A_440 = arith.index_cast %mul3A_438 : i32 to index
            %get3A_441 = tpu.vector_load %arg4[%get3A_439, %get3A_440] {strides = array<i32>} : memref<16x2048xf32, #tpu.memory_space<vmem>>, vector<16xf32>,
            %mul3A_442 = arith.constant 16 : i32
            %mul3A_443 = arith.muli %add3A_436, %mul3A_442 : i32
            %get3A_444 = arith.index_cast %mul3A_443 : i32 to index
            %get3A_445 = tpu.vector_load %arg6[%get3A_444] {strides = array<i32>} : memref<2048xf32, #tpu.memory_space<vmem>>, vector<16xf32>,
            %add3A_446 = arith.addf %get3A_441, %get3A_445 : vector<16xf32>
            %mul3A_447 = arith.constant 16 : i32
            %mul3A_448 = arith.muli %add3A_436, %mul3A_447 : i32
            %add3A_449 = vector.broadcast %mul3A_448 : i32 to vector<16xi32>
            %add3A_450 = arith.addi %iota3A, %add3A_449 : vector<16xi32>
            %lt3A_451 = arith.cmpf olt, %add3A_446, %select_n3A_431 : vector<16xf32>
            %select_n3A_452 = arith.select %lt3A_451, %add3A_446, %select_n3A_431 : vector<16xi1>, vector<16xf32>
            %select_n3A_453 = arith.select %lt3A_451, %add3A_450, %select_n3A_432 : vector<16xi1>, vector<16xi32>
            %mul3A_454 = arith.constant 16 : i32
            %mul3A_455 = arith.muli %scan3A_200, %mul3A_454 : i32
            %add3A_456 = arith.constant 12 : i32
            %add3A_457 = arith.addi %mul3A_455, %add3A_456 : i32
            %mul3A_458 = arith.constant 16 : i32
            %mul3A_459 = arith.muli %add3A_457, %mul3A_458 : i32
            %get3A_460 = arith.index_cast %add3A_112 : i32 to index
            %get3A_461 = arith.index_cast %mul3A_459 : i32 to index
            %get3A_462 = tpu.vector_load %arg4[%get3A_460, %get3A_461] {strides = array<i32>} : memref<16x2048xf32, #tpu.memory_space<vmem>>, vector<16xf32>,
            %mul3A_463 = arith.constant 16 : i32
            %mul3A_464 = arith.muli %add3A_457, %mul3A_463 : i32
            %get3A_465 = arith.index_cast %mul3A_464 : i32 to index
            %get3A_466 = tpu.vector_load %arg6[%get3A_465] {strides = array<i32>} : memref<2048xf32, #tpu.memory_space<vmem>>, vector<16xf32>,
            %add3A_467 = arith.addf %get3A_462, %get3A_466 : vector<16xf32>
            %mul3A_468 = arith.constant 16 : i32
            %mul3A_469 = arith.muli %add3A_457, %mul3A_468 : i32
            %add3A_470 = vector.broadcast %mul3A_469 : i32 to vector<16xi32>
            %add3A_471 = arith.addi %iota3A, %add3A_470 : vector<16xi32>
            %lt3A_472 = arith.cmpf olt, %add3A_467, %select_n3A_452 : vector<16xf32>
            %select_n3A_473 = arith.select %lt3A_472, %add3A_467, %select_n3A_452 : vector<16xi1>, vector<16xf32>
            %select_n3A_474 = arith.select %lt3A_472, %add3A_471, %select_n3A_453 : vector<16xi1>, vector<16xi32>
            %mul3A_475 = arith.constant 16 : i32
            %mul3A_476 = arith.muli %scan3A_200, %mul3A_475 : i32
            %add3A_477 = arith.constant 13 : i32
            %add3A_478 = arith.addi %mul3A_476, %add3A_477 : i32
            %mul3A_479 = arith.constant 16 : i32
            %mul3A_480 = arith.muli %add3A_478, %mul3A_479 : i32
            %get3A_481 = arith.index_cast %add3A_112 : i32 to index
            %get3A_482 = arith.index_cast %mul3A_480 : i32 to index
            %get3A_483 = tpu.vector_load %arg4[%get3A_481, %get3A_482] {strides = array<i32>} : memref<16x2048xf32, #tpu.memory_space<vmem>>, vector<16xf32>,
            %mul3A_484 = arith.constant 16 : i32
            %mul3A_485 = arith.muli %add3A_478, %mul3A_484 : i32
            %get3A_486 = arith.index_cast %mul3A_485 : i32 to index
            %get3A_487 = tpu.vector_load %arg6[%get3A_486] {strides = array<i32>} : memref<2048xf32, #tpu.memory_space<vmem>>, vector<16xf32>,
            %add3A_488 = arith.addf %get3A_483, %get3A_487 : vector<16xf32>
            %mul3A_489 = arith.constant 16 : i32
            %mul3A_490 = arith.muli %add3A_478, %mul3A_489 : i32
            %add3A_491 = vector.broadcast %mul3A_490 : i32 to vector<16xi32>
            %add3A_492 = arith.addi %iota3A, %add3A_491 : vector<16xi32>
            %lt3A_493 = arith.cmpf olt, %add3A_488, %select_n3A_473 : vector<16xf32>
            %select_n3A_494 = arith.select %lt3A_493, %add3A_488, %select_n3A_473 : vector<16xi1>, vector<16xf32>
            %select_n3A_495 = arith.select %lt3A_493, %add3A_492, %select_n3A_474 : vector<16xi1>, vector<16xi32>
            %mul3A_496 = arith.constant 16 : i32
            %mul3A_497 = arith.muli %scan3A_200, %mul3A_496 : i32
            %add3A_498 = arith.constant 14 : i32
            %add3A_499 = arith.addi %mul3A_497, %add3A_498 : i32
            %mul3A_500 = arith.constant 16 : i32
            %mul3A_501 = arith.muli %add3A_499, %mul3A_500 : i32
            %get3A_502 = arith.index_cast %add3A_112 : i32 to index
            %get3A_503 = arith.index_cast %mul3A_501 : i32 to index
            %get3A_504 = tpu.vector_load %arg4[%get3A_502, %get3A_503] {strides = array<i32>} : memref<16x2048xf32, #tpu.memory_space<vmem>>, vector<16xf32>,
            %mul3A_505 = arith.constant 16 : i32
            %mul3A_506 = arith.muli %add3A_499, %mul3A_505 : i32
            %get3A_507 = arith.index_cast %mul3A_506 : i32 to index
            %get3A_508 = tpu.vector_load %arg6[%get3A_507] {strides = array<i32>} : memref<2048xf32, #tpu.memory_space<vmem>>, vector<16xf32>,
            %add3A_509 = arith.addf %get3A_504, %get3A_508 : vector<16xf32>
            %mul3A_510 = arith.constant 16 : i32
            %mul3A_511 = arith.muli %add3A_499, %mul3A_510 : i32
            %add3A_512 = vector.broadcast %mul3A_511 : i32 to vector<16xi32>
            %add3A_513 = arith.addi %iota3A, %add3A_512 : vector<16xi32>
            %lt3A_514 = arith.cmpf olt, %add3A_509, %select_n3A_494 : vector<16xf32>
            %select_n3A_515 = arith.select %lt3A_514, %add3A_509, %select_n3A_494 : vector<16xi1>, vector<16xf32>
            %select_n3A_516 = arith.select %lt3A_514, %add3A_513, %select_n3A_495 : vector<16xi1>, vector<16xi32>
            %mul3A_517 = arith.constant 16 : i32
            %mul3A_518 = arith.muli %scan3A_200, %mul3A_517 : i32
            %add3A_519 = arith.constant 15 : i32
            %add3A_520 = arith.addi %mul3A_518, %add3A_519 : i32
            %mul3A_521 = arith.constant 16 : i32
            %mul3A_522 = arith.muli %add3A_520, %mul3A_521 : i32
            %get3A_523 = arith.index_cast %add3A_112 : i32 to index
            %get3A_524 = arith.index_cast %mul3A_522 : i32 to index
            %get3A_525 = tpu.vector_load %arg4[%get3A_523, %get3A_524] {strides = array<i32>} : memref<16x2048xf32, #tpu.memory_space<vmem>>, vector<16xf32>,
            %mul3A_526 = arith.constant 16 : i32
            %mul3A_527 = arith.muli %add3A_520, %mul3A_526 : i32
            %get3A_528 = arith.index_cast %mul3A_527 : i32 to index
            %get3A_529 = tpu.vector_load %arg6[%get3A_528] {strides = array<i32>} : memref<2048xf32, #tpu.memory_space<vmem>>, vector<16xf32>,
            %add3A_530 = arith.addf %get3A_525, %get3A_529 : vector<16xf32>
            %mul3A_531 = arith.constant 16 : i32
            %mul3A_532 = arith.muli %add3A_520, %mul3A_531 : i32
            %add3A_533 = vector.broadcast %mul3A_532 : i32 to vector<16xi32>
            %add3A_534 = arith.addi %iota3A, %add3A_533 : vector<16xi32>
            %lt3A_535 = arith.cmpf olt, %add3A_530, %select_n3A_515 : vector<16xf32>
            %select_n3A_536 = arith.select %lt3A_535, %add3A_530, %select_n3A_515 : vector<16xi1>, vector<16xf32>
            %select_n3A_537 = arith.select %lt3A_535, %add3A_534, %select_n3A_516 : vector<16xi1>, vector<16xi32>
            scf.yield %select_n3A_536, %select_n3A_537 : vector<16xf32>, vector<16xi32>
          }
          %scan3A_119 = arith.constant 8 : i32
          %xor3A_120 = arith.constant 1 : i32
          %xor3A_121 = vector.broadcast %xor3A_120 : i32 to vector<16xi32>
          %xor3A_122 = arith.xori %iota3A, %xor3A_121 : vector<16xi32>
          %broadcast_in_dim3A_123 = vector.shape_cast %xor3A_122 : vector<16xi32> to vector<16x1xi32>
          %gather3A = vector.shape_cast %broadcast_in_dim3A_123 : vector<16x1xi32> to vector<16xi32>
          %gather3A_124 = tpu.dynamic_gather %scan3A_118#0[%gather3A] in [0] : vector<16xf32>, vector<16xi32> -> vector<16xf32>
          %min3A = arith.minimumf %scan3A_118#0, %gather3A_124 : vector<16xf32>
          %xor3A_125 = arith.constant 2 : i32
          %xor3A_126 = vector.broadcast %xor3A_125 : i32 to vector<16xi32>
          %xor3A_127 = arith.xori %iota3A, %xor3A_126 : vector<16xi32>
          %broadcast_in_dim3A_128 = vector.shape_cast %xor3A_127 : vector<16xi32> to vector<16x1xi32>
          %gather3A_129 = vector.shape_cast %broadcast_in_dim3A_128 : vector<16x1xi32> to vector<16xi32>
          %gather3A_130 = tpu.dynamic_gather %min3A[%gather3A_129] in [0] : vector<16xf32>, vector<16xi32> -> vector<16xf32>
          %min3A_131 = arith.minimumf %min3A, %gather3A_130 : vector<16xf32>
          %xor3A_132 = arith.constant 4 : i32
          %xor3A_133 = vector.broadcast %xor3A_132 : i32 to vector<16xi32>
          %xor3A_134 = arith.xori %iota3A, %xor3A_133 : vector<16xi32>
          %broadcast_in_dim3A_135 = vector.shape_cast %xor3A_134 : vector<16xi32> to vector<16x1xi32>
          %gather3A_136 = vector.shape_cast %broadcast_in_dim3A_135 : vector<16x1xi32> to vector<16xi32>
          %gather3A_137 = tpu.dynamic_gather %min3A_131[%gather3A_136] in [0] : vector<16xf32>, vector<16xi32> -> vector<16xf32>
          %min3A_138 = arith.minimumf %min3A_131, %gather3A_137 : vector<16xf32>
          %xor3A_139 = arith.constant 8 : i32
          %xor3A_140 = vector.broadcast %xor3A_139 : i32 to vector<16xi32>
          %xor3A_141 = arith.xori %iota3A, %xor3A_140 : vector<16xi32>
          %broadcast_in_dim3A_142 = vector.shape_cast %xor3A_141 : vector<16xi32> to vector<16x1xi32>
          %gather3A_143 = vector.shape_cast %broadcast_in_dim3A_142 : vector<16x1xi32> to vector<16xi32>
          %gather3A_144 = tpu.dynamic_gather %min3A_138[%gather3A_143] in [0] : vector<16xf32>, vector<16xi32> -> vector<16xf32>
          %min3A_145 = arith.minimumf %min3A_138, %gather3A_144 : vector<16xf32>
          %eq3A = arith.cmpf oeq, %scan3A_118#0, %min3A_145 : vector<16xf32>
          %select_n3A_146 = arith.select %eq3A, %scan3A_118#1, %broadcast_in_dim3A_32 : vector<16xi1>, vector<16xi32>
          %xor3A_147 = arith.constant 1 : i32
          %xor3A_148 = vector.broadcast %xor3A_147 : i32 to vector<16xi32>
          %xor3A_149 = arith.xori %iota3A, %xor3A_148 : vector<16xi32>
          %broadcast_in_dim3A_150 = vector.shape_cast %xor3A_149 : vector<16xi32> to vector<16x1xi32>
          %gather3A_151 = vector.shape_cast %broadcast_in_dim3A_150 : vector<16x1xi32> to vector<16xi32>
          %gather3A_152 = tpu.dynamic_gather %select_n3A_146[%gather3A_151] in [0] : vector<16xi32>, vector<16xi32> -> vector<16xi32>
          %min3A_153 = arith.minsi %select_n3A_146, %gather3A_152 : vector<16xi32>
          %xor3A_154 = arith.constant 2 : i32
          %xor3A_155 = vector.broadcast %xor3A_154 : i32 to vector<16xi32>
          %xor3A_156 = arith.xori %iota3A, %xor3A_155 : vector<16xi32>
          %broadcast_in_dim3A_157 = vector.shape_cast %xor3A_156 : vector<16xi32> to vector<16x1xi32>
          %gather3A_158 = vector.shape_cast %broadcast_in_dim3A_157 : vector<16x1xi32> to vector<16xi32>
          %gather3A_159 = tpu.dynamic_gather %min3A_153[%gather3A_158] in [0] : vector<16xi32>, vector<16xi32> -> vector<16xi32>
          %min3A_160 = arith.minsi %min3A_153, %gather3A_159 : vector<16xi32>
          %xor3A_161 = arith.constant 4 : i32
          %xor3A_162 = vector.broadcast %xor3A_161 : i32 to vector<16xi32>
          %xor3A_163 = arith.xori %iota3A, %xor3A_162 : vector<16xi32>
          %broadcast_in_dim3A_164 = vector.shape_cast %xor3A_163 : vector<16xi32> to vector<16x1xi32>
          %gather3A_165 = vector.shape_cast %broadcast_in_dim3A_164 : vector<16x1xi32> to vector<16xi32>
          %gather3A_166 = tpu.dynamic_gather %min3A_160[%gather3A_165] in [0] : vector<16xi32>, vector<16xi32> -> vector<16xi32>
          %min3A_167 = arith.minsi %min3A_160, %gather3A_166 : vector<16xi32>
          %xor3A_168 = arith.constant 8 : i32
          %xor3A_169 = vector.broadcast %xor3A_168 : i32 to vector<16xi32>
          %xor3A_170 = arith.xori %iota3A, %xor3A_169 : vector<16xi32>
          %broadcast_in_dim3A_171 = vector.shape_cast %xor3A_170 : vector<16xi32> to vector<16x1xi32>
          %gather3A_172 = vector.shape_cast %broadcast_in_dim3A_171 : vector<16x1xi32> to vector<16xi32>
          %gather3A_173 = tpu.dynamic_gather %min3A_167[%gather3A_172] in [0] : vector<16xi32>, vector<16xi32> -> vector<16xi32>
          %min3A_174 = arith.minsi %min3A_167, %gather3A_173 : vector<16xi32>
          %reduce_min3A = arith.constant true
          %reduce_min3A_175 = vector.broadcast %reduce_min3A : i1 to vector<16xi1>
          %reduce_min3A_176 = arith.constant -2147483648 : i32
          %reduce_min3A_177 = vector.broadcast %reduce_min3A_176 : i32 to vector<16xi32>
          %reduce_min3A_178 = arith.xori %min3A_174, %reduce_min3A_177 : vector<16xi32>
          %reduce_min3A_179 = tpu.scan <min>, %reduce_min3A_178 masked %reduce_min3A_175 : vector<16xi32>, vector<16xi1> -> vector<16xi32>
          %reduce_min3A_180 = arith.xori %reduce_min3A_179, %reduce_min3A_177 : vector<16xi32>
          %reduce_min3A_181 = vector.extract %reduce_min3A_180[15] : i32 from vector<16xi32>
          %gt3A = arith.constant 0 : i32
          %gt3A_182 = arith.cmpi sgt, %add3A_113, %gt3A : i32
          %convert_element_type3A_183 = arith.extui %gt3A_182 : i1 to i32
          %cond3A_184 = arith.constant 0 : i32
          %cond3A_185 = arith.cmpi ne, %convert_element_type3A_183, %cond3A_184 : i32
          %cond3A_186:2 = scf.if %cond3A_185 -> (vector<16xf32>, i32) {
            %sub3A_200 = arith.constant 1 : i32
            %sub3A_201 = arith.subi %add3A_113, %sub3A_200 : i32
            %shift_right_arithmetic3A_202 = arith.constant 1 : i32
            %shift_right_arithmetic3A_203 = arith.shrsi %sub3A_201, %shift_right_arithmetic3A_202 : i32
            %and3A_204 = arith.constant 1 : i32
            %and3A_205 = arith.andi %shift_right_arithmetic3A_203, %and3A_204 : i32
            %sc_fetch_and_add3A_206 = arith.constant 0 : i32
            %sc_fetch_and_add3A_207 = tpu.fetch_and_add_sync %arg8[%and3A_205], %sc_fetch_and_add3A_206, %arg1 : memref<2xi32, #tpu.memory_space<smem>>, i32 -> i32
            %while3A = scf.while (%while3A_221 = %sc_fetch_and_add3A_207) : (i32) -> i32 {
              %eq3A_222 = arith.constant 0 : i32
              %eq3A_223 = arith.cmpi eq, %while3A_221, %eq3A_222 : i32
              scf.condition(%eq3A_223) %while3A_221 : i32
            } do {
            ^bb0(%while3A_221: i32):
              %sc_fetch_and_add3A_222 = arith.constant 0 : i32
              %sc_fetch_and_add3A_223 = tpu.fetch_and_add_sync %arg8[%and3A_205], %sc_fetch_and_add3A_222, %arg1 : memref<2xi32, #tpu.memory_space<smem>>, i32 -> i32
              scf.yield %sc_fetch_and_add3A_223 : i32
            }
            %swap3A = arith.constant 0 : i32
            %swap3A_208 = arith.index_cast %and3A_205 : i32 to index
            %swap3A_209 = memref.load %arg8[%swap3A_208] : memref<2xi32, #tpu.memory_space<smem>>
            memref.store %swap3A, %arg8[%swap3A_208] : memref<2xi32, #tpu.memory_space<smem>>
            %sub3A_210 = arith.constant 1 : i32
            %sub3A_211 = arith.subi %while3A, %sub3A_210 : i32
            %broadcast_in_dim3A_212 = vector.broadcast %sub3A_211 : i32 to vector<16xi32>
            %eq3A_213 = arith.constant 0 : i32
            %eq3A_214 = vector.broadcast %eq3A_213 : i32 to vector<16xi32>
            %eq3A_215 = arith.cmpi eq, %iota3A, %eq3A_214 : vector<16xi32>
            tpu.vector_store_idx %arg6[%broadcast_in_dim3A_212], %broadcast_in_dim3A_34 masked %eq3A_215 : memref<2048xf32, #tpu.memory_space<vmem>>[vector<16xi32>], vector<16xf32>, vector<16xi1>
            %eq3A_216 = arith.cmpi eq, %reduce_min3A_181, %sub3A_211 : i32
            %convert_element_type3A_217 = arith.extui %eq3A_216 : i1 to i32
            %cond3A_218 = arith.constant 0 : i32
            %cond3A_219 = arith.cmpi ne, %convert_element_type3A_217, %cond3A_218 : i32
            %cond3A_220:2 = scf.if %cond3A_219 -> (vector<16xf32>, i32) {
              %scan3A_221 = arith.constant 0 : i32
              %scan3A_222 = arith.constant 8 : i32
              %scan3A_223 = arith.addi %scan3A_221, %scan3A_222 : i32
              %scan3A_224 = arith.constant 1 : i32
              %scan3A_225:2 = scf.for %scan3A_293 = %scan3A_221 to %scan3A_223 step %scan3A_224 iter_args(%scan3A_294 = %broadcast_in_dim3A_34, %scan3A_295 = %broadcast_in_dim3A_32) -> (vector<16xf32>, vector<16xi32>)  : i32 {
                %mul3A_296 = arith.constant 16 : i32
                %mul3A_297 = arith.muli %scan3A_293, %mul3A_296 : i32
                %add3A_298 = arith.constant 0 : i32
                %add3A_299 = arith.addi %mul3A_297, %add3A_298 : i32
                %mul3A_300 = arith.constant 16 : i32
                %mul3A_301 = arith.muli %add3A_299, %mul3A_300 : i32
                %get3A = arith.index_cast %add3A_112 : i32 to index
                %get3A_302 = arith.index_cast %mul3A_301 : i32 to index
                %get3A_303 = tpu.vector_load %arg4[%get3A, %get3A_302] {strides = array<i32>} : memref<16x2048xf32, #tpu.memory_space<vmem>>, vector<16xf32>,
                %mul3A_304 = arith.constant 16 : i32
                %mul3A_305 = arith.muli %add3A_299, %mul3A_304 : i32
                %get3A_306 = arith.index_cast %mul3A_305 : i32 to index
                %get3A_307 = tpu.vector_load %arg6[%get3A_306] {strides = array<i32>} : memref<2048xf32, #tpu.memory_space<vmem>>, vector<16xf32>,
                %add3A_308 = arith.addf %get3A_303, %get3A_307 : vector<16xf32>
                %mul3A_309 = arith.constant 16 : i32
                %mul3A_310 = arith.muli %add3A_299, %mul3A_309 : i32
                %add3A_311 = vector.broadcast %mul3A_310 : i32 to vector<16xi32>
                %add3A_312 = arith.addi %iota3A, %add3A_311 : vector<16xi32>
                %lt3A_313 = arith.cmpf olt, %add3A_308, %scan3A_294 : vector<16xf32>
                %select_n3A_314 = arith.select %lt3A_313, %add3A_308, %scan3A_294 : vector<16xi1>, vector<16xf32>
                %select_n3A_315 = arith.select %lt3A_313, %add3A_312, %scan3A_295 : vector<16xi1>, vector<16xi32>
                %mul3A_316 = arith.constant 16 : i32
                %mul3A_317 = arith.muli %scan3A_293, %mul3A_316 : i32
                %add3A_318 = arith.constant 1 : i32
                %add3A_319 = arith.addi %mul3A_317, %add3A_318 : i32
                %mul3A_320 = arith.constant 16 : i32
                %mul3A_321 = arith.muli %add3A_319, %mul3A_320 : i32
                %get3A_322 = arith.index_cast %add3A_112 : i32 to index
                %get3A_323 = arith.index_cast %mul3A_321 : i32 to index
                %get3A_324 = tpu.vector_load %arg4[%get3A_322, %get3A_323] {strides = array<i32>} : memref<16x2048xf32, #tpu.memory_space<vmem>>, vector<16xf32>,
                %mul3A_325 = arith.constant 16 : i32
                %mul3A_326 = arith.muli %add3A_319, %mul3A_325 : i32
                %get3A_327 = arith.index_cast %mul3A_326 : i32 to index
                %get3A_328 = tpu.vector_load %arg6[%get3A_327] {strides = array<i32>} : memref<2048xf32, #tpu.memory_space<vmem>>, vector<16xf32>,
                %add3A_329 = arith.addf %get3A_324, %get3A_328 : vector<16xf32>
                %mul3A_330 = arith.constant 16 : i32
                %mul3A_331 = arith.muli %add3A_319, %mul3A_330 : i32
                %add3A_332 = vector.broadcast %mul3A_331 : i32 to vector<16xi32>
                %add3A_333 = arith.addi %iota3A, %add3A_332 : vector<16xi32>
                %lt3A_334 = arith.cmpf olt, %add3A_329, %select_n3A_314 : vector<16xf32>
                %select_n3A_335 = arith.select %lt3A_334, %add3A_329, %select_n3A_314 : vector<16xi1>, vector<16xf32>
                %select_n3A_336 = arith.select %lt3A_334, %add3A_333, %select_n3A_315 : vector<16xi1>, vector<16xi32>
                %mul3A_337 = arith.constant 16 : i32
                %mul3A_338 = arith.muli %scan3A_293, %mul3A_337 : i32
                %add3A_339 = arith.constant 2 : i32
                %add3A_340 = arith.addi %mul3A_338, %add3A_339 : i32
                %mul3A_341 = arith.constant 16 : i32
                %mul3A_342 = arith.muli %add3A_340, %mul3A_341 : i32
                %get3A_343 = arith.index_cast %add3A_112 : i32 to index
                %get3A_344 = arith.index_cast %mul3A_342 : i32 to index
                %get3A_345 = tpu.vector_load %arg4[%get3A_343, %get3A_344] {strides = array<i32>} : memref<16x2048xf32, #tpu.memory_space<vmem>>, vector<16xf32>,
                %mul3A_346 = arith.constant 16 : i32
                %mul3A_347 = arith.muli %add3A_340, %mul3A_346 : i32
                %get3A_348 = arith.index_cast %mul3A_347 : i32 to index
                %get3A_349 = tpu.vector_load %arg6[%get3A_348] {strides = array<i32>} : memref<2048xf32, #tpu.memory_space<vmem>>, vector<16xf32>,
                %add3A_350 = arith.addf %get3A_345, %get3A_349 : vector<16xf32>
                %mul3A_351 = arith.constant 16 : i32
                %mul3A_352 = arith.muli %add3A_340, %mul3A_351 : i32
                %add3A_353 = vector.broadcast %mul3A_352 : i32 to vector<16xi32>
                %add3A_354 = arith.addi %iota3A, %add3A_353 : vector<16xi32>
                %lt3A_355 = arith.cmpf olt, %add3A_350, %select_n3A_335 : vector<16xf32>
                %select_n3A_356 = arith.select %lt3A_355, %add3A_350, %select_n3A_335 : vector<16xi1>, vector<16xf32>
                %select_n3A_357 = arith.select %lt3A_355, %add3A_354, %select_n3A_336 : vector<16xi1>, vector<16xi32>
                %mul3A_358 = arith.constant 16 : i32
                %mul3A_359 = arith.muli %scan3A_293, %mul3A_358 : i32
                %add3A_360 = arith.constant 3 : i32
                %add3A_361 = arith.addi %mul3A_359, %add3A_360 : i32
                %mul3A_362 = arith.constant 16 : i32
                %mul3A_363 = arith.muli %add3A_361, %mul3A_362 : i32
                %get3A_364 = arith.index_cast %add3A_112 : i32 to index
                %get3A_365 = arith.index_cast %mul3A_363 : i32 to index
                %get3A_366 = tpu.vector_load %arg4[%get3A_364, %get3A_365] {strides = array<i32>} : memref<16x2048xf32, #tpu.memory_space<vmem>>, vector<16xf32>,
                %mul3A_367 = arith.constant 16 : i32
                %mul3A_368 = arith.muli %add3A_361, %mul3A_367 : i32
                %get3A_369 = arith.index_cast %mul3A_368 : i32 to index
                %get3A_370 = tpu.vector_load %arg6[%get3A_369] {strides = array<i32>} : memref<2048xf32, #tpu.memory_space<vmem>>, vector<16xf32>,
                %add3A_371 = arith.addf %get3A_366, %get3A_370 : vector<16xf32>
                %mul3A_372 = arith.constant 16 : i32
                %mul3A_373 = arith.muli %add3A_361, %mul3A_372 : i32
                %add3A_374 = vector.broadcast %mul3A_373 : i32 to vector<16xi32>
                %add3A_375 = arith.addi %iota3A, %add3A_374 : vector<16xi32>
                %lt3A_376 = arith.cmpf olt, %add3A_371, %select_n3A_356 : vector<16xf32>
                %select_n3A_377 = arith.select %lt3A_376, %add3A_371, %select_n3A_356 : vector<16xi1>, vector<16xf32>
                %select_n3A_378 = arith.select %lt3A_376, %add3A_375, %select_n3A_357 : vector<16xi1>, vector<16xi32>
                %mul3A_379 = arith.constant 16 : i32
                %mul3A_380 = arith.muli %scan3A_293, %mul3A_379 : i32
                %add3A_381 = arith.constant 4 : i32
                %add3A_382 = arith.addi %mul3A_380, %add3A_381 : i32
                %mul3A_383 = arith.constant 16 : i32
                %mul3A_384 = arith.muli %add3A_382, %mul3A_383 : i32
                %get3A_385 = arith.index_cast %add3A_112 : i32 to index
                %get3A_386 = arith.index_cast %mul3A_384 : i32 to index
                %get3A_387 = tpu.vector_load %arg4[%get3A_385, %get3A_386] {strides = array<i32>} : memref<16x2048xf32, #tpu.memory_space<vmem>>, vector<16xf32>,
                %mul3A_388 = arith.constant 16 : i32
                %mul3A_389 = arith.muli %add3A_382, %mul3A_388 : i32
                %get3A_390 = arith.index_cast %mul3A_389 : i32 to index
                %get3A_391 = tpu.vector_load %arg6[%get3A_390] {strides = array<i32>} : memref<2048xf32, #tpu.memory_space<vmem>>, vector<16xf32>,
                %add3A_392 = arith.addf %get3A_387, %get3A_391 : vector<16xf32>
                %mul3A_393 = arith.constant 16 : i32
                %mul3A_394 = arith.muli %add3A_382, %mul3A_393 : i32
                %add3A_395 = vector.broadcast %mul3A_394 : i32 to vector<16xi32>
                %add3A_396 = arith.addi %iota3A, %add3A_395 : vector<16xi32>
                %lt3A_397 = arith.cmpf olt, %add3A_392, %select_n3A_377 : vector<16xf32>
                %select_n3A_398 = arith.select %lt3A_397, %add3A_392, %select_n3A_377 : vector<16xi1>, vector<16xf32>
                %select_n3A_399 = arith.select %lt3A_397, %add3A_396, %select_n3A_378 : vector<16xi1>, vector<16xi32>
                %mul3A_400 = arith.constant 16 : i32
                %mul3A_401 = arith.muli %scan3A_293, %mul3A_400 : i32
                %add3A_402 = arith.constant 5 : i32
                %add3A_403 = arith.addi %mul3A_401, %add3A_402 : i32
                %mul3A_404 = arith.constant 16 : i32
                %mul3A_405 = arith.muli %add3A_403, %mul3A_404 : i32
                %get3A_406 = arith.index_cast %add3A_112 : i32 to index
                %get3A_407 = arith.index_cast %mul3A_405 : i32 to index
                %get3A_408 = tpu.vector_load %arg4[%get3A_406, %get3A_407] {strides = array<i32>} : memref<16x2048xf32, #tpu.memory_space<vmem>>, vector<16xf32>,
                %mul3A_409 = arith.constant 16 : i32
                %mul3A_410 = arith.muli %add3A_403, %mul3A_409 : i32
                %get3A_411 = arith.index_cast %mul3A_410 : i32 to index
                %get3A_412 = tpu.vector_load %arg6[%get3A_411] {strides = array<i32>} : memref<2048xf32, #tpu.memory_space<vmem>>, vector<16xf32>,
                %add3A_413 = arith.addf %get3A_408, %get3A_412 : vector<16xf32>
                %mul3A_414 = arith.constant 16 : i32
                %mul3A_415 = arith.muli %add3A_403, %mul3A_414 : i32
                %add3A_416 = vector.broadcast %mul3A_415 : i32 to vector<16xi32>
                %add3A_417 = arith.addi %iota3A, %add3A_416 : vector<16xi32>
                %lt3A_418 = arith.cmpf olt, %add3A_413, %select_n3A_398 : vector<16xf32>
                %select_n3A_419 = arith.select %lt3A_418, %add3A_413, %select_n3A_398 : vector<16xi1>, vector<16xf32>
                %select_n3A_420 = arith.select %lt3A_418, %add3A_417, %select_n3A_399 : vector<16xi1>, vector<16xi32>
                %mul3A_421 = arith.constant 16 : i32
                %mul3A_422 = arith.muli %scan3A_293, %mul3A_421 : i32
                %add3A_423 = arith.constant 6 : i32
                %add3A_424 = arith.addi %mul3A_422, %add3A_423 : i32
                %mul3A_425 = arith.constant 16 : i32
                %mul3A_426 = arith.muli %add3A_424, %mul3A_425 : i32
                %get3A_427 = arith.index_cast %add3A_112 : i32 to index
                %get3A_428 = arith.index_cast %mul3A_426 : i32 to index
                %get3A_429 = tpu.vector_load %arg4[%get3A_427, %get3A_428] {strides = array<i32>} : memref<16x2048xf32, #tpu.memory_space<vmem>>, vector<16xf32>,
                %mul3A_430 = arith.constant 16 : i32
                %mul3A_431 = arith.muli %add3A_424, %mul3A_430 : i32
                %get3A_432 = arith.index_cast %mul3A_431 : i32 to index
                %get3A_433 = tpu.vector_load %arg6[%get3A_432] {strides = array<i32>} : memref<2048xf32, #tpu.memory_space<vmem>>, vector<16xf32>,
                %add3A_434 = arith.addf %get3A_429, %get3A_433 : vector<16xf32>
                %mul3A_435 = arith.constant 16 : i32
                %mul3A_436 = arith.muli %add3A_424, %mul3A_435 : i32
                %add3A_437 = vector.broadcast %mul3A_436 : i32 to vector<16xi32>
                %add3A_438 = arith.addi %iota3A, %add3A_437 : vector<16xi32>
                %lt3A_439 = arith.cmpf olt, %add3A_434, %select_n3A_419 : vector<16xf32>
                %select_n3A_440 = arith.select %lt3A_439, %add3A_434, %select_n3A_419 : vector<16xi1>, vector<16xf32>
                %select_n3A_441 = arith.select %lt3A_439, %add3A_438, %select_n3A_420 : vector<16xi1>, vector<16xi32>
                %mul3A_442 = arith.constant 16 : i32
                %mul3A_443 = arith.muli %scan3A_293, %mul3A_442 : i32
                %add3A_444 = arith.constant 7 : i32
                %add3A_445 = arith.addi %mul3A_443, %add3A_444 : i32
                %mul3A_446 = arith.constant 16 : i32
                %mul3A_447 = arith.muli %add3A_445, %mul3A_446 : i32
                %get3A_448 = arith.index_cast %add3A_112 : i32 to index
                %get3A_449 = arith.index_cast %mul3A_447 : i32 to index
                %get3A_450 = tpu.vector_load %arg4[%get3A_448, %get3A_449] {strides = array<i32>} : memref<16x2048xf32, #tpu.memory_space<vmem>>, vector<16xf32>,
                %mul3A_451 = arith.constant 16 : i32
                %mul3A_452 = arith.muli %add3A_445, %mul3A_451 : i32
                %get3A_453 = arith.index_cast %mul3A_452 : i32 to index
                %get3A_454 = tpu.vector_load %arg6[%get3A_453] {strides = array<i32>} : memref<2048xf32, #tpu.memory_space<vmem>>, vector<16xf32>,
                %add3A_455 = arith.addf %get3A_450, %get3A_454 : vector<16xf32>
                %mul3A_456 = arith.constant 16 : i32
                %mul3A_457 = arith.muli %add3A_445, %mul3A_456 : i32
                %add3A_458 = vector.broadcast %mul3A_457 : i32 to vector<16xi32>
                %add3A_459 = arith.addi %iota3A, %add3A_458 : vector<16xi32>
                %lt3A_460 = arith.cmpf olt, %add3A_455, %select_n3A_440 : vector<16xf32>
                %select_n3A_461 = arith.select %lt3A_460, %add3A_455, %select_n3A_440 : vector<16xi1>, vector<16xf32>
                %select_n3A_462 = arith.select %lt3A_460, %add3A_459, %select_n3A_441 : vector<16xi1>, vector<16xi32>
                %mul3A_463 = arith.constant 16 : i32
                %mul3A_464 = arith.muli %scan3A_293, %mul3A_463 : i32
                %add3A_465 = arith.constant 8 : i32
                %add3A_466 = arith.addi %mul3A_464, %add3A_465 : i32
                %mul3A_467 = arith.constant 16 : i32
                %mul3A_468 = arith.muli %add3A_466, %mul3A_467 : i32
                %get3A_469 = arith.index_cast %add3A_112 : i32 to index
                %get3A_470 = arith.index_cast %mul3A_468 : i32 to index
                %get3A_471 = tpu.vector_load %arg4[%get3A_469, %get3A_470] {strides = array<i32>} : memref<16x2048xf32, #tpu.memory_space<vmem>>, vector<16xf32>,
                %mul3A_472 = arith.constant 16 : i32
                %mul3A_473 = arith.muli %add3A_466, %mul3A_472 : i32
                %get3A_474 = arith.index_cast %mul3A_473 : i32 to index
                %get3A_475 = tpu.vector_load %arg6[%get3A_474] {strides = array<i32>} : memref<2048xf32, #tpu.memory_space<vmem>>, vector<16xf32>,
                %add3A_476 = arith.addf %get3A_471, %get3A_475 : vector<16xf32>
                %mul3A_477 = arith.constant 16 : i32
                %mul3A_478 = arith.muli %add3A_466, %mul3A_477 : i32
                %add3A_479 = vector.broadcast %mul3A_478 : i32 to vector<16xi32>
                %add3A_480 = arith.addi %iota3A, %add3A_479 : vector<16xi32>
                %lt3A_481 = arith.cmpf olt, %add3A_476, %select_n3A_461 : vector<16xf32>
                %select_n3A_482 = arith.select %lt3A_481, %add3A_476, %select_n3A_461 : vector<16xi1>, vector<16xf32>
                %select_n3A_483 = arith.select %lt3A_481, %add3A_480, %select_n3A_462 : vector<16xi1>, vector<16xi32>
                %mul3A_484 = arith.constant 16 : i32
                %mul3A_485 = arith.muli %scan3A_293, %mul3A_484 : i32
                %add3A_486 = arith.constant 9 : i32
                %add3A_487 = arith.addi %mul3A_485, %add3A_486 : i32
                %mul3A_488 = arith.constant 16 : i32
                %mul3A_489 = arith.muli %add3A_487, %mul3A_488 : i32
                %get3A_490 = arith.index_cast %add3A_112 : i32 to index
                %get3A_491 = arith.index_cast %mul3A_489 : i32 to index
                %get3A_492 = tpu.vector_load %arg4[%get3A_490, %get3A_491] {strides = array<i32>} : memref<16x2048xf32, #tpu.memory_space<vmem>>, vector<16xf32>,
                %mul3A_493 = arith.constant 16 : i32
                %mul3A_494 = arith.muli %add3A_487, %mul3A_493 : i32
                %get3A_495 = arith.index_cast %mul3A_494 : i32 to index
                %get3A_496 = tpu.vector_load %arg6[%get3A_495] {strides = array<i32>} : memref<2048xf32, #tpu.memory_space<vmem>>, vector<16xf32>,
                %add3A_497 = arith.addf %get3A_492, %get3A_496 : vector<16xf32>
                %mul3A_498 = arith.constant 16 : i32
                %mul3A_499 = arith.muli %add3A_487, %mul3A_498 : i32
                %add3A_500 = vector.broadcast %mul3A_499 : i32 to vector<16xi32>
                %add3A_501 = arith.addi %iota3A, %add3A_500 : vector<16xi32>
                %lt3A_502 = arith.cmpf olt, %add3A_497, %select_n3A_482 : vector<16xf32>
                %select_n3A_503 = arith.select %lt3A_502, %add3A_497, %select_n3A_482 : vector<16xi1>, vector<16xf32>
                %select_n3A_504 = arith.select %lt3A_502, %add3A_501, %select_n3A_483 : vector<16xi1>, vector<16xi32>
                %mul3A_505 = arith.constant 16 : i32
                %mul3A_506 = arith.muli %scan3A_293, %mul3A_505 : i32
                %add3A_507 = arith.constant 10 : i32
                %add3A_508 = arith.addi %mul3A_506, %add3A_507 : i32
                %mul3A_509 = arith.constant 16 : i32
                %mul3A_510 = arith.muli %add3A_508, %mul3A_509 : i32
                %get3A_511 = arith.index_cast %add3A_112 : i32 to index
                %get3A_512 = arith.index_cast %mul3A_510 : i32 to index
                %get3A_513 = tpu.vector_load %arg4[%get3A_511, %get3A_512] {strides = array<i32>} : memref<16x2048xf32, #tpu.memory_space<vmem>>, vector<16xf32>,
                %mul3A_514 = arith.constant 16 : i32
                %mul3A_515 = arith.muli %add3A_508, %mul3A_514 : i32
                %get3A_516 = arith.index_cast %mul3A_515 : i32 to index
                %get3A_517 = tpu.vector_load %arg6[%get3A_516] {strides = array<i32>} : memref<2048xf32, #tpu.memory_space<vmem>>, vector<16xf32>,
                %add3A_518 = arith.addf %get3A_513, %get3A_517 : vector<16xf32>
                %mul3A_519 = arith.constant 16 : i32
                %mul3A_520 = arith.muli %add3A_508, %mul3A_519 : i32
                %add3A_521 = vector.broadcast %mul3A_520 : i32 to vector<16xi32>
                %add3A_522 = arith.addi %iota3A, %add3A_521 : vector<16xi32>
                %lt3A_523 = arith.cmpf olt, %add3A_518, %select_n3A_503 : vector<16xf32>
                %select_n3A_524 = arith.select %lt3A_523, %add3A_518, %select_n3A_503 : vector<16xi1>, vector<16xf32>
                %select_n3A_525 = arith.select %lt3A_523, %add3A_522, %select_n3A_504 : vector<16xi1>, vector<16xi32>
                %mul3A_526 = arith.constant 16 : i32
                %mul3A_527 = arith.muli %scan3A_293, %mul3A_526 : i32
                %add3A_528 = arith.constant 11 : i32
                %add3A_529 = arith.addi %mul3A_527, %add3A_528 : i32
                %mul3A_530 = arith.constant 16 : i32
                %mul3A_531 = arith.muli %add3A_529, %mul3A_530 : i32
                %get3A_532 = arith.index_cast %add3A_112 : i32 to index
                %get3A_533 = arith.index_cast %mul3A_531 : i32 to index
                %get3A_534 = tpu.vector_load %arg4[%get3A_532, %get3A_533] {strides = array<i32>} : memref<16x2048xf32, #tpu.memory_space<vmem>>, vector<16xf32>,
                %mul3A_535 = arith.constant 16 : i32
                %mul3A_536 = arith.muli %add3A_529, %mul3A_535 : i32
                %get3A_537 = arith.index_cast %mul3A_536 : i32 to index
                %get3A_538 = tpu.vector_load %arg6[%get3A_537] {strides = array<i32>} : memref<2048xf32, #tpu.memory_space<vmem>>, vector<16xf32>,
                %add3A_539 = arith.addf %get3A_534, %get3A_538 : vector<16xf32>
                %mul3A_540 = arith.constant 16 : i32
                %mul3A_541 = arith.muli %add3A_529, %mul3A_540 : i32
                %add3A_542 = vector.broadcast %mul3A_541 : i32 to vector<16xi32>
                %add3A_543 = arith.addi %iota3A, %add3A_542 : vector<16xi32>
                %lt3A_544 = arith.cmpf olt, %add3A_539, %select_n3A_524 : vector<16xf32>
                %select_n3A_545 = arith.select %lt3A_544, %add3A_539, %select_n3A_524 : vector<16xi1>, vector<16xf32>
                %select_n3A_546 = arith.select %lt3A_544, %add3A_543, %select_n3A_525 : vector<16xi1>, vector<16xi32>
                %mul3A_547 = arith.constant 16 : i32
                %mul3A_548 = arith.muli %scan3A_293, %mul3A_547 : i32
                %add3A_549 = arith.constant 12 : i32
                %add3A_550 = arith.addi %mul3A_548, %add3A_549 : i32
                %mul3A_551 = arith.constant 16 : i32
                %mul3A_552 = arith.muli %add3A_550, %mul3A_551 : i32
                %get3A_553 = arith.index_cast %add3A_112 : i32 to index
                %get3A_554 = arith.index_cast %mul3A_552 : i32 to index
                %get3A_555 = tpu.vector_load %arg4[%get3A_553, %get3A_554] {strides = array<i32>} : memref<16x2048xf32, #tpu.memory_space<vmem>>, vector<16xf32>,
                %mul3A_556 = arith.constant 16 : i32
                %mul3A_557 = arith.muli %add3A_550, %mul3A_556 : i32
                %get3A_558 = arith.index_cast %mul3A_557 : i32 to index
                %get3A_559 = tpu.vector_load %arg6[%get3A_558] {strides = array<i32>} : memref<2048xf32, #tpu.memory_space<vmem>>, vector<16xf32>,
                %add3A_560 = arith.addf %get3A_555, %get3A_559 : vector<16xf32>
                %mul3A_561 = arith.constant 16 : i32
                %mul3A_562 = arith.muli %add3A_550, %mul3A_561 : i32
                %add3A_563 = vector.broadcast %mul3A_562 : i32 to vector<16xi32>
                %add3A_564 = arith.addi %iota3A, %add3A_563 : vector<16xi32>
                %lt3A_565 = arith.cmpf olt, %add3A_560, %select_n3A_545 : vector<16xf32>
                %select_n3A_566 = arith.select %lt3A_565, %add3A_560, %select_n3A_545 : vector<16xi1>, vector<16xf32>
                %select_n3A_567 = arith.select %lt3A_565, %add3A_564, %select_n3A_546 : vector<16xi1>, vector<16xi32>
                %mul3A_568 = arith.constant 16 : i32
                %mul3A_569 = arith.muli %scan3A_293, %mul3A_568 : i32
                %add3A_570 = arith.constant 13 : i32
                %add3A_571 = arith.addi %mul3A_569, %add3A_570 : i32
                %mul3A_572 = arith.constant 16 : i32
                %mul3A_573 = arith.muli %add3A_571, %mul3A_572 : i32
                %get3A_574 = arith.index_cast %add3A_112 : i32 to index
                %get3A_575 = arith.index_cast %mul3A_573 : i32 to index
                %get3A_576 = tpu.vector_load %arg4[%get3A_574, %get3A_575] {strides = array<i32>} : memref<16x2048xf32, #tpu.memory_space<vmem>>, vector<16xf32>,
                %mul3A_577 = arith.constant 16 : i32
                %mul3A_578 = arith.muli %add3A_571, %mul3A_577 : i32
                %get3A_579 = arith.index_cast %mul3A_578 : i32 to index
                %get3A_580 = tpu.vector_load %arg6[%get3A_579] {strides = array<i32>} : memref<2048xf32, #tpu.memory_space<vmem>>, vector<16xf32>,
                %add3A_581 = arith.addf %get3A_576, %get3A_580 : vector<16xf32>
                %mul3A_582 = arith.constant 16 : i32
                %mul3A_583 = arith.muli %add3A_571, %mul3A_582 : i32
                %add3A_584 = vector.broadcast %mul3A_583 : i32 to vector<16xi32>
                %add3A_585 = arith.addi %iota3A, %add3A_584 : vector<16xi32>
                %lt3A_586 = arith.cmpf olt, %add3A_581, %select_n3A_566 : vector<16xf32>
                %select_n3A_587 = arith.select %lt3A_586, %add3A_581, %select_n3A_566 : vector<16xi1>, vector<16xf32>
                %select_n3A_588 = arith.select %lt3A_586, %add3A_585, %select_n3A_567 : vector<16xi1>, vector<16xi32>
                %mul3A_589 = arith.constant 16 : i32
                %mul3A_590 = arith.muli %scan3A_293, %mul3A_589 : i32
                %add3A_591 = arith.constant 14 : i32
                %add3A_592 = arith.addi %mul3A_590, %add3A_591 : i32
                %mul3A_593 = arith.constant 16 : i32
                %mul3A_594 = arith.muli %add3A_592, %mul3A_593 : i32
                %get3A_595 = arith.index_cast %add3A_112 : i32 to index
                %get3A_596 = arith.index_cast %mul3A_594 : i32 to index
                %get3A_597 = tpu.vector_load %arg4[%get3A_595, %get3A_596] {strides = array<i32>} : memref<16x2048xf32, #tpu.memory_space<vmem>>, vector<16xf32>,
                %mul3A_598 = arith.constant 16 : i32
                %mul3A_599 = arith.muli %add3A_592, %mul3A_598 : i32
                %get3A_600 = arith.index_cast %mul3A_599 : i32 to index
                %get3A_601 = tpu.vector_load %arg6[%get3A_600] {strides = array<i32>} : memref<2048xf32, #tpu.memory_space<vmem>>, vector<16xf32>,
                %add3A_602 = arith.addf %get3A_597, %get3A_601 : vector<16xf32>
                %mul3A_603 = arith.constant 16 : i32
                %mul3A_604 = arith.muli %add3A_592, %mul3A_603 : i32
                %add3A_605 = vector.broadcast %mul3A_604 : i32 to vector<16xi32>
                %add3A_606 = arith.addi %iota3A, %add3A_605 : vector<16xi32>
                %lt3A_607 = arith.cmpf olt, %add3A_602, %select_n3A_587 : vector<16xf32>
                %select_n3A_608 = arith.select %lt3A_607, %add3A_602, %select_n3A_587 : vector<16xi1>, vector<16xf32>
                %select_n3A_609 = arith.select %lt3A_607, %add3A_606, %select_n3A_588 : vector<16xi1>, vector<16xi32>
                %mul3A_610 = arith.constant 16 : i32
                %mul3A_611 = arith.muli %scan3A_293, %mul3A_610 : i32
                %add3A_612 = arith.constant 15 : i32
                %add3A_613 = arith.addi %mul3A_611, %add3A_612 : i32
                %mul3A_614 = arith.constant 16 : i32
                %mul3A_615 = arith.muli %add3A_613, %mul3A_614 : i32
                %get3A_616 = arith.index_cast %add3A_112 : i32 to index
                %get3A_617 = arith.index_cast %mul3A_615 : i32 to index
                %get3A_618 = tpu.vector_load %arg4[%get3A_616, %get3A_617] {strides = array<i32>} : memref<16x2048xf32, #tpu.memory_space<vmem>>, vector<16xf32>,
                %mul3A_619 = arith.constant 16 : i32
                %mul3A_620 = arith.muli %add3A_613, %mul3A_619 : i32
                %get3A_621 = arith.index_cast %mul3A_620 : i32 to index
                %get3A_622 = tpu.vector_load %arg6[%get3A_621] {strides = array<i32>} : memref<2048xf32, #tpu.memory_space<vmem>>, vector<16xf32>,
                %add3A_623 = arith.addf %get3A_618, %get3A_622 : vector<16xf32>
                %mul3A_624 = arith.constant 16 : i32
                %mul3A_625 = arith.muli %add3A_613, %mul3A_624 : i32
                %add3A_626 = vector.broadcast %mul3A_625 : i32 to vector<16xi32>
                %add3A_627 = arith.addi %iota3A, %add3A_626 : vector<16xi32>
                %lt3A_628 = arith.cmpf olt, %add3A_623, %select_n3A_608 : vector<16xf32>
                %select_n3A_629 = arith.select %lt3A_628, %add3A_623, %select_n3A_608 : vector<16xi1>, vector<16xf32>
                %select_n3A_630 = arith.select %lt3A_628, %add3A_627, %select_n3A_609 : vector<16xi1>, vector<16xi32>
                scf.yield %select_n3A_629, %select_n3A_630 : vector<16xf32>, vector<16xi32>
              }
              %scan3A_226 = arith.constant 8 : i32
              %xor3A_227 = arith.constant 1 : i32
              %xor3A_228 = vector.broadcast %xor3A_227 : i32 to vector<16xi32>
              %xor3A_229 = arith.xori %iota3A, %xor3A_228 : vector<16xi32>
              %broadcast_in_dim3A_230 = vector.shape_cast %xor3A_229 : vector<16xi32> to vector<16x1xi32>
              %gather3A_231 = vector.shape_cast %broadcast_in_dim3A_230 : vector<16x1xi32> to vector<16xi32>
              %gather3A_232 = tpu.dynamic_gather %scan3A_225#0[%gather3A_231] in [0] : vector<16xf32>, vector<16xi32> -> vector<16xf32>
              %min3A_233 = arith.minimumf %scan3A_225#0, %gather3A_232 : vector<16xf32>
              %xor3A_234 = arith.constant 2 : i32
              %xor3A_235 = vector.broadcast %xor3A_234 : i32 to vector<16xi32>
              %xor3A_236 = arith.xori %iota3A, %xor3A_235 : vector<16xi32>
              %broadcast_in_dim3A_237 = vector.shape_cast %xor3A_236 : vector<16xi32> to vector<16x1xi32>
              %gather3A_238 = vector.shape_cast %broadcast_in_dim3A_237 : vector<16x1xi32> to vector<16xi32>
              %gather3A_239 = tpu.dynamic_gather %min3A_233[%gather3A_238] in [0] : vector<16xf32>, vector<16xi32> -> vector<16xf32>
              %min3A_240 = arith.minimumf %min3A_233, %gather3A_239 : vector<16xf32>
              %xor3A_241 = arith.constant 4 : i32
              %xor3A_242 = vector.broadcast %xor3A_241 : i32 to vector<16xi32>
              %xor3A_243 = arith.xori %iota3A, %xor3A_242 : vector<16xi32>
              %broadcast_in_dim3A_244 = vector.shape_cast %xor3A_243 : vector<16xi32> to vector<16x1xi32>
              %gather3A_245 = vector.shape_cast %broadcast_in_dim3A_244 : vector<16x1xi32> to vector<16xi32>
              %gather3A_246 = tpu.dynamic_gather %min3A_240[%gather3A_245] in [0] : vector<16xf32>, vector<16xi32> -> vector<16xf32>
              %min3A_247 = arith.minimumf %min3A_240, %gather3A_246 : vector<16xf32>
              %xor3A_248 = arith.constant 8 : i32
              %xor3A_249 = vector.broadcast %xor3A_248 : i32 to vector<16xi32>
              %xor3A_250 = arith.xori %iota3A, %xor3A_249 : vector<16xi32>
              %broadcast_in_dim3A_251 = vector.shape_cast %xor3A_250 : vector<16xi32> to vector<16x1xi32>
              %gather3A_252 = vector.shape_cast %broadcast_in_dim3A_251 : vector<16x1xi32> to vector<16xi32>
              %gather3A_253 = tpu.dynamic_gather %min3A_247[%gather3A_252] in [0] : vector<16xf32>, vector<16xi32> -> vector<16xf32>
              %min3A_254 = arith.minimumf %min3A_247, %gather3A_253 : vector<16xf32>
              %eq3A_255 = arith.cmpf oeq, %scan3A_225#0, %min3A_254 : vector<16xf32>
              %select_n3A_256 = arith.select %eq3A_255, %scan3A_225#1, %broadcast_in_dim3A_32 : vector<16xi1>, vector<16xi32>
              %xor3A_257 = arith.constant 1 : i32
              %xor3A_258 = vector.broadcast %xor3A_257 : i32 to vector<16xi32>
              %xor3A_259 = arith.xori %iota3A, %xor3A_258 : vector<16xi32>
              %broadcast_in_dim3A_260 = vector.shape_cast %xor3A_259 : vector<16xi32> to vector<16x1xi32>
              %gather3A_261 = vector.shape_cast %broadcast_in_dim3A_260 : vector<16x1xi32> to vector<16xi32>
              %gather3A_262 = tpu.dynamic_gather %select_n3A_256[%gather3A_261] in [0] : vector<16xi32>, vector<16xi32> -> vector<16xi32>
              %min3A_263 = arith.minsi %select_n3A_256, %gather3A_262 : vector<16xi32>
              %xor3A_264 = arith.constant 2 : i32
              %xor3A_265 = vector.broadcast %xor3A_264 : i32 to vector<16xi32>
              %xor3A_266 = arith.xori %iota3A, %xor3A_265 : vector<16xi32>
              %broadcast_in_dim3A_267 = vector.shape_cast %xor3A_266 : vector<16xi32> to vector<16x1xi32>
              %gather3A_268 = vector.shape_cast %broadcast_in_dim3A_267 : vector<16x1xi32> to vector<16xi32>
              %gather3A_269 = tpu.dynamic_gather %min3A_263[%gather3A_268] in [0] : vector<16xi32>, vector<16xi32> -> vector<16xi32>
              %min3A_270 = arith.minsi %min3A_263, %gather3A_269 : vector<16xi32>
              %xor3A_271 = arith.constant 4 : i32
              %xor3A_272 = vector.broadcast %xor3A_271 : i32 to vector<16xi32>
              %xor3A_273 = arith.xori %iota3A, %xor3A_272 : vector<16xi32>
              %broadcast_in_dim3A_274 = vector.shape_cast %xor3A_273 : vector<16xi32> to vector<16x1xi32>
              %gather3A_275 = vector.shape_cast %broadcast_in_dim3A_274 : vector<16x1xi32> to vector<16xi32>
              %gather3A_276 = tpu.dynamic_gather %min3A_270[%gather3A_275] in [0] : vector<16xi32>, vector<16xi32> -> vector<16xi32>
              %min3A_277 = arith.minsi %min3A_270, %gather3A_276 : vector<16xi32>
              %xor3A_278 = arith.constant 8 : i32
              %xor3A_279 = vector.broadcast %xor3A_278 : i32 to vector<16xi32>
              %xor3A_280 = arith.xori %iota3A, %xor3A_279 : vector<16xi32>
              %broadcast_in_dim3A_281 = vector.shape_cast %xor3A_280 : vector<16xi32> to vector<16x1xi32>
              %gather3A_282 = vector.shape_cast %broadcast_in_dim3A_281 : vector<16x1xi32> to vector<16xi32>
              %gather3A_283 = tpu.dynamic_gather %min3A_277[%gather3A_282] in [0] : vector<16xi32>, vector<16xi32> -> vector<16xi32>
              %min3A_284 = arith.minsi %min3A_277, %gather3A_283 : vector<16xi32>
              %reduce_min3A_285 = arith.constant true
              %reduce_min3A_286 = vector.broadcast %reduce_min3A_285 : i1 to vector<16xi1>
              %reduce_min3A_287 = arith.constant -2147483648 : i32
              %reduce_min3A_288 = vector.broadcast %reduce_min3A_287 : i32 to vector<16xi32>
              %reduce_min3A_289 = arith.xori %min3A_284, %reduce_min3A_288 : vector<16xi32>
              %reduce_min3A_290 = tpu.scan <min>, %reduce_min3A_289 masked %reduce_min3A_286 : vector<16xi32>, vector<16xi1> -> vector<16xi32>
              %reduce_min3A_291 = arith.xori %reduce_min3A_290, %reduce_min3A_288 : vector<16xi32>
              %reduce_min3A_292 = vector.extract %reduce_min3A_291[15] : i32 from vector<16xi32>
              scf.yield %min3A_254, %reduce_min3A_292 : vector<16xf32>, i32
            } else {
              scf.yield %min3A_145, %reduce_min3A_181 : vector<16xf32>, i32
            }
            scf.yield %cond3A_220#0, %cond3A_220#1 : vector<16xf32>, i32
          } else {
            scf.yield %min3A_145, %reduce_min3A_181 : vector<16xf32>, i32
          }
          %shift_right_arithmetic3A = arith.constant 1 : i32
          %shift_right_arithmetic3A_187 = arith.shrsi %add3A_113, %shift_right_arithmetic3A : i32
          %and3A_188 = arith.constant 1 : i32
          %and3A_189 = arith.andi %shift_right_arithmetic3A_187, %and3A_188 : i32
          %add3A_190 = arith.constant 1 : i32
          %add3A_191 = arith.addi %cond3A_186#1, %add3A_190 : i32
          %sc_fetch_and_add3A = tpu.fetch_and_add_sync %arg8[%and3A_189], %add3A_191, %xor3A_20 : memref<2xi32, #tpu.memory_space<smem>>, i32 -> i32
          %broadcast_in_dim3A_192 = vector.broadcast %cond3A_186#1 : i32 to vector<16xi32>
          %eq3A_193 = arith.constant 0 : i32
          %eq3A_194 = vector.broadcast %eq3A_193 : i32 to vector<16xi32>
          %eq3A_195 = arith.cmpi eq, %iota3A, %eq3A_194 : vector<16xi32>
          tpu.vector_store_idx %arg6[%broadcast_in_dim3A_192], %broadcast_in_dim3A_34 masked %eq3A_195 : memref<2048xf32, #tpu.memory_space<vmem>>[vector<16xi32>], vector<16xf32>, vector<16xi1>
          %broadcast_in_dim3A_196 = vector.broadcast %add3A_113 : i32 to vector<16xi32>
          %eq3A_197 = arith.constant 0 : i32
          %eq3A_198 = vector.broadcast %eq3A_197 : i32 to vector<16xi32>
          %eq3A_199 = arith.cmpi eq, %iota3A, %eq3A_198 : vector<16xi32>
          tpu.vector_store_idx %arg7[%broadcast_in_dim3A_196], %cond3A_186#0 masked %eq3A_199 : memref<2048xf32, #tpu.memory_space<vmem>>[vector<16xi32>], vector<16xf32>, vector<16xi1>
        }
        %scan3A_75 = arith.constant 8 : i32
        %mul3A_76 = arith.constant 2 : i32
        %mul3A_77 = arith.muli %mul3A_76, %scan3A_59 : i32
        %add3A_78 = arith.constant 2 : i32
        %add3A_79 = arith.addi %mul3A_77, %add3A_78 : i32
        %lt3A_80 = arith.constant 128 : i32
        %lt3A_81 = arith.cmpi slt, %add3A_79, %lt3A_80 : i32
        %convert_element_type3A_82 = arith.extui %lt3A_81 : i1 to i32
        %cond3A_83 = arith.constant 0 : i32
        %cond3A_84 = arith.cmpi ne, %convert_element_type3A_82, %cond3A_83 : i32
        scf.if %cond3A_84 {
          %mul3A_109 = arith.constant 2 : i32
          %mul3A_110 = arith.muli %mul3A_109, %scan3A_59 : i32
          %add3A_111 = arith.constant 2 : i32
          %add3A_112 = arith.addi %mul3A_110, %add3A_111 : i32
          %mul3A_113 = arith.constant 16 : i32
          %mul3A_114 = arith.muli %add3A_112, %mul3A_113 : i32
          %dma_start3A_115 = arith.constant 0 : i32
          %dma_start3A_116 = tpu.memref_slice %arg2[%add3A, %mul3A_114, %dma_start3A_115] : memref<8x2048x2048xf32, #tpu.memory_space<hbm>> -> memref<1x16x2048xf32, #tpu.memory_space<hbm>>
          %dma_start3A_117 = tpu.memref_squeeze %dma_start3A_116 : memref<1x16x2048xf32, #tpu.memory_space<hbm>> -> memref<16x2048xf32, #tpu.memory_space<hbm>>
          %dma_start3A_118 = arith.constant 0 : i32
          %dma_start3A_119 = tpu.memref_slice %arg2[%add3A, %mul3A_114, %dma_start3A_118] : memref<8x2048x2048xf32, #tpu.memory_space<hbm>> -> memref<1x16x2048xf32, #tpu.memory_space<hbm>>
          %dma_start3A_120 = tpu.memref_squeeze %dma_start3A_119 : memref<1x16x2048xf32, #tpu.memory_space<hbm>> -> memref<16x2048xf32, #tpu.memory_space<hbm>>
          tpu.enqueue_dma source(%dma_start3A_120 : memref<16x2048xf32, #tpu.memory_space<hbm>>) target(%arg4 : memref<16x2048xf32, #tpu.memory_space<vmem>>) target_semaphore(%arg9 : memref<!tpu.dma_semaphore, #tpu.memory_space<semaphore_mem>>)
        } else {
        }
        %dma_wait3A_85 = arith.constant 0 : i32
        %dma_wait3A_86 = arith.constant 0 : i32
        %dma_wait3A_87 = tpu.memref_slice %arg2[%add3A, %dma_wait3A_85, %dma_wait3A_86] : memref<8x2048x2048xf32, #tpu.memory_space<hbm>> -> memref<1x16x2048xf32, #tpu.memory_space<hbm>>
        %dma_wait3A_88 = tpu.memref_squeeze %dma_wait3A_87 : memref<1x16x2048xf32, #tpu.memory_space<hbm>> -> memref<16x2048xf32, #tpu.memory_space<hbm>>
        %dma_wait3A_89 = arith.constant 0 : i32
        %dma_wait3A_90 = arith.constant 0 : i32
        %dma_wait3A_91 = tpu.memref_slice %arg2[%add3A, %dma_wait3A_89, %dma_wait3A_90] : memref<8x2048x2048xf32, #tpu.memory_space<hbm>> -> memref<1x16x2048xf32, #tpu.memory_space<hbm>>
        %dma_wait3A_92 = tpu.memref_squeeze %dma_wait3A_91 : memref<1x16x2048xf32, #tpu.memory_space<hbm>> -> memref<16x2048xf32, #tpu.memory_space<hbm>>
        tpu.wait_dma2 semaphore(%arg10 : memref<!tpu.dma_semaphore, #tpu.memory_space<semaphore_mem>>) src(%dma_wait3A_92 : memref<16x2048xf32, #tpu.memory_space<hbm>>) dst(%arg5 : memref<16x2048xf32, #tpu.memory_space<vmem>>)
        %add3A_93 = arith.constant 16 : i32
        %add3A_94 = arith.addi %mul3A_63, %add3A_93 : i32
        %scan3A_95 = arith.constant 0 : i32
        %scan3A_96 = arith.constant 8 : i32
        %scan3A_97 = arith.addi %scan3A_95, %scan3A_96 : i32
        %scan3A_98 = arith.constant 1 : i32
        scf.for %scan3A_109 = %scan3A_95 to %scan3A_97 step %scan3A_98  : i32 {
          %mul3A_110 = arith.constant 2 : i32
          %mul3A_111 = arith.muli %mul3A_110, %scan3A_109 : i32
          %add3A_112 = arith.addi %mul3A_111, %and3A_19 : i32
          %add3A_113 = arith.addi %add3A_94, %add3A_112 : i32
          %scan3A_114 = arith.constant 0 : i32
          %scan3A_115 = arith.constant 8 : i32
          %scan3A_116 = arith.addi %scan3A_114, %scan3A_115 : i32
          %scan3A_117 = arith.constant 1 : i32
          %scan3A_118:2 = scf.for %scan3A_200 = %scan3A_114 to %scan3A_116 step %scan3A_117 iter_args(%scan3A_201 = %broadcast_in_dim3A_34, %scan3A_202 = %broadcast_in_dim3A_32) -> (vector<16xf32>, vector<16xi32>)  : i32 {
            %mul3A_203 = arith.constant 16 : i32
            %mul3A_204 = arith.muli %scan3A_200, %mul3A_203 : i32
            %add3A_205 = arith.constant 0 : i32
            %add3A_206 = arith.addi %mul3A_204, %add3A_205 : i32
            %mul3A_207 = arith.constant 16 : i32
            %mul3A_208 = arith.muli %add3A_206, %mul3A_207 : i32
            %get3A = arith.index_cast %add3A_112 : i32 to index
            %get3A_209 = arith.index_cast %mul3A_208 : i32 to index
            %get3A_210 = tpu.vector_load %arg5[%get3A, %get3A_209] {strides = array<i32>} : memref<16x2048xf32, #tpu.memory_space<vmem>>, vector<16xf32>,
            %mul3A_211 = arith.constant 16 : i32
            %mul3A_212 = arith.muli %add3A_206, %mul3A_211 : i32
            %get3A_213 = arith.index_cast %mul3A_212 : i32 to index
            %get3A_214 = tpu.vector_load %arg6[%get3A_213] {strides = array<i32>} : memref<2048xf32, #tpu.memory_space<vmem>>, vector<16xf32>,
            %add3A_215 = arith.addf %get3A_210, %get3A_214 : vector<16xf32>
            %mul3A_216 = arith.constant 16 : i32
            %mul3A_217 = arith.muli %add3A_206, %mul3A_216 : i32
            %add3A_218 = vector.broadcast %mul3A_217 : i32 to vector<16xi32>
            %add3A_219 = arith.addi %iota3A, %add3A_218 : vector<16xi32>
            %lt3A_220 = arith.cmpf olt, %add3A_215, %scan3A_201 : vector<16xf32>
            %select_n3A_221 = arith.select %lt3A_220, %add3A_215, %scan3A_201 : vector<16xi1>, vector<16xf32>
            %select_n3A_222 = arith.select %lt3A_220, %add3A_219, %scan3A_202 : vector<16xi1>, vector<16xi32>
            %mul3A_223 = arith.constant 16 : i32
            %mul3A_224 = arith.muli %scan3A_200, %mul3A_223 : i32
            %add3A_225 = arith.constant 1 : i32
            %add3A_226 = arith.addi %mul3A_224, %add3A_225 : i32
            %mul3A_227 = arith.constant 16 : i32
            %mul3A_228 = arith.muli %add3A_226, %mul3A_227 : i32
            %get3A_229 = arith.index_cast %add3A_112 : i32 to index
            %get3A_230 = arith.index_cast %mul3A_228 : i32 to index
            %get3A_231 = tpu.vector_load %arg5[%get3A_229, %get3A_230] {strides = array<i32>} : memref<16x2048xf32, #tpu.memory_space<vmem>>, vector<16xf32>,
            %mul3A_232 = arith.constant 16 : i32
            %mul3A_233 = arith.muli %add3A_226, %mul3A_232 : i32
            %get3A_234 = arith.index_cast %mul3A_233 : i32 to index
            %get3A_235 = tpu.vector_load %arg6[%get3A_234] {strides = array<i32>} : memref<2048xf32, #tpu.memory_space<vmem>>, vector<16xf32>,
            %add3A_236 = arith.addf %get3A_231, %get3A_235 : vector<16xf32>
            %mul3A_237 = arith.constant 16 : i32
            %mul3A_238 = arith.muli %add3A_226, %mul3A_237 : i32
            %add3A_239 = vector.broadcast %mul3A_238 : i32 to vector<16xi32>
            %add3A_240 = arith.addi %iota3A, %add3A_239 : vector<16xi32>
            %lt3A_241 = arith.cmpf olt, %add3A_236, %select_n3A_221 : vector<16xf32>
            %select_n3A_242 = arith.select %lt3A_241, %add3A_236, %select_n3A_221 : vector<16xi1>, vector<16xf32>
            %select_n3A_243 = arith.select %lt3A_241, %add3A_240, %select_n3A_222 : vector<16xi1>, vector<16xi32>
            %mul3A_244 = arith.constant 16 : i32
            %mul3A_245 = arith.muli %scan3A_200, %mul3A_244 : i32
            %add3A_246 = arith.constant 2 : i32
            %add3A_247 = arith.addi %mul3A_245, %add3A_246 : i32
            %mul3A_248 = arith.constant 16 : i32
            %mul3A_249 = arith.muli %add3A_247, %mul3A_248 : i32
            %get3A_250 = arith.index_cast %add3A_112 : i32 to index
            %get3A_251 = arith.index_cast %mul3A_249 : i32 to index
            %get3A_252 = tpu.vector_load %arg5[%get3A_250, %get3A_251] {strides = array<i32>} : memref<16x2048xf32, #tpu.memory_space<vmem>>, vector<16xf32>,
            %mul3A_253 = arith.constant 16 : i32
            %mul3A_254 = arith.muli %add3A_247, %mul3A_253 : i32
            %get3A_255 = arith.index_cast %mul3A_254 : i32 to index
            %get3A_256 = tpu.vector_load %arg6[%get3A_255] {strides = array<i32>} : memref<2048xf32, #tpu.memory_space<vmem>>, vector<16xf32>,
            %add3A_257 = arith.addf %get3A_252, %get3A_256 : vector<16xf32>
            %mul3A_258 = arith.constant 16 : i32
            %mul3A_259 = arith.muli %add3A_247, %mul3A_258 : i32
            %add3A_260 = vector.broadcast %mul3A_259 : i32 to vector<16xi32>
            %add3A_261 = arith.addi %iota3A, %add3A_260 : vector<16xi32>
            %lt3A_262 = arith.cmpf olt, %add3A_257, %select_n3A_242 : vector<16xf32>
            %select_n3A_263 = arith.select %lt3A_262, %add3A_257, %select_n3A_242 : vector<16xi1>, vector<16xf32>
            %select_n3A_264 = arith.select %lt3A_262, %add3A_261, %select_n3A_243 : vector<16xi1>, vector<16xi32>
            %mul3A_265 = arith.constant 16 : i32
            %mul3A_266 = arith.muli %scan3A_200, %mul3A_265 : i32
            %add3A_267 = arith.constant 3 : i32
            %add3A_268 = arith.addi %mul3A_266, %add3A_267 : i32
            %mul3A_269 = arith.constant 16 : i32
            %mul3A_270 = arith.muli %add3A_268, %mul3A_269 : i32
            %get3A_271 = arith.index_cast %add3A_112 : i32 to index
            %get3A_272 = arith.index_cast %mul3A_270 : i32 to index
            %get3A_273 = tpu.vector_load %arg5[%get3A_271, %get3A_272] {strides = array<i32>} : memref<16x2048xf32, #tpu.memory_space<vmem>>, vector<16xf32>,
            %mul3A_274 = arith.constant 16 : i32
            %mul3A_275 = arith.muli %add3A_268, %mul3A_274 : i32
            %get3A_276 = arith.index_cast %mul3A_275 : i32 to index
            %get3A_277 = tpu.vector_load %arg6[%get3A_276] {strides = array<i32>} : memref<2048xf32, #tpu.memory_space<vmem>>, vector<16xf32>,
            %add3A_278 = arith.addf %get3A_273, %get3A_277 : vector<16xf32>
            %mul3A_279 = arith.constant 16 : i32
            %mul3A_280 = arith.muli %add3A_268, %mul3A_279 : i32
            %add3A_281 = vector.broadcast %mul3A_280 : i32 to vector<16xi32>
            %add3A_282 = arith.addi %iota3A, %add3A_281 : vector<16xi32>
            %lt3A_283 = arith.cmpf olt, %add3A_278, %select_n3A_263 : vector<16xf32>
            %select_n3A_284 = arith.select %lt3A_283, %add3A_278, %select_n3A_263 : vector<16xi1>, vector<16xf32>
            %select_n3A_285 = arith.select %lt3A_283, %add3A_282, %select_n3A_264 : vector<16xi1>, vector<16xi32>
            %mul3A_286 = arith.constant 16 : i32
            %mul3A_287 = arith.muli %scan3A_200, %mul3A_286 : i32
            %add3A_288 = arith.constant 4 : i32
            %add3A_289 = arith.addi %mul3A_287, %add3A_288 : i32
            %mul3A_290 = arith.constant 16 : i32
            %mul3A_291 = arith.muli %add3A_289, %mul3A_290 : i32
            %get3A_292 = arith.index_cast %add3A_112 : i32 to index
            %get3A_293 = arith.index_cast %mul3A_291 : i32 to index
            %get3A_294 = tpu.vector_load %arg5[%get3A_292, %get3A_293] {strides = array<i32>} : memref<16x2048xf32, #tpu.memory_space<vmem>>, vector<16xf32>,
            %mul3A_295 = arith.constant 16 : i32
            %mul3A_296 = arith.muli %add3A_289, %mul3A_295 : i32
            %get3A_297 = arith.index_cast %mul3A_296 : i32 to index
            %get3A_298 = tpu.vector_load %arg6[%get3A_297] {strides = array<i32>} : memref<2048xf32, #tpu.memory_space<vmem>>, vector<16xf32>,
            %add3A_299 = arith.addf %get3A_294, %get3A_298 : vector<16xf32>
            %mul3A_300 = arith.constant 16 : i32
            %mul3A_301 = arith.muli %add3A_289, %mul3A_300 : i32
            %add3A_302 = vector.broadcast %mul3A_301 : i32 to vector<16xi32>
            %add3A_303 = arith.addi %iota3A, %add3A_302 : vector<16xi32>
            %lt3A_304 = arith.cmpf olt, %add3A_299, %select_n3A_284 : vector<16xf32>
            %select_n3A_305 = arith.select %lt3A_304, %add3A_299, %select_n3A_284 : vector<16xi1>, vector<16xf32>
            %select_n3A_306 = arith.select %lt3A_304, %add3A_303, %select_n3A_285 : vector<16xi1>, vector<16xi32>
            %mul3A_307 = arith.constant 16 : i32
            %mul3A_308 = arith.muli %scan3A_200, %mul3A_307 : i32
            %add3A_309 = arith.constant 5 : i32
            %add3A_310 = arith.addi %mul3A_308, %add3A_309 : i32
            %mul3A_311 = arith.constant 16 : i32
            %mul3A_312 = arith.muli %add3A_310, %mul3A_311 : i32
            %get3A_313 = arith.index_cast %add3A_112 : i32 to index
            %get3A_314 = arith.index_cast %mul3A_312 : i32 to index
            %get3A_315 = tpu.vector_load %arg5[%get3A_313, %get3A_314] {strides = array<i32>} : memref<16x2048xf32, #tpu.memory_space<vmem>>, vector<16xf32>,
            %mul3A_316 = arith.constant 16 : i32
            %mul3A_317 = arith.muli %add3A_310, %mul3A_316 : i32
            %get3A_318 = arith.index_cast %mul3A_317 : i32 to index
            %get3A_319 = tpu.vector_load %arg6[%get3A_318] {strides = array<i32>} : memref<2048xf32, #tpu.memory_space<vmem>>, vector<16xf32>,
            %add3A_320 = arith.addf %get3A_315, %get3A_319 : vector<16xf32>
            %mul3A_321 = arith.constant 16 : i32
            %mul3A_322 = arith.muli %add3A_310, %mul3A_321 : i32
            %add3A_323 = vector.broadcast %mul3A_322 : i32 to vector<16xi32>
            %add3A_324 = arith.addi %iota3A, %add3A_323 : vector<16xi32>
            %lt3A_325 = arith.cmpf olt, %add3A_320, %select_n3A_305 : vector<16xf32>
            %select_n3A_326 = arith.select %lt3A_325, %add3A_320, %select_n3A_305 : vector<16xi1>, vector<16xf32>
            %select_n3A_327 = arith.select %lt3A_325, %add3A_324, %select_n3A_306 : vector<16xi1>, vector<16xi32>
            %mul3A_328 = arith.constant 16 : i32
            %mul3A_329 = arith.muli %scan3A_200, %mul3A_328 : i32
            %add3A_330 = arith.constant 6 : i32
            %add3A_331 = arith.addi %mul3A_329, %add3A_330 : i32
            %mul3A_332 = arith.constant 16 : i32
            %mul3A_333 = arith.muli %add3A_331, %mul3A_332 : i32
            %get3A_334 = arith.index_cast %add3A_112 : i32 to index
            %get3A_335 = arith.index_cast %mul3A_333 : i32 to index
            %get3A_336 = tpu.vector_load %arg5[%get3A_334, %get3A_335] {strides = array<i32>} : memref<16x2048xf32, #tpu.memory_space<vmem>>, vector<16xf32>,
            %mul3A_337 = arith.constant 16 : i32
            %mul3A_338 = arith.muli %add3A_331, %mul3A_337 : i32
            %get3A_339 = arith.index_cast %mul3A_338 : i32 to index
            %get3A_340 = tpu.vector_load %arg6[%get3A_339] {strides = array<i32>} : memref<2048xf32, #tpu.memory_space<vmem>>, vector<16xf32>,
            %add3A_341 = arith.addf %get3A_336, %get3A_340 : vector<16xf32>
            %mul3A_342 = arith.constant 16 : i32
            %mul3A_343 = arith.muli %add3A_331, %mul3A_342 : i32
            %add3A_344 = vector.broadcast %mul3A_343 : i32 to vector<16xi32>
            %add3A_345 = arith.addi %iota3A, %add3A_344 : vector<16xi32>
            %lt3A_346 = arith.cmpf olt, %add3A_341, %select_n3A_326 : vector<16xf32>
            %select_n3A_347 = arith.select %lt3A_346, %add3A_341, %select_n3A_326 : vector<16xi1>, vector<16xf32>
            %select_n3A_348 = arith.select %lt3A_346, %add3A_345, %select_n3A_327 : vector<16xi1>, vector<16xi32>
            %mul3A_349 = arith.constant 16 : i32
            %mul3A_350 = arith.muli %scan3A_200, %mul3A_349 : i32
            %add3A_351 = arith.constant 7 : i32
            %add3A_352 = arith.addi %mul3A_350, %add3A_351 : i32
            %mul3A_353 = arith.constant 16 : i32
            %mul3A_354 = arith.muli %add3A_352, %mul3A_353 : i32
            %get3A_355 = arith.index_cast %add3A_112 : i32 to index
            %get3A_356 = arith.index_cast %mul3A_354 : i32 to index
            %get3A_357 = tpu.vector_load %arg5[%get3A_355, %get3A_356] {strides = array<i32>} : memref<16x2048xf32, #tpu.memory_space<vmem>>, vector<16xf32>,
            %mul3A_358 = arith.constant 16 : i32
            %mul3A_359 = arith.muli %add3A_352, %mul3A_358 : i32
            %get3A_360 = arith.index_cast %mul3A_359 : i32 to index
            %get3A_361 = tpu.vector_load %arg6[%get3A_360] {strides = array<i32>} : memref<2048xf32, #tpu.memory_space<vmem>>, vector<16xf32>,
            %add3A_362 = arith.addf %get3A_357, %get3A_361 : vector<16xf32>
            %mul3A_363 = arith.constant 16 : i32
            %mul3A_364 = arith.muli %add3A_352, %mul3A_363 : i32
            %add3A_365 = vector.broadcast %mul3A_364 : i32 to vector<16xi32>
            %add3A_366 = arith.addi %iota3A, %add3A_365 : vector<16xi32>
            %lt3A_367 = arith.cmpf olt, %add3A_362, %select_n3A_347 : vector<16xf32>
            %select_n3A_368 = arith.select %lt3A_367, %add3A_362, %select_n3A_347 : vector<16xi1>, vector<16xf32>
            %select_n3A_369 = arith.select %lt3A_367, %add3A_366, %select_n3A_348 : vector<16xi1>, vector<16xi32>
            %mul3A_370 = arith.constant 16 : i32
            %mul3A_371 = arith.muli %scan3A_200, %mul3A_370 : i32
            %add3A_372 = arith.constant 8 : i32
            %add3A_373 = arith.addi %mul3A_371, %add3A_372 : i32
            %mul3A_374 = arith.constant 16 : i32
            %mul3A_375 = arith.muli %add3A_373, %mul3A_374 : i32
            %get3A_376 = arith.index_cast %add3A_112 : i32 to index
            %get3A_377 = arith.index_cast %mul3A_375 : i32 to index
            %get3A_378 = tpu.vector_load %arg5[%get3A_376, %get3A_377] {strides = array<i32>} : memref<16x2048xf32, #tpu.memory_space<vmem>>, vector<16xf32>,
            %mul3A_379 = arith.constant 16 : i32
            %mul3A_380 = arith.muli %add3A_373, %mul3A_379 : i32
            %get3A_381 = arith.index_cast %mul3A_380 : i32 to index
            %get3A_382 = tpu.vector_load %arg6[%get3A_381] {strides = array<i32>} : memref<2048xf32, #tpu.memory_space<vmem>>, vector<16xf32>,
            %add3A_383 = arith.addf %get3A_378, %get3A_382 : vector<16xf32>
            %mul3A_384 = arith.constant 16 : i32
            %mul3A_385 = arith.muli %add3A_373, %mul3A_384 : i32
            %add3A_386 = vector.broadcast %mul3A_385 : i32 to vector<16xi32>
            %add3A_387 = arith.addi %iota3A, %add3A_386 : vector<16xi32>
            %lt3A_388 = arith.cmpf olt, %add3A_383, %select_n3A_368 : vector<16xf32>
            %select_n3A_389 = arith.select %lt3A_388, %add3A_383, %select_n3A_368 : vector<16xi1>, vector<16xf32>
            %select_n3A_390 = arith.select %lt3A_388, %add3A_387, %select_n3A_369 : vector<16xi1>, vector<16xi32>
            %mul3A_391 = arith.constant 16 : i32
            %mul3A_392 = arith.muli %scan3A_200, %mul3A_391 : i32
            %add3A_393 = arith.constant 9 : i32
            %add3A_394 = arith.addi %mul3A_392, %add3A_393 : i32
            %mul3A_395 = arith.constant 16 : i32
            %mul3A_396 = arith.muli %add3A_394, %mul3A_395 : i32
            %get3A_397 = arith.index_cast %add3A_112 : i32 to index
            %get3A_398 = arith.index_cast %mul3A_396 : i32 to index
            %get3A_399 = tpu.vector_load %arg5[%get3A_397, %get3A_398] {strides = array<i32>} : memref<16x2048xf32, #tpu.memory_space<vmem>>, vector<16xf32>,
            %mul3A_400 = arith.constant 16 : i32
            %mul3A_401 = arith.muli %add3A_394, %mul3A_400 : i32
            %get3A_402 = arith.index_cast %mul3A_401 : i32 to index
            %get3A_403 = tpu.vector_load %arg6[%get3A_402] {strides = array<i32>} : memref<2048xf32, #tpu.memory_space<vmem>>, vector<16xf32>,
            %add3A_404 = arith.addf %get3A_399, %get3A_403 : vector<16xf32>
            %mul3A_405 = arith.constant 16 : i32
            %mul3A_406 = arith.muli %add3A_394, %mul3A_405 : i32
            %add3A_407 = vector.broadcast %mul3A_406 : i32 to vector<16xi32>
            %add3A_408 = arith.addi %iota3A, %add3A_407 : vector<16xi32>
            %lt3A_409 = arith.cmpf olt, %add3A_404, %select_n3A_389 : vector<16xf32>
            %select_n3A_410 = arith.select %lt3A_409, %add3A_404, %select_n3A_389 : vector<16xi1>, vector<16xf32>
            %select_n3A_411 = arith.select %lt3A_409, %add3A_408, %select_n3A_390 : vector<16xi1>, vector<16xi32>
            %mul3A_412 = arith.constant 16 : i32
            %mul3A_413 = arith.muli %scan3A_200, %mul3A_412 : i32
            %add3A_414 = arith.constant 10 : i32
            %add3A_415 = arith.addi %mul3A_413, %add3A_414 : i32
            %mul3A_416 = arith.constant 16 : i32
            %mul3A_417 = arith.muli %add3A_415, %mul3A_416 : i32
            %get3A_418 = arith.index_cast %add3A_112 : i32 to index
            %get3A_419 = arith.index_cast %mul3A_417 : i32 to index
            %get3A_420 = tpu.vector_load %arg5[%get3A_418, %get3A_419] {strides = array<i32>} : memref<16x2048xf32, #tpu.memory_space<vmem>>, vector<16xf32>,
            %mul3A_421 = arith.constant 16 : i32
            %mul3A_422 = arith.muli %add3A_415, %mul3A_421 : i32
            %get3A_423 = arith.index_cast %mul3A_422 : i32 to index
            %get3A_424 = tpu.vector_load %arg6[%get3A_423] {strides = array<i32>} : memref<2048xf32, #tpu.memory_space<vmem>>, vector<16xf32>,
            %add3A_425 = arith.addf %get3A_420, %get3A_424 : vector<16xf32>
            %mul3A_426 = arith.constant 16 : i32
            %mul3A_427 = arith.muli %add3A_415, %mul3A_426 : i32
            %add3A_428 = vector.broadcast %mul3A_427 : i32 to vector<16xi32>
            %add3A_429 = arith.addi %iota3A, %add3A_428 : vector<16xi32>
            %lt3A_430 = arith.cmpf olt, %add3A_425, %select_n3A_410 : vector<16xf32>
            %select_n3A_431 = arith.select %lt3A_430, %add3A_425, %select_n3A_410 : vector<16xi1>, vector<16xf32>
            %select_n3A_432 = arith.select %lt3A_430, %add3A_429, %select_n3A_411 : vector<16xi1>, vector<16xi32>
            %mul3A_433 = arith.constant 16 : i32
            %mul3A_434 = arith.muli %scan3A_200, %mul3A_433 : i32
            %add3A_435 = arith.constant 11 : i32
            %add3A_436 = arith.addi %mul3A_434, %add3A_435 : i32
            %mul3A_437 = arith.constant 16 : i32
            %mul3A_438 = arith.muli %add3A_436, %mul3A_437 : i32
            %get3A_439 = arith.index_cast %add3A_112 : i32 to index
            %get3A_440 = arith.index_cast %mul3A_438 : i32 to index
            %get3A_441 = tpu.vector_load %arg5[%get3A_439, %get3A_440] {strides = array<i32>} : memref<16x2048xf32, #tpu.memory_space<vmem>>, vector<16xf32>,
            %mul3A_442 = arith.constant 16 : i32
            %mul3A_443 = arith.muli %add3A_436, %mul3A_442 : i32
            %get3A_444 = arith.index_cast %mul3A_443 : i32 to index
            %get3A_445 = tpu.vector_load %arg6[%get3A_444] {strides = array<i32>} : memref<2048xf32, #tpu.memory_space<vmem>>, vector<16xf32>,
            %add3A_446 = arith.addf %get3A_441, %get3A_445 : vector<16xf32>
            %mul3A_447 = arith.constant 16 : i32
            %mul3A_448 = arith.muli %add3A_436, %mul3A_447 : i32
            %add3A_449 = vector.broadcast %mul3A_448 : i32 to vector<16xi32>
            %add3A_450 = arith.addi %iota3A, %add3A_449 : vector<16xi32>
            %lt3A_451 = arith.cmpf olt, %add3A_446, %select_n3A_431 : vector<16xf32>
            %select_n3A_452 = arith.select %lt3A_451, %add3A_446, %select_n3A_431 : vector<16xi1>, vector<16xf32>
            %select_n3A_453 = arith.select %lt3A_451, %add3A_450, %select_n3A_432 : vector<16xi1>, vector<16xi32>
            %mul3A_454 = arith.constant 16 : i32
            %mul3A_455 = arith.muli %scan3A_200, %mul3A_454 : i32
            %add3A_456 = arith.constant 12 : i32
            %add3A_457 = arith.addi %mul3A_455, %add3A_456 : i32
            %mul3A_458 = arith.constant 16 : i32
            %mul3A_459 = arith.muli %add3A_457, %mul3A_458 : i32
            %get3A_460 = arith.index_cast %add3A_112 : i32 to index
            %get3A_461 = arith.index_cast %mul3A_459 : i32 to index
            %get3A_462 = tpu.vector_load %arg5[%get3A_460, %get3A_461] {strides = array<i32>} : memref<16x2048xf32, #tpu.memory_space<vmem>>, vector<16xf32>,
            %mul3A_463 = arith.constant 16 : i32
            %mul3A_464 = arith.muli %add3A_457, %mul3A_463 : i32
            %get3A_465 = arith.index_cast %mul3A_464 : i32 to index
            %get3A_466 = tpu.vector_load %arg6[%get3A_465] {strides = array<i32>} : memref<2048xf32, #tpu.memory_space<vmem>>, vector<16xf32>,
            %add3A_467 = arith.addf %get3A_462, %get3A_466 : vector<16xf32>
            %mul3A_468 = arith.constant 16 : i32
            %mul3A_469 = arith.muli %add3A_457, %mul3A_468 : i32
            %add3A_470 = vector.broadcast %mul3A_469 : i32 to vector<16xi32>
            %add3A_471 = arith.addi %iota3A, %add3A_470 : vector<16xi32>
            %lt3A_472 = arith.cmpf olt, %add3A_467, %select_n3A_452 : vector<16xf32>
            %select_n3A_473 = arith.select %lt3A_472, %add3A_467, %select_n3A_452 : vector<16xi1>, vector<16xf32>
            %select_n3A_474 = arith.select %lt3A_472, %add3A_471, %select_n3A_453 : vector<16xi1>, vector<16xi32>
            %mul3A_475 = arith.constant 16 : i32
            %mul3A_476 = arith.muli %scan3A_200, %mul3A_475 : i32
            %add3A_477 = arith.constant 13 : i32
            %add3A_478 = arith.addi %mul3A_476, %add3A_477 : i32
            %mul3A_479 = arith.constant 16 : i32
            %mul3A_480 = arith.muli %add3A_478, %mul3A_479 : i32
            %get3A_481 = arith.index_cast %add3A_112 : i32 to index
            %get3A_482 = arith.index_cast %mul3A_480 : i32 to index
            %get3A_483 = tpu.vector_load %arg5[%get3A_481, %get3A_482] {strides = array<i32>} : memref<16x2048xf32, #tpu.memory_space<vmem>>, vector<16xf32>,
            %mul3A_484 = arith.constant 16 : i32
            %mul3A_485 = arith.muli %add3A_478, %mul3A_484 : i32
            %get3A_486 = arith.index_cast %mul3A_485 : i32 to index
            %get3A_487 = tpu.vector_load %arg6[%get3A_486] {strides = array<i32>} : memref<2048xf32, #tpu.memory_space<vmem>>, vector<16xf32>,
            %add3A_488 = arith.addf %get3A_483, %get3A_487 : vector<16xf32>
            %mul3A_489 = arith.constant 16 : i32
            %mul3A_490 = arith.muli %add3A_478, %mul3A_489 : i32
            %add3A_491 = vector.broadcast %mul3A_490 : i32 to vector<16xi32>
            %add3A_492 = arith.addi %iota3A, %add3A_491 : vector<16xi32>
            %lt3A_493 = arith.cmpf olt, %add3A_488, %select_n3A_473 : vector<16xf32>
            %select_n3A_494 = arith.select %lt3A_493, %add3A_488, %select_n3A_473 : vector<16xi1>, vector<16xf32>
            %select_n3A_495 = arith.select %lt3A_493, %add3A_492, %select_n3A_474 : vector<16xi1>, vector<16xi32>
            %mul3A_496 = arith.constant 16 : i32
            %mul3A_497 = arith.muli %scan3A_200, %mul3A_496 : i32
            %add3A_498 = arith.constant 14 : i32
            %add3A_499 = arith.addi %mul3A_497, %add3A_498 : i32
            %mul3A_500 = arith.constant 16 : i32
            %mul3A_501 = arith.muli %add3A_499, %mul3A_500 : i32
            %get3A_502 = arith.index_cast %add3A_112 : i32 to index
            %get3A_503 = arith.index_cast %mul3A_501 : i32 to index
            %get3A_504 = tpu.vector_load %arg5[%get3A_502, %get3A_503] {strides = array<i32>} : memref<16x2048xf32, #tpu.memory_space<vmem>>, vector<16xf32>,
            %mul3A_505 = arith.constant 16 : i32
            %mul3A_506 = arith.muli %add3A_499, %mul3A_505 : i32
            %get3A_507 = arith.index_cast %mul3A_506 : i32 to index
            %get3A_508 = tpu.vector_load %arg6[%get3A_507] {strides = array<i32>} : memref<2048xf32, #tpu.memory_space<vmem>>, vector<16xf32>,
            %add3A_509 = arith.addf %get3A_504, %get3A_508 : vector<16xf32>
            %mul3A_510 = arith.constant 16 : i32
            %mul3A_511 = arith.muli %add3A_499, %mul3A_510 : i32
            %add3A_512 = vector.broadcast %mul3A_511 : i32 to vector<16xi32>
            %add3A_513 = arith.addi %iota3A, %add3A_512 : vector<16xi32>
            %lt3A_514 = arith.cmpf olt, %add3A_509, %select_n3A_494 : vector<16xf32>
            %select_n3A_515 = arith.select %lt3A_514, %add3A_509, %select_n3A_494 : vector<16xi1>, vector<16xf32>
            %select_n3A_516 = arith.select %lt3A_514, %add3A_513, %select_n3A_495 : vector<16xi1>, vector<16xi32>
            %mul3A_517 = arith.constant 16 : i32
            %mul3A_518 = arith.muli %scan3A_200, %mul3A_517 : i32
            %add3A_519 = arith.constant 15 : i32
            %add3A_520 = arith.addi %mul3A_518, %add3A_519 : i32
            %mul3A_521 = arith.constant 16 : i32
            %mul3A_522 = arith.muli %add3A_520, %mul3A_521 : i32
            %get3A_523 = arith.index_cast %add3A_112 : i32 to index
            %get3A_524 = arith.index_cast %mul3A_522 : i32 to index
            %get3A_525 = tpu.vector_load %arg5[%get3A_523, %get3A_524] {strides = array<i32>} : memref<16x2048xf32, #tpu.memory_space<vmem>>, vector<16xf32>,
            %mul3A_526 = arith.constant 16 : i32
            %mul3A_527 = arith.muli %add3A_520, %mul3A_526 : i32
            %get3A_528 = arith.index_cast %mul3A_527 : i32 to index
            %get3A_529 = tpu.vector_load %arg6[%get3A_528] {strides = array<i32>} : memref<2048xf32, #tpu.memory_space<vmem>>, vector<16xf32>,
            %add3A_530 = arith.addf %get3A_525, %get3A_529 : vector<16xf32>
            %mul3A_531 = arith.constant 16 : i32
            %mul3A_532 = arith.muli %add3A_520, %mul3A_531 : i32
            %add3A_533 = vector.broadcast %mul3A_532 : i32 to vector<16xi32>
            %add3A_534 = arith.addi %iota3A, %add3A_533 : vector<16xi32>
            %lt3A_535 = arith.cmpf olt, %add3A_530, %select_n3A_515 : vector<16xf32>
            %select_n3A_536 = arith.select %lt3A_535, %add3A_530, %select_n3A_515 : vector<16xi1>, vector<16xf32>
            %select_n3A_537 = arith.select %lt3A_535, %add3A_534, %select_n3A_516 : vector<16xi1>, vector<16xi32>
            scf.yield %select_n3A_536, %select_n3A_537 : vector<16xf32>, vector<16xi32>
          }
          %scan3A_119 = arith.constant 8 : i32
          %xor3A_120 = arith.constant 1 : i32
          %xor3A_121 = vector.broadcast %xor3A_120 : i32 to vector<16xi32>
          %xor3A_122 = arith.xori %iota3A, %xor3A_121 : vector<16xi32>
          %broadcast_in_dim3A_123 = vector.shape_cast %xor3A_122 : vector<16xi32> to vector<16x1xi32>
          %gather3A = vector.shape_cast %broadcast_in_dim3A_123 : vector<16x1xi32> to vector<16xi32>
          %gather3A_124 = tpu.dynamic_gather %scan3A_118#0[%gather3A] in [0] : vector<16xf32>, vector<16xi32> -> vector<16xf32>
          %min3A = arith.minimumf %scan3A_118#0, %gather3A_124 : vector<16xf32>
          %xor3A_125 = arith.constant 2 : i32
          %xor3A_126 = vector.broadcast %xor3A_125 : i32 to vector<16xi32>
          %xor3A_127 = arith.xori %iota3A, %xor3A_126 : vector<16xi32>
          %broadcast_in_dim3A_128 = vector.shape_cast %xor3A_127 : vector<16xi32> to vector<16x1xi32>
          %gather3A_129 = vector.shape_cast %broadcast_in_dim3A_128 : vector<16x1xi32> to vector<16xi32>
          %gather3A_130 = tpu.dynamic_gather %min3A[%gather3A_129] in [0] : vector<16xf32>, vector<16xi32> -> vector<16xf32>
          %min3A_131 = arith.minimumf %min3A, %gather3A_130 : vector<16xf32>
          %xor3A_132 = arith.constant 4 : i32
          %xor3A_133 = vector.broadcast %xor3A_132 : i32 to vector<16xi32>
          %xor3A_134 = arith.xori %iota3A, %xor3A_133 : vector<16xi32>
          %broadcast_in_dim3A_135 = vector.shape_cast %xor3A_134 : vector<16xi32> to vector<16x1xi32>
          %gather3A_136 = vector.shape_cast %broadcast_in_dim3A_135 : vector<16x1xi32> to vector<16xi32>
          %gather3A_137 = tpu.dynamic_gather %min3A_131[%gather3A_136] in [0] : vector<16xf32>, vector<16xi32> -> vector<16xf32>
          %min3A_138 = arith.minimumf %min3A_131, %gather3A_137 : vector<16xf32>
          %xor3A_139 = arith.constant 8 : i32
          %xor3A_140 = vector.broadcast %xor3A_139 : i32 to vector<16xi32>
          %xor3A_141 = arith.xori %iota3A, %xor3A_140 : vector<16xi32>
          %broadcast_in_dim3A_142 = vector.shape_cast %xor3A_141 : vector<16xi32> to vector<16x1xi32>
          %gather3A_143 = vector.shape_cast %broadcast_in_dim3A_142 : vector<16x1xi32> to vector<16xi32>
          %gather3A_144 = tpu.dynamic_gather %min3A_138[%gather3A_143] in [0] : vector<16xf32>, vector<16xi32> -> vector<16xf32>
          %min3A_145 = arith.minimumf %min3A_138, %gather3A_144 : vector<16xf32>
          %eq3A = arith.cmpf oeq, %scan3A_118#0, %min3A_145 : vector<16xf32>
          %select_n3A_146 = arith.select %eq3A, %scan3A_118#1, %broadcast_in_dim3A_32 : vector<16xi1>, vector<16xi32>
          %xor3A_147 = arith.constant 1 : i32
          %xor3A_148 = vector.broadcast %xor3A_147 : i32 to vector<16xi32>
          %xor3A_149 = arith.xori %iota3A, %xor3A_148 : vector<16xi32>
          %broadcast_in_dim3A_150 = vector.shape_cast %xor3A_149 : vector<16xi32> to vector<16x1xi32>
          %gather3A_151 = vector.shape_cast %broadcast_in_dim3A_150 : vector<16x1xi32> to vector<16xi32>
          %gather3A_152 = tpu.dynamic_gather %select_n3A_146[%gather3A_151] in [0] : vector<16xi32>, vector<16xi32> -> vector<16xi32>
          %min3A_153 = arith.minsi %select_n3A_146, %gather3A_152 : vector<16xi32>
          %xor3A_154 = arith.constant 2 : i32
          %xor3A_155 = vector.broadcast %xor3A_154 : i32 to vector<16xi32>
          %xor3A_156 = arith.xori %iota3A, %xor3A_155 : vector<16xi32>
          %broadcast_in_dim3A_157 = vector.shape_cast %xor3A_156 : vector<16xi32> to vector<16x1xi32>
          %gather3A_158 = vector.shape_cast %broadcast_in_dim3A_157 : vector<16x1xi32> to vector<16xi32>
          %gather3A_159 = tpu.dynamic_gather %min3A_153[%gather3A_158] in [0] : vector<16xi32>, vector<16xi32> -> vector<16xi32>
          %min3A_160 = arith.minsi %min3A_153, %gather3A_159 : vector<16xi32>
          %xor3A_161 = arith.constant 4 : i32
          %xor3A_162 = vector.broadcast %xor3A_161 : i32 to vector<16xi32>
          %xor3A_163 = arith.xori %iota3A, %xor3A_162 : vector<16xi32>
          %broadcast_in_dim3A_164 = vector.shape_cast %xor3A_163 : vector<16xi32> to vector<16x1xi32>
          %gather3A_165 = vector.shape_cast %broadcast_in_dim3A_164 : vector<16x1xi32> to vector<16xi32>
          %gather3A_166 = tpu.dynamic_gather %min3A_160[%gather3A_165] in [0] : vector<16xi32>, vector<16xi32> -> vector<16xi32>
          %min3A_167 = arith.minsi %min3A_160, %gather3A_166 : vector<16xi32>
          %xor3A_168 = arith.constant 8 : i32
          %xor3A_169 = vector.broadcast %xor3A_168 : i32 to vector<16xi32>
          %xor3A_170 = arith.xori %iota3A, %xor3A_169 : vector<16xi32>
          %broadcast_in_dim3A_171 = vector.shape_cast %xor3A_170 : vector<16xi32> to vector<16x1xi32>
          %gather3A_172 = vector.shape_cast %broadcast_in_dim3A_171 : vector<16x1xi32> to vector<16xi32>
          %gather3A_173 = tpu.dynamic_gather %min3A_167[%gather3A_172] in [0] : vector<16xi32>, vector<16xi32> -> vector<16xi32>
          %min3A_174 = arith.minsi %min3A_167, %gather3A_173 : vector<16xi32>
          %reduce_min3A = arith.constant true
          %reduce_min3A_175 = vector.broadcast %reduce_min3A : i1 to vector<16xi1>
          %reduce_min3A_176 = arith.constant -2147483648 : i32
          %reduce_min3A_177 = vector.broadcast %reduce_min3A_176 : i32 to vector<16xi32>
          %reduce_min3A_178 = arith.xori %min3A_174, %reduce_min3A_177 : vector<16xi32>
          %reduce_min3A_179 = tpu.scan <min>, %reduce_min3A_178 masked %reduce_min3A_175 : vector<16xi32>, vector<16xi1> -> vector<16xi32>
          %reduce_min3A_180 = arith.xori %reduce_min3A_179, %reduce_min3A_177 : vector<16xi32>
          %reduce_min3A_181 = vector.extract %reduce_min3A_180[15] : i32 from vector<16xi32>
          %gt3A = arith.constant 0 : i32
          %gt3A_182 = arith.cmpi sgt, %add3A_113, %gt3A : i32
          %convert_element_type3A_183 = arith.extui %gt3A_182 : i1 to i32
          %cond3A_184 = arith.constant 0 : i32
          %cond3A_185 = arith.cmpi ne, %convert_element_type3A_183, %cond3A_184 : i32
          %cond3A_186:2 = scf.if %cond3A_185 -> (vector<16xf32>, i32) {
            %sub3A_200 = arith.constant 1 : i32
            %sub3A_201 = arith.subi %add3A_113, %sub3A_200 : i32
            %shift_right_arithmetic3A_202 = arith.constant 1 : i32
            %shift_right_arithmetic3A_203 = arith.shrsi %sub3A_201, %shift_right_arithmetic3A_202 : i32
            %and3A_204 = arith.constant 1 : i32
            %and3A_205 = arith.andi %shift_right_arithmetic3A_203, %and3A_204 : i32
            %sc_fetch_and_add3A_206 = arith.constant 0 : i32
            %sc_fetch_and_add3A_207 = tpu.fetch_and_add_sync %arg8[%and3A_205], %sc_fetch_and_add3A_206, %arg1 : memref<2xi32, #tpu.memory_space<smem>>, i32 -> i32
            %while3A = scf.while (%while3A_221 = %sc_fetch_and_add3A_207) : (i32) -> i32 {
              %eq3A_222 = arith.constant 0 : i32
              %eq3A_223 = arith.cmpi eq, %while3A_221, %eq3A_222 : i32
              scf.condition(%eq3A_223) %while3A_221 : i32
            } do {
            ^bb0(%while3A_221: i32):
              %sc_fetch_and_add3A_222 = arith.constant 0 : i32
              %sc_fetch_and_add3A_223 = tpu.fetch_and_add_sync %arg8[%and3A_205], %sc_fetch_and_add3A_222, %arg1 : memref<2xi32, #tpu.memory_space<smem>>, i32 -> i32
              scf.yield %sc_fetch_and_add3A_223 : i32
            }
            %swap3A = arith.constant 0 : i32
            %swap3A_208 = arith.index_cast %and3A_205 : i32 to index
            %swap3A_209 = memref.load %arg8[%swap3A_208] : memref<2xi32, #tpu.memory_space<smem>>
            memref.store %swap3A, %arg8[%swap3A_208] : memref<2xi32, #tpu.memory_space<smem>>
            %sub3A_210 = arith.constant 1 : i32
            %sub3A_211 = arith.subi %while3A, %sub3A_210 : i32
            %broadcast_in_dim3A_212 = vector.broadcast %sub3A_211 : i32 to vector<16xi32>
            %eq3A_213 = arith.constant 0 : i32
            %eq3A_214 = vector.broadcast %eq3A_213 : i32 to vector<16xi32>
            %eq3A_215 = arith.cmpi eq, %iota3A, %eq3A_214 : vector<16xi32>
            tpu.vector_store_idx %arg6[%broadcast_in_dim3A_212], %broadcast_in_dim3A_34 masked %eq3A_215 : memref<2048xf32, #tpu.memory_space<vmem>>[vector<16xi32>], vector<16xf32>, vector<16xi1>
            %eq3A_216 = arith.cmpi eq, %reduce_min3A_181, %sub3A_211 : i32
            %convert_element_type3A_217 = arith.extui %eq3A_216 : i1 to i32
            %cond3A_218 = arith.constant 0 : i32
            %cond3A_219 = arith.cmpi ne, %convert_element_type3A_217, %cond3A_218 : i32
            %cond3A_220:2 = scf.if %cond3A_219 -> (vector<16xf32>, i32) {
              %scan3A_221 = arith.constant 0 : i32
              %scan3A_222 = arith.constant 8 : i32
              %scan3A_223 = arith.addi %scan3A_221, %scan3A_222 : i32
              %scan3A_224 = arith.constant 1 : i32
              %scan3A_225:2 = scf.for %scan3A_293 = %scan3A_221 to %scan3A_223 step %scan3A_224 iter_args(%scan3A_294 = %broadcast_in_dim3A_34, %scan3A_295 = %broadcast_in_dim3A_32) -> (vector<16xf32>, vector<16xi32>)  : i32 {
                %mul3A_296 = arith.constant 16 : i32
                %mul3A_297 = arith.muli %scan3A_293, %mul3A_296 : i32
                %add3A_298 = arith.constant 0 : i32
                %add3A_299 = arith.addi %mul3A_297, %add3A_298 : i32
                %mul3A_300 = arith.constant 16 : i32
                %mul3A_301 = arith.muli %add3A_299, %mul3A_300 : i32
                %get3A = arith.index_cast %add3A_112 : i32 to index
                %get3A_302 = arith.index_cast %mul3A_301 : i32 to index
                %get3A_303 = tpu.vector_load %arg5[%get3A, %get3A_302] {strides = array<i32>} : memref<16x2048xf32, #tpu.memory_space<vmem>>, vector<16xf32>,
                %mul3A_304 = arith.constant 16 : i32
                %mul3A_305 = arith.muli %add3A_299, %mul3A_304 : i32
                %get3A_306 = arith.index_cast %mul3A_305 : i32 to index
                %get3A_307 = tpu.vector_load %arg6[%get3A_306] {strides = array<i32>} : memref<2048xf32, #tpu.memory_space<vmem>>, vector<16xf32>,
                %add3A_308 = arith.addf %get3A_303, %get3A_307 : vector<16xf32>
                %mul3A_309 = arith.constant 16 : i32
                %mul3A_310 = arith.muli %add3A_299, %mul3A_309 : i32
                %add3A_311 = vector.broadcast %mul3A_310 : i32 to vector<16xi32>
                %add3A_312 = arith.addi %iota3A, %add3A_311 : vector<16xi32>
                %lt3A_313 = arith.cmpf olt, %add3A_308, %scan3A_294 : vector<16xf32>
                %select_n3A_314 = arith.select %lt3A_313, %add3A_308, %scan3A_294 : vector<16xi1>, vector<16xf32>
                %select_n3A_315 = arith.select %lt3A_313, %add3A_312, %scan3A_295 : vector<16xi1>, vector<16xi32>
                %mul3A_316 = arith.constant 16 : i32
                %mul3A_317 = arith.muli %scan3A_293, %mul3A_316 : i32
                %add3A_318 = arith.constant 1 : i32
                %add3A_319 = arith.addi %mul3A_317, %add3A_318 : i32
                %mul3A_320 = arith.constant 16 : i32
                %mul3A_321 = arith.muli %add3A_319, %mul3A_320 : i32
                %get3A_322 = arith.index_cast %add3A_112 : i32 to index
                %get3A_323 = arith.index_cast %mul3A_321 : i32 to index
                %get3A_324 = tpu.vector_load %arg5[%get3A_322, %get3A_323] {strides = array<i32>} : memref<16x2048xf32, #tpu.memory_space<vmem>>, vector<16xf32>,
                %mul3A_325 = arith.constant 16 : i32
                %mul3A_326 = arith.muli %add3A_319, %mul3A_325 : i32
                %get3A_327 = arith.index_cast %mul3A_326 : i32 to index
                %get3A_328 = tpu.vector_load %arg6[%get3A_327] {strides = array<i32>} : memref<2048xf32, #tpu.memory_space<vmem>>, vector<16xf32>,
                %add3A_329 = arith.addf %get3A_324, %get3A_328 : vector<16xf32>
                %mul3A_330 = arith.constant 16 : i32
                %mul3A_331 = arith.muli %add3A_319, %mul3A_330 : i32
                %add3A_332 = vector.broadcast %mul3A_331 : i32 to vector<16xi32>
                %add3A_333 = arith.addi %iota3A, %add3A_332 : vector<16xi32>
                %lt3A_334 = arith.cmpf olt, %add3A_329, %select_n3A_314 : vector<16xf32>
                %select_n3A_335 = arith.select %lt3A_334, %add3A_329, %select_n3A_314 : vector<16xi1>, vector<16xf32>
                %select_n3A_336 = arith.select %lt3A_334, %add3A_333, %select_n3A_315 : vector<16xi1>, vector<16xi32>
                %mul3A_337 = arith.constant 16 : i32
                %mul3A_338 = arith.muli %scan3A_293, %mul3A_337 : i32
                %add3A_339 = arith.constant 2 : i32
                %add3A_340 = arith.addi %mul3A_338, %add3A_339 : i32
                %mul3A_341 = arith.constant 16 : i32
                %mul3A_342 = arith.muli %add3A_340, %mul3A_341 : i32
                %get3A_343 = arith.index_cast %add3A_112 : i32 to index
                %get3A_344 = arith.index_cast %mul3A_342 : i32 to index
                %get3A_345 = tpu.vector_load %arg5[%get3A_343, %get3A_344] {strides = array<i32>} : memref<16x2048xf32, #tpu.memory_space<vmem>>, vector<16xf32>,
                %mul3A_346 = arith.constant 16 : i32
                %mul3A_347 = arith.muli %add3A_340, %mul3A_346 : i32
                %get3A_348 = arith.index_cast %mul3A_347 : i32 to index
                %get3A_349 = tpu.vector_load %arg6[%get3A_348] {strides = array<i32>} : memref<2048xf32, #tpu.memory_space<vmem>>, vector<16xf32>,
                %add3A_350 = arith.addf %get3A_345, %get3A_349 : vector<16xf32>
                %mul3A_351 = arith.constant 16 : i32
                %mul3A_352 = arith.muli %add3A_340, %mul3A_351 : i32
                %add3A_353 = vector.broadcast %mul3A_352 : i32 to vector<16xi32>
                %add3A_354 = arith.addi %iota3A, %add3A_353 : vector<16xi32>
                %lt3A_355 = arith.cmpf olt, %add3A_350, %select_n3A_335 : vector<16xf32>
                %select_n3A_356 = arith.select %lt3A_355, %add3A_350, %select_n3A_335 : vector<16xi1>, vector<16xf32>
                %select_n3A_357 = arith.select %lt3A_355, %add3A_354, %select_n3A_336 : vector<16xi1>, vector<16xi32>
                %mul3A_358 = arith.constant 16 : i32
                %mul3A_359 = arith.muli %scan3A_293, %mul3A_358 : i32
                %add3A_360 = arith.constant 3 : i32
                %add3A_361 = arith.addi %mul3A_359, %add3A_360 : i32
                %mul3A_362 = arith.constant 16 : i32
                %mul3A_363 = arith.muli %add3A_361, %mul3A_362 : i32
                %get3A_364 = arith.index_cast %add3A_112 : i32 to index
                %get3A_365 = arith.index_cast %mul3A_363 : i32 to index
                %get3A_366 = tpu.vector_load %arg5[%get3A_364, %get3A_365] {strides = array<i32>} : memref<16x2048xf32, #tpu.memory_space<vmem>>, vector<16xf32>,
                %mul3A_367 = arith.constant 16 : i32
                %mul3A_368 = arith.muli %add3A_361, %mul3A_367 : i32
                %get3A_369 = arith.index_cast %mul3A_368 : i32 to index
                %get3A_370 = tpu.vector_load %arg6[%get3A_369] {strides = array<i32>} : memref<2048xf32, #tpu.memory_space<vmem>>, vector<16xf32>,
                %add3A_371 = arith.addf %get3A_366, %get3A_370 : vector<16xf32>
                %mul3A_372 = arith.constant 16 : i32
                %mul3A_373 = arith.muli %add3A_361, %mul3A_372 : i32
                %add3A_374 = vector.broadcast %mul3A_373 : i32 to vector<16xi32>
                %add3A_375 = arith.addi %iota3A, %add3A_374 : vector<16xi32>
                %lt3A_376 = arith.cmpf olt, %add3A_371, %select_n3A_356 : vector<16xf32>
                %select_n3A_377 = arith.select %lt3A_376, %add3A_371, %select_n3A_356 : vector<16xi1>, vector<16xf32>
                %select_n3A_378 = arith.select %lt3A_376, %add3A_375, %select_n3A_357 : vector<16xi1>, vector<16xi32>
                %mul3A_379 = arith.constant 16 : i32
                %mul3A_380 = arith.muli %scan3A_293, %mul3A_379 : i32
                %add3A_381 = arith.constant 4 : i32
                %add3A_382 = arith.addi %mul3A_380, %add3A_381 : i32
                %mul3A_383 = arith.constant 16 : i32
                %mul3A_384 = arith.muli %add3A_382, %mul3A_383 : i32
                %get3A_385 = arith.index_cast %add3A_112 : i32 to index
                %get3A_386 = arith.index_cast %mul3A_384 : i32 to index
                %get3A_387 = tpu.vector_load %arg5[%get3A_385, %get3A_386] {strides = array<i32>} : memref<16x2048xf32, #tpu.memory_space<vmem>>, vector<16xf32>,
                %mul3A_388 = arith.constant 16 : i32
                %mul3A_389 = arith.muli %add3A_382, %mul3A_388 : i32
                %get3A_390 = arith.index_cast %mul3A_389 : i32 to index
                %get3A_391 = tpu.vector_load %arg6[%get3A_390] {strides = array<i32>} : memref<2048xf32, #tpu.memory_space<vmem>>, vector<16xf32>,
                %add3A_392 = arith.addf %get3A_387, %get3A_391 : vector<16xf32>
                %mul3A_393 = arith.constant 16 : i32
                %mul3A_394 = arith.muli %add3A_382, %mul3A_393 : i32
                %add3A_395 = vector.broadcast %mul3A_394 : i32 to vector<16xi32>
                %add3A_396 = arith.addi %iota3A, %add3A_395 : vector<16xi32>
                %lt3A_397 = arith.cmpf olt, %add3A_392, %select_n3A_377 : vector<16xf32>
                %select_n3A_398 = arith.select %lt3A_397, %add3A_392, %select_n3A_377 : vector<16xi1>, vector<16xf32>
                %select_n3A_399 = arith.select %lt3A_397, %add3A_396, %select_n3A_378 : vector<16xi1>, vector<16xi32>
                %mul3A_400 = arith.constant 16 : i32
                %mul3A_401 = arith.muli %scan3A_293, %mul3A_400 : i32
                %add3A_402 = arith.constant 5 : i32
                %add3A_403 = arith.addi %mul3A_401, %add3A_402 : i32
                %mul3A_404 = arith.constant 16 : i32
                %mul3A_405 = arith.muli %add3A_403, %mul3A_404 : i32
                %get3A_406 = arith.index_cast %add3A_112 : i32 to index
                %get3A_407 = arith.index_cast %mul3A_405 : i32 to index
                %get3A_408 = tpu.vector_load %arg5[%get3A_406, %get3A_407] {strides = array<i32>} : memref<16x2048xf32, #tpu.memory_space<vmem>>, vector<16xf32>,
                %mul3A_409 = arith.constant 16 : i32
                %mul3A_410 = arith.muli %add3A_403, %mul3A_409 : i32
                %get3A_411 = arith.index_cast %mul3A_410 : i32 to index
                %get3A_412 = tpu.vector_load %arg6[%get3A_411] {strides = array<i32>} : memref<2048xf32, #tpu.memory_space<vmem>>, vector<16xf32>,
                %add3A_413 = arith.addf %get3A_408, %get3A_412 : vector<16xf32>
                %mul3A_414 = arith.constant 16 : i32
                %mul3A_415 = arith.muli %add3A_403, %mul3A_414 : i32
                %add3A_416 = vector.broadcast %mul3A_415 : i32 to vector<16xi32>
                %add3A_417 = arith.addi %iota3A, %add3A_416 : vector<16xi32>
                %lt3A_418 = arith.cmpf olt, %add3A_413, %select_n3A_398 : vector<16xf32>
                %select_n3A_419 = arith.select %lt3A_418, %add3A_413, %select_n3A_398 : vector<16xi1>, vector<16xf32>
                %select_n3A_420 = arith.select %lt3A_418, %add3A_417, %select_n3A_399 : vector<16xi1>, vector<16xi32>
                %mul3A_421 = arith.constant 16 : i32
                %mul3A_422 = arith.muli %scan3A_293, %mul3A_421 : i32
                %add3A_423 = arith.constant 6 : i32
                %add3A_424 = arith.addi %mul3A_422, %add3A_423 : i32
                %mul3A_425 = arith.constant 16 : i32
                %mul3A_426 = arith.muli %add3A_424, %mul3A_425 : i32
                %get3A_427 = arith.index_cast %add3A_112 : i32 to index
                %get3A_428 = arith.index_cast %mul3A_426 : i32 to index
                %get3A_429 = tpu.vector_load %arg5[%get3A_427, %get3A_428] {strides = array<i32>} : memref<16x2048xf32, #tpu.memory_space<vmem>>, vector<16xf32>,
                %mul3A_430 = arith.constant 16 : i32
                %mul3A_431 = arith.muli %add3A_424, %mul3A_430 : i32
                %get3A_432 = arith.index_cast %mul3A_431 : i32 to index
                %get3A_433 = tpu.vector_load %arg6[%get3A_432] {strides = array<i32>} : memref<2048xf32, #tpu.memory_space<vmem>>, vector<16xf32>,
                %add3A_434 = arith.addf %get3A_429, %get3A_433 : vector<16xf32>
                %mul3A_435 = arith.constant 16 : i32
                %mul3A_436 = arith.muli %add3A_424, %mul3A_435 : i32
                %add3A_437 = vector.broadcast %mul3A_436 : i32 to vector<16xi32>
                %add3A_438 = arith.addi %iota3A, %add3A_437 : vector<16xi32>
                %lt3A_439 = arith.cmpf olt, %add3A_434, %select_n3A_419 : vector<16xf32>
                %select_n3A_440 = arith.select %lt3A_439, %add3A_434, %select_n3A_419 : vector<16xi1>, vector<16xf32>
                %select_n3A_441 = arith.select %lt3A_439, %add3A_438, %select_n3A_420 : vector<16xi1>, vector<16xi32>
                %mul3A_442 = arith.constant 16 : i32
                %mul3A_443 = arith.muli %scan3A_293, %mul3A_442 : i32
                %add3A_444 = arith.constant 7 : i32
                %add3A_445 = arith.addi %mul3A_443, %add3A_444 : i32
                %mul3A_446 = arith.constant 16 : i32
                %mul3A_447 = arith.muli %add3A_445, %mul3A_446 : i32
                %get3A_448 = arith.index_cast %add3A_112 : i32 to index
                %get3A_449 = arith.index_cast %mul3A_447 : i32 to index
                %get3A_450 = tpu.vector_load %arg5[%get3A_448, %get3A_449] {strides = array<i32>} : memref<16x2048xf32, #tpu.memory_space<vmem>>, vector<16xf32>,
                %mul3A_451 = arith.constant 16 : i32
                %mul3A_452 = arith.muli %add3A_445, %mul3A_451 : i32
                %get3A_453 = arith.index_cast %mul3A_452 : i32 to index
                %get3A_454 = tpu.vector_load %arg6[%get3A_453] {strides = array<i32>} : memref<2048xf32, #tpu.memory_space<vmem>>, vector<16xf32>,
                %add3A_455 = arith.addf %get3A_450, %get3A_454 : vector<16xf32>
                %mul3A_456 = arith.constant 16 : i32
                %mul3A_457 = arith.muli %add3A_445, %mul3A_456 : i32
                %add3A_458 = vector.broadcast %mul3A_457 : i32 to vector<16xi32>
                %add3A_459 = arith.addi %iota3A, %add3A_458 : vector<16xi32>
                %lt3A_460 = arith.cmpf olt, %add3A_455, %select_n3A_440 : vector<16xf32>
                %select_n3A_461 = arith.select %lt3A_460, %add3A_455, %select_n3A_440 : vector<16xi1>, vector<16xf32>
                %select_n3A_462 = arith.select %lt3A_460, %add3A_459, %select_n3A_441 : vector<16xi1>, vector<16xi32>
                %mul3A_463 = arith.constant 16 : i32
                %mul3A_464 = arith.muli %scan3A_293, %mul3A_463 : i32
                %add3A_465 = arith.constant 8 : i32
                %add3A_466 = arith.addi %mul3A_464, %add3A_465 : i32
                %mul3A_467 = arith.constant 16 : i32
                %mul3A_468 = arith.muli %add3A_466, %mul3A_467 : i32
                %get3A_469 = arith.index_cast %add3A_112 : i32 to index
                %get3A_470 = arith.index_cast %mul3A_468 : i32 to index
                %get3A_471 = tpu.vector_load %arg5[%get3A_469, %get3A_470] {strides = array<i32>} : memref<16x2048xf32, #tpu.memory_space<vmem>>, vector<16xf32>,
                %mul3A_472 = arith.constant 16 : i32
                %mul3A_473 = arith.muli %add3A_466, %mul3A_472 : i32
                %get3A_474 = arith.index_cast %mul3A_473 : i32 to index
                %get3A_475 = tpu.vector_load %arg6[%get3A_474] {strides = array<i32>} : memref<2048xf32, #tpu.memory_space<vmem>>, vector<16xf32>,
                %add3A_476 = arith.addf %get3A_471, %get3A_475 : vector<16xf32>
                %mul3A_477 = arith.constant 16 : i32
                %mul3A_478 = arith.muli %add3A_466, %mul3A_477 : i32
                %add3A_479 = vector.broadcast %mul3A_478 : i32 to vector<16xi32>
                %add3A_480 = arith.addi %iota3A, %add3A_479 : vector<16xi32>
                %lt3A_481 = arith.cmpf olt, %add3A_476, %select_n3A_461 : vector<16xf32>
                %select_n3A_482 = arith.select %lt3A_481, %add3A_476, %select_n3A_461 : vector<16xi1>, vector<16xf32>
                %select_n3A_483 = arith.select %lt3A_481, %add3A_480, %select_n3A_462 : vector<16xi1>, vector<16xi32>
                %mul3A_484 = arith.constant 16 : i32
                %mul3A_485 = arith.muli %scan3A_293, %mul3A_484 : i32
                %add3A_486 = arith.constant 9 : i32
                %add3A_487 = arith.addi %mul3A_485, %add3A_486 : i32
                %mul3A_488 = arith.constant 16 : i32
                %mul3A_489 = arith.muli %add3A_487, %mul3A_488 : i32
                %get3A_490 = arith.index_cast %add3A_112 : i32 to index
                %get3A_491 = arith.index_cast %mul3A_489 : i32 to index
                %get3A_492 = tpu.vector_load %arg5[%get3A_490, %get3A_491] {strides = array<i32>} : memref<16x2048xf32, #tpu.memory_space<vmem>>, vector<16xf32>,
                %mul3A_493 = arith.constant 16 : i32
                %mul3A_494 = arith.muli %add3A_487, %mul3A_493 : i32
                %get3A_495 = arith.index_cast %mul3A_494 : i32 to index
                %get3A_496 = tpu.vector_load %arg6[%get3A_495] {strides = array<i32>} : memref<2048xf32, #tpu.memory_space<vmem>>, vector<16xf32>,
                %add3A_497 = arith.addf %get3A_492, %get3A_496 : vector<16xf32>
                %mul3A_498 = arith.constant 16 : i32
                %mul3A_499 = arith.muli %add3A_487, %mul3A_498 : i32
                %add3A_500 = vector.broadcast %mul3A_499 : i32 to vector<16xi32>
                %add3A_501 = arith.addi %iota3A, %add3A_500 : vector<16xi32>
                %lt3A_502 = arith.cmpf olt, %add3A_497, %select_n3A_482 : vector<16xf32>
                %select_n3A_503 = arith.select %lt3A_502, %add3A_497, %select_n3A_482 : vector<16xi1>, vector<16xf32>
                %select_n3A_504 = arith.select %lt3A_502, %add3A_501, %select_n3A_483 : vector<16xi1>, vector<16xi32>
                %mul3A_505 = arith.constant 16 : i32
                %mul3A_506 = arith.muli %scan3A_293, %mul3A_505 : i32
                %add3A_507 = arith.constant 10 : i32
                %add3A_508 = arith.addi %mul3A_506, %add3A_507 : i32
                %mul3A_509 = arith.constant 16 : i32
                %mul3A_510 = arith.muli %add3A_508, %mul3A_509 : i32
                %get3A_511 = arith.index_cast %add3A_112 : i32 to index
                %get3A_512 = arith.index_cast %mul3A_510 : i32 to index
                %get3A_513 = tpu.vector_load %arg5[%get3A_511, %get3A_512] {strides = array<i32>} : memref<16x2048xf32, #tpu.memory_space<vmem>>, vector<16xf32>,
                %mul3A_514 = arith.constant 16 : i32
                %mul3A_515 = arith.muli %add3A_508, %mul3A_514 : i32
                %get3A_516 = arith.index_cast %mul3A_515 : i32 to index
                %get3A_517 = tpu.vector_load %arg6[%get3A_516] {strides = array<i32>} : memref<2048xf32, #tpu.memory_space<vmem>>, vector<16xf32>,
                %add3A_518 = arith.addf %get3A_513, %get3A_517 : vector<16xf32>
                %mul3A_519 = arith.constant 16 : i32
                %mul3A_520 = arith.muli %add3A_508, %mul3A_519 : i32
                %add3A_521 = vector.broadcast %mul3A_520 : i32 to vector<16xi32>
                %add3A_522 = arith.addi %iota3A, %add3A_521 : vector<16xi32>
                %lt3A_523 = arith.cmpf olt, %add3A_518, %select_n3A_503 : vector<16xf32>
                %select_n3A_524 = arith.select %lt3A_523, %add3A_518, %select_n3A_503 : vector<16xi1>, vector<16xf32>
                %select_n3A_525 = arith.select %lt3A_523, %add3A_522, %select_n3A_504 : vector<16xi1>, vector<16xi32>
                %mul3A_526 = arith.constant 16 : i32
                %mul3A_527 = arith.muli %scan3A_293, %mul3A_526 : i32
                %add3A_528 = arith.constant 11 : i32
                %add3A_529 = arith.addi %mul3A_527, %add3A_528 : i32
                %mul3A_530 = arith.constant 16 : i32
                %mul3A_531 = arith.muli %add3A_529, %mul3A_530 : i32
                %get3A_532 = arith.index_cast %add3A_112 : i32 to index
                %get3A_533 = arith.index_cast %mul3A_531 : i32 to index
                %get3A_534 = tpu.vector_load %arg5[%get3A_532, %get3A_533] {strides = array<i32>} : memref<16x2048xf32, #tpu.memory_space<vmem>>, vector<16xf32>,
                %mul3A_535 = arith.constant 16 : i32
                %mul3A_536 = arith.muli %add3A_529, %mul3A_535 : i32
                %get3A_537 = arith.index_cast %mul3A_536 : i32 to index
                %get3A_538 = tpu.vector_load %arg6[%get3A_537] {strides = array<i32>} : memref<2048xf32, #tpu.memory_space<vmem>>, vector<16xf32>,
                %add3A_539 = arith.addf %get3A_534, %get3A_538 : vector<16xf32>
                %mul3A_540 = arith.constant 16 : i32
                %mul3A_541 = arith.muli %add3A_529, %mul3A_540 : i32
                %add3A_542 = vector.broadcast %mul3A_541 : i32 to vector<16xi32>
                %add3A_543 = arith.addi %iota3A, %add3A_542 : vector<16xi32>
                %lt3A_544 = arith.cmpf olt, %add3A_539, %select_n3A_524 : vector<16xf32>
                %select_n3A_545 = arith.select %lt3A_544, %add3A_539, %select_n3A_524 : vector<16xi1>, vector<16xf32>
                %select_n3A_546 = arith.select %lt3A_544, %add3A_543, %select_n3A_525 : vector<16xi1>, vector<16xi32>
                %mul3A_547 = arith.constant 16 : i32
                %mul3A_548 = arith.muli %scan3A_293, %mul3A_547 : i32
                %add3A_549 = arith.constant 12 : i32
                %add3A_550 = arith.addi %mul3A_548, %add3A_549 : i32
                %mul3A_551 = arith.constant 16 : i32
                %mul3A_552 = arith.muli %add3A_550, %mul3A_551 : i32
                %get3A_553 = arith.index_cast %add3A_112 : i32 to index
                %get3A_554 = arith.index_cast %mul3A_552 : i32 to index
                %get3A_555 = tpu.vector_load %arg5[%get3A_553, %get3A_554] {strides = array<i32>} : memref<16x2048xf32, #tpu.memory_space<vmem>>, vector<16xf32>,
                %mul3A_556 = arith.constant 16 : i32
                %mul3A_557 = arith.muli %add3A_550, %mul3A_556 : i32
                %get3A_558 = arith.index_cast %mul3A_557 : i32 to index
                %get3A_559 = tpu.vector_load %arg6[%get3A_558] {strides = array<i32>} : memref<2048xf32, #tpu.memory_space<vmem>>, vector<16xf32>,
                %add3A_560 = arith.addf %get3A_555, %get3A_559 : vector<16xf32>
                %mul3A_561 = arith.constant 16 : i32
                %mul3A_562 = arith.muli %add3A_550, %mul3A_561 : i32
                %add3A_563 = vector.broadcast %mul3A_562 : i32 to vector<16xi32>
                %add3A_564 = arith.addi %iota3A, %add3A_563 : vector<16xi32>
                %lt3A_565 = arith.cmpf olt, %add3A_560, %select_n3A_545 : vector<16xf32>
                %select_n3A_566 = arith.select %lt3A_565, %add3A_560, %select_n3A_545 : vector<16xi1>, vector<16xf32>
                %select_n3A_567 = arith.select %lt3A_565, %add3A_564, %select_n3A_546 : vector<16xi1>, vector<16xi32>
                %mul3A_568 = arith.constant 16 : i32
                %mul3A_569 = arith.muli %scan3A_293, %mul3A_568 : i32
                %add3A_570 = arith.constant 13 : i32
                %add3A_571 = arith.addi %mul3A_569, %add3A_570 : i32
                %mul3A_572 = arith.constant 16 : i32
                %mul3A_573 = arith.muli %add3A_571, %mul3A_572 : i32
                %get3A_574 = arith.index_cast %add3A_112 : i32 to index
                %get3A_575 = arith.index_cast %mul3A_573 : i32 to index
                %get3A_576 = tpu.vector_load %arg5[%get3A_574, %get3A_575] {strides = array<i32>} : memref<16x2048xf32, #tpu.memory_space<vmem>>, vector<16xf32>,
                %mul3A_577 = arith.constant 16 : i32
                %mul3A_578 = arith.muli %add3A_571, %mul3A_577 : i32
                %get3A_579 = arith.index_cast %mul3A_578 : i32 to index
                %get3A_580 = tpu.vector_load %arg6[%get3A_579] {strides = array<i32>} : memref<2048xf32, #tpu.memory_space<vmem>>, vector<16xf32>,
                %add3A_581 = arith.addf %get3A_576, %get3A_580 : vector<16xf32>
                %mul3A_582 = arith.constant 16 : i32
                %mul3A_583 = arith.muli %add3A_571, %mul3A_582 : i32
                %add3A_584 = vector.broadcast %mul3A_583 : i32 to vector<16xi32>
                %add3A_585 = arith.addi %iota3A, %add3A_584 : vector<16xi32>
                %lt3A_586 = arith.cmpf olt, %add3A_581, %select_n3A_566 : vector<16xf32>
                %select_n3A_587 = arith.select %lt3A_586, %add3A_581, %select_n3A_566 : vector<16xi1>, vector<16xf32>
                %select_n3A_588 = arith.select %lt3A_586, %add3A_585, %select_n3A_567 : vector<16xi1>, vector<16xi32>
                %mul3A_589 = arith.constant 16 : i32
                %mul3A_590 = arith.muli %scan3A_293, %mul3A_589 : i32
                %add3A_591 = arith.constant 14 : i32
                %add3A_592 = arith.addi %mul3A_590, %add3A_591 : i32
                %mul3A_593 = arith.constant 16 : i32
                %mul3A_594 = arith.muli %add3A_592, %mul3A_593 : i32
                %get3A_595 = arith.index_cast %add3A_112 : i32 to index
                %get3A_596 = arith.index_cast %mul3A_594 : i32 to index
                %get3A_597 = tpu.vector_load %arg5[%get3A_595, %get3A_596] {strides = array<i32>} : memref<16x2048xf32, #tpu.memory_space<vmem>>, vector<16xf32>,
                %mul3A_598 = arith.constant 16 : i32
                %mul3A_599 = arith.muli %add3A_592, %mul3A_598 : i32
                %get3A_600 = arith.index_cast %mul3A_599 : i32 to index
                %get3A_601 = tpu.vector_load %arg6[%get3A_600] {strides = array<i32>} : memref<2048xf32, #tpu.memory_space<vmem>>, vector<16xf32>,
                %add3A_602 = arith.addf %get3A_597, %get3A_601 : vector<16xf32>
                %mul3A_603 = arith.constant 16 : i32
                %mul3A_604 = arith.muli %add3A_592, %mul3A_603 : i32
                %add3A_605 = vector.broadcast %mul3A_604 : i32 to vector<16xi32>
                %add3A_606 = arith.addi %iota3A, %add3A_605 : vector<16xi32>
                %lt3A_607 = arith.cmpf olt, %add3A_602, %select_n3A_587 : vector<16xf32>
                %select_n3A_608 = arith.select %lt3A_607, %add3A_602, %select_n3A_587 : vector<16xi1>, vector<16xf32>
                %select_n3A_609 = arith.select %lt3A_607, %add3A_606, %select_n3A_588 : vector<16xi1>, vector<16xi32>
                %mul3A_610 = arith.constant 16 : i32
                %mul3A_611 = arith.muli %scan3A_293, %mul3A_610 : i32
                %add3A_612 = arith.constant 15 : i32
                %add3A_613 = arith.addi %mul3A_611, %add3A_612 : i32
                %mul3A_614 = arith.constant 16 : i32
                %mul3A_615 = arith.muli %add3A_613, %mul3A_614 : i32
                %get3A_616 = arith.index_cast %add3A_112 : i32 to index
                %get3A_617 = arith.index_cast %mul3A_615 : i32 to index
                %get3A_618 = tpu.vector_load %arg5[%get3A_616, %get3A_617] {strides = array<i32>} : memref<16x2048xf32, #tpu.memory_space<vmem>>, vector<16xf32>,
                %mul3A_619 = arith.constant 16 : i32
                %mul3A_620 = arith.muli %add3A_613, %mul3A_619 : i32
                %get3A_621 = arith.index_cast %mul3A_620 : i32 to index
                %get3A_622 = tpu.vector_load %arg6[%get3A_621] {strides = array<i32>} : memref<2048xf32, #tpu.memory_space<vmem>>, vector<16xf32>,
                %add3A_623 = arith.addf %get3A_618, %get3A_622 : vector<16xf32>
                %mul3A_624 = arith.constant 16 : i32
                %mul3A_625 = arith.muli %add3A_613, %mul3A_624 : i32
                %add3A_626 = vector.broadcast %mul3A_625 : i32 to vector<16xi32>
                %add3A_627 = arith.addi %iota3A, %add3A_626 : vector<16xi32>
                %lt3A_628 = arith.cmpf olt, %add3A_623, %select_n3A_608 : vector<16xf32>
                %select_n3A_629 = arith.select %lt3A_628, %add3A_623, %select_n3A_608 : vector<16xi1>, vector<16xf32>
                %select_n3A_630 = arith.select %lt3A_628, %add3A_627, %select_n3A_609 : vector<16xi1>, vector<16xi32>
                scf.yield %select_n3A_629, %select_n3A_630 : vector<16xf32>, vector<16xi32>
              }
              %scan3A_226 = arith.constant 8 : i32
              %xor3A_227 = arith.constant 1 : i32
              %xor3A_228 = vector.broadcast %xor3A_227 : i32 to vector<16xi32>
              %xor3A_229 = arith.xori %iota3A, %xor3A_228 : vector<16xi32>
              %broadcast_in_dim3A_230 = vector.shape_cast %xor3A_229 : vector<16xi32> to vector<16x1xi32>
              %gather3A_231 = vector.shape_cast %broadcast_in_dim3A_230 : vector<16x1xi32> to vector<16xi32>
              %gather3A_232 = tpu.dynamic_gather %scan3A_225#0[%gather3A_231] in [0] : vector<16xf32>, vector<16xi32> -> vector<16xf32>
              %min3A_233 = arith.minimumf %scan3A_225#0, %gather3A_232 : vector<16xf32>
              %xor3A_234 = arith.constant 2 : i32
              %xor3A_235 = vector.broadcast %xor3A_234 : i32 to vector<16xi32>
              %xor3A_236 = arith.xori %iota3A, %xor3A_235 : vector<16xi32>
              %broadcast_in_dim3A_237 = vector.shape_cast %xor3A_236 : vector<16xi32> to vector<16x1xi32>
              %gather3A_238 = vector.shape_cast %broadcast_in_dim3A_237 : vector<16x1xi32> to vector<16xi32>
              %gather3A_239 = tpu.dynamic_gather %min3A_233[%gather3A_238] in [0] : vector<16xf32>, vector<16xi32> -> vector<16xf32>
              %min3A_240 = arith.minimumf %min3A_233, %gather3A_239 : vector<16xf32>
              %xor3A_241 = arith.constant 4 : i32
              %xor3A_242 = vector.broadcast %xor3A_241 : i32 to vector<16xi32>
              %xor3A_243 = arith.xori %iota3A, %xor3A_242 : vector<16xi32>
              %broadcast_in_dim3A_244 = vector.shape_cast %xor3A_243 : vector<16xi32> to vector<16x1xi32>
              %gather3A_245 = vector.shape_cast %broadcast_in_dim3A_244 : vector<16x1xi32> to vector<16xi32>
              %gather3A_246 = tpu.dynamic_gather %min3A_240[%gather3A_245] in [0] : vector<16xf32>, vector<16xi32> -> vector<16xf32>
              %min3A_247 = arith.minimumf %min3A_240, %gather3A_246 : vector<16xf32>
              %xor3A_248 = arith.constant 8 : i32
              %xor3A_249 = vector.broadcast %xor3A_248 : i32 to vector<16xi32>
              %xor3A_250 = arith.xori %iota3A, %xor3A_249 : vector<16xi32>
              %broadcast_in_dim3A_251 = vector.shape_cast %xor3A_250 : vector<16xi32> to vector<16x1xi32>
              %gather3A_252 = vector.shape_cast %broadcast_in_dim3A_251 : vector<16x1xi32> to vector<16xi32>
              %gather3A_253 = tpu.dynamic_gather %min3A_247[%gather3A_252] in [0] : vector<16xf32>, vector<16xi32> -> vector<16xf32>
              %min3A_254 = arith.minimumf %min3A_247, %gather3A_253 : vector<16xf32>
              %eq3A_255 = arith.cmpf oeq, %scan3A_225#0, %min3A_254 : vector<16xf32>
              %select_n3A_256 = arith.select %eq3A_255, %scan3A_225#1, %broadcast_in_dim3A_32 : vector<16xi1>, vector<16xi32>
              %xor3A_257 = arith.constant 1 : i32
              %xor3A_258 = vector.broadcast %xor3A_257 : i32 to vector<16xi32>
              %xor3A_259 = arith.xori %iota3A, %xor3A_258 : vector<16xi32>
              %broadcast_in_dim3A_260 = vector.shape_cast %xor3A_259 : vector<16xi32> to vector<16x1xi32>
              %gather3A_261 = vector.shape_cast %broadcast_in_dim3A_260 : vector<16x1xi32> to vector<16xi32>
              %gather3A_262 = tpu.dynamic_gather %select_n3A_256[%gather3A_261] in [0] : vector<16xi32>, vector<16xi32> -> vector<16xi32>
              %min3A_263 = arith.minsi %select_n3A_256, %gather3A_262 : vector<16xi32>
              %xor3A_264 = arith.constant 2 : i32
              %xor3A_265 = vector.broadcast %xor3A_264 : i32 to vector<16xi32>
              %xor3A_266 = arith.xori %iota3A, %xor3A_265 : vector<16xi32>
              %broadcast_in_dim3A_267 = vector.shape_cast %xor3A_266 : vector<16xi32> to vector<16x1xi32>
              %gather3A_268 = vector.shape_cast %broadcast_in_dim3A_267 : vector<16x1xi32> to vector<16xi32>
              %gather3A_269 = tpu.dynamic_gather %min3A_263[%gather3A_268] in [0] : vector<16xi32>, vector<16xi32> -> vector<16xi32>
              %min3A_270 = arith.minsi %min3A_263, %gather3A_269 : vector<16xi32>
              %xor3A_271 = arith.constant 4 : i32
              %xor3A_272 = vector.broadcast %xor3A_271 : i32 to vector<16xi32>
              %xor3A_273 = arith.xori %iota3A, %xor3A_272 : vector<16xi32>
              %broadcast_in_dim3A_274 = vector.shape_cast %xor3A_273 : vector<16xi32> to vector<16x1xi32>
              %gather3A_275 = vector.shape_cast %broadcast_in_dim3A_274 : vector<16x1xi32> to vector<16xi32>
              %gather3A_276 = tpu.dynamic_gather %min3A_270[%gather3A_275] in [0] : vector<16xi32>, vector<16xi32> -> vector<16xi32>
              %min3A_277 = arith.minsi %min3A_270, %gather3A_276 : vector<16xi32>
              %xor3A_278 = arith.constant 8 : i32
              %xor3A_279 = vector.broadcast %xor3A_278 : i32 to vector<16xi32>
              %xor3A_280 = arith.xori %iota3A, %xor3A_279 : vector<16xi32>
              %broadcast_in_dim3A_281 = vector.shape_cast %xor3A_280 : vector<16xi32> to vector<16x1xi32>
              %gather3A_282 = vector.shape_cast %broadcast_in_dim3A_281 : vector<16x1xi32> to vector<16xi32>
              %gather3A_283 = tpu.dynamic_gather %min3A_277[%gather3A_282] in [0] : vector<16xi32>, vector<16xi32> -> vector<16xi32>
              %min3A_284 = arith.minsi %min3A_277, %gather3A_283 : vector<16xi32>
              %reduce_min3A_285 = arith.constant true
              %reduce_min3A_286 = vector.broadcast %reduce_min3A_285 : i1 to vector<16xi1>
              %reduce_min3A_287 = arith.constant -2147483648 : i32
              %reduce_min3A_288 = vector.broadcast %reduce_min3A_287 : i32 to vector<16xi32>
              %reduce_min3A_289 = arith.xori %min3A_284, %reduce_min3A_288 : vector<16xi32>
              %reduce_min3A_290 = tpu.scan <min>, %reduce_min3A_289 masked %reduce_min3A_286 : vector<16xi32>, vector<16xi1> -> vector<16xi32>
              %reduce_min3A_291 = arith.xori %reduce_min3A_290, %reduce_min3A_288 : vector<16xi32>
              %reduce_min3A_292 = vector.extract %reduce_min3A_291[15] : i32 from vector<16xi32>
              scf.yield %min3A_254, %reduce_min3A_292 : vector<16xf32>, i32
            } else {
              scf.yield %min3A_145, %reduce_min3A_181 : vector<16xf32>, i32
            }
            scf.yield %cond3A_220#0, %cond3A_220#1 : vector<16xf32>, i32
          } else {
            scf.yield %min3A_145, %reduce_min3A_181 : vector<16xf32>, i32
          }
          %shift_right_arithmetic3A = arith.constant 1 : i32
          %shift_right_arithmetic3A_187 = arith.shrsi %add3A_113, %shift_right_arithmetic3A : i32
          %and3A_188 = arith.constant 1 : i32
          %and3A_189 = arith.andi %shift_right_arithmetic3A_187, %and3A_188 : i32
          %add3A_190 = arith.constant 1 : i32
          %add3A_191 = arith.addi %cond3A_186#1, %add3A_190 : i32
          %sc_fetch_and_add3A = tpu.fetch_and_add_sync %arg8[%and3A_189], %add3A_191, %xor3A_20 : memref<2xi32, #tpu.memory_space<smem>>, i32 -> i32
          %broadcast_in_dim3A_192 = vector.broadcast %cond3A_186#1 : i32 to vector<16xi32>
          %eq3A_193 = arith.constant 0 : i32
          %eq3A_194 = vector.broadcast %eq3A_193 : i32 to vector<16xi32>
          %eq3A_195 = arith.cmpi eq, %iota3A, %eq3A_194 : vector<16xi32>
          tpu.vector_store_idx %arg6[%broadcast_in_dim3A_192], %broadcast_in_dim3A_34 masked %eq3A_195 : memref<2048xf32, #tpu.memory_space<vmem>>[vector<16xi32>], vector<16xf32>, vector<16xi1>
          %broadcast_in_dim3A_196 = vector.broadcast %add3A_113 : i32 to vector<16xi32>
          %eq3A_197 = arith.constant 0 : i32
          %eq3A_198 = vector.broadcast %eq3A_197 : i32 to vector<16xi32>
          %eq3A_199 = arith.cmpi eq, %iota3A, %eq3A_198 : vector<16xi32>
          tpu.vector_store_idx %arg7[%broadcast_in_dim3A_196], %cond3A_186#0 masked %eq3A_199 : memref<2048xf32, #tpu.memory_space<vmem>>[vector<16xi32>], vector<16xf32>, vector<16xi1>
        }
        %scan3A_99 = arith.constant 8 : i32
        %mul3A_100 = arith.constant 2 : i32
        %mul3A_101 = arith.muli %mul3A_100, %scan3A_59 : i32
        %add3A_102 = arith.constant 3 : i32
        %add3A_103 = arith.addi %mul3A_101, %add3A_102 : i32
        %lt3A_104 = arith.constant 128 : i32
        %lt3A_105 = arith.cmpi slt, %add3A_103, %lt3A_104 : i32
        %convert_element_type3A_106 = arith.extui %lt3A_105 : i1 to i32
        %cond3A_107 = arith.constant 0 : i32
        %cond3A_108 = arith.cmpi ne, %convert_element_type3A_106, %cond3A_107 : i32
        scf.if %cond3A_108 {
          %mul3A_109 = arith.constant 2 : i32
          %mul3A_110 = arith.muli %mul3A_109, %scan3A_59 : i32
          %add3A_111 = arith.constant 3 : i32
          %add3A_112 = arith.addi %mul3A_110, %add3A_111 : i32
          %mul3A_113 = arith.constant 16 : i32
          %mul3A_114 = arith.muli %add3A_112, %mul3A_113 : i32
          %dma_start3A_115 = arith.constant 0 : i32
          %dma_start3A_116 = tpu.memref_slice %arg2[%add3A, %mul3A_114, %dma_start3A_115] : memref<8x2048x2048xf32, #tpu.memory_space<hbm>> -> memref<1x16x2048xf32, #tpu.memory_space<hbm>>
          %dma_start3A_117 = tpu.memref_squeeze %dma_start3A_116 : memref<1x16x2048xf32, #tpu.memory_space<hbm>> -> memref<16x2048xf32, #tpu.memory_space<hbm>>
          %dma_start3A_118 = arith.constant 0 : i32
          %dma_start3A_119 = tpu.memref_slice %arg2[%add3A, %mul3A_114, %dma_start3A_118] : memref<8x2048x2048xf32, #tpu.memory_space<hbm>> -> memref<1x16x2048xf32, #tpu.memory_space<hbm>>
          %dma_start3A_120 = tpu.memref_squeeze %dma_start3A_119 : memref<1x16x2048xf32, #tpu.memory_space<hbm>> -> memref<16x2048xf32, #tpu.memory_space<hbm>>
          tpu.enqueue_dma source(%dma_start3A_120 : memref<16x2048xf32, #tpu.memory_space<hbm>>) target(%arg5 : memref<16x2048xf32, #tpu.memory_space<vmem>>) target_semaphore(%arg10 : memref<!tpu.dma_semaphore, #tpu.memory_space<semaphore_mem>>)
        } else {
        }
      }
      %scan3A_55 = arith.constant 64 : i32
      %mul3A_56 = arith.constant 8 : i32
      %mul3A_57 = arith.muli %arg0, %mul3A_56 : i32
      %add3A_58 = arith.addi %mul3A_57, %arg1 : i32
      "tpu.region"() ({
        %run_scoped3A = tpu.sem_alloc : memref<!tpu.dma_semaphore, #tpu.memory_space<semaphore_mem>>
        %dma_start3A_59 = arith.constant 0 : i32
        %dma_start3A_60 = tpu.memref_slice %arg3[%add3A_58, %dma_start3A_59] : memref<16x2048xf32, #tpu.memory_space<hbm>> -> memref<1x2048xf32, #tpu.memory_space<hbm>>
        %dma_start3A_61 = tpu.memref_squeeze %dma_start3A_60 : memref<1x2048xf32, #tpu.memory_space<hbm>> -> memref<2048xf32, #tpu.memory_space<hbm>>
        %dma_start3A_62 = arith.constant 0 : i32
        %dma_start3A_63 = tpu.memref_slice %arg3[%add3A_58, %dma_start3A_62] : memref<16x2048xf32, #tpu.memory_space<hbm>> -> memref<1x2048xf32, #tpu.memory_space<hbm>>
        %dma_start3A_64 = tpu.memref_squeeze %dma_start3A_63 : memref<1x2048xf32, #tpu.memory_space<hbm>> -> memref<2048xf32, #tpu.memory_space<hbm>>
        tpu.enqueue_dma source(%arg7 : memref<2048xf32, #tpu.memory_space<vmem>>) target(%dma_start3A_64 : memref<2048xf32, #tpu.memory_space<hbm>>) target_semaphore(%run_scoped3A : memref<!tpu.dma_semaphore, #tpu.memory_space<semaphore_mem>>)
        %dma_wait3A = arith.constant 0 : i32
        %dma_wait3A_65 = tpu.memref_slice %arg3[%add3A_58, %dma_wait3A] : memref<16x2048xf32, #tpu.memory_space<hbm>> -> memref<1x2048xf32, #tpu.memory_space<hbm>>
        %dma_wait3A_66 = tpu.memref_squeeze %dma_wait3A_65 : memref<1x2048xf32, #tpu.memory_space<hbm>> -> memref<2048xf32, #tpu.memory_space<hbm>>
        %dma_wait3A_67 = arith.constant 0 : i32
        %dma_wait3A_68 = tpu.memref_slice %arg3[%add3A_58, %dma_wait3A_67] : memref<16x2048xf32, #tpu.memory_space<hbm>> -> memref<1x2048xf32, #tpu.memory_space<hbm>>
        %dma_wait3A_69 = tpu.memref_squeeze %dma_wait3A_68 : memref<1x2048xf32, #tpu.memory_space<hbm>> -> memref<2048xf32, #tpu.memory_space<hbm>>
        tpu.wait_dma2 semaphore(%run_scoped3A : memref<!tpu.dma_semaphore, #tpu.memory_space<semaphore_mem>>) src(%arg7 : memref<2048xf32, #tpu.memory_space<vmem>>) dst(%dma_wait3A_69 : memref<2048xf32, #tpu.memory_space<hbm>>)
        tpu.yield
      }) : () -> ()
    } else {
    }
    return
  }
}

module attributes {stable_mosaic.version = 14 : i64} {
  func.func @_cost_tc_kernel(%arg0: i32, %arg1: i32, %arg2: memref<1x256x3xf32, #tpu.memory_space<vmem>>, %arg3: memref<1x3x2048xf32, #tpu.memory_space<vmem>>, %arg4: memref<1x256x2048xf32, #tpu.memory_space<vmem>>) attributes {dimension_semantics = [#tpu.dimension_semantics<arbitrary>, #tpu.dimension_semantics<arbitrary>], iteration_bounds = array<i64: 8, 8>, scalar_prefetch = 0 : i64, scratch_operands = 0 : i64, tpu.core_type = #tpu.core_type<tc>, window_params = [{transform_indices = @transform_0, window_bounds = array<i64: 1, 256, 3>}, {transform_indices = @transform_1, window_bounds = array<i64: 1, 3, 2048>}, {transform_indices = @transform_2, window_bounds = array<i64: 1, 256, 2048>}]} {
    %get3A = arith.constant 0 : index
    %get3A_0 = arith.constant 0 : index
    %get3A_1 = arith.constant 0 : index
    %get3A_2 = vector.load %arg2[%get3A, %get3A_0, %get3A_1] : memref<1x256x3xf32, #tpu.memory_space<vmem>>, vector<1x256x3xf32>
    %get3A_3 = vector.shape_cast %get3A_2 : vector<1x256x3xf32> to vector<256x3xf32>
    %get3A_4 = arith.constant 0 : index
    %get3A_5 = arith.constant 0 : index
    %get3A_6 = arith.constant 0 : index
    %get3A_7 = vector.load %arg3[%get3A_4, %get3A_5, %get3A_6] : memref<1x3x2048xf32, #tpu.memory_space<vmem>>, vector<1x3x2048xf32>
    %get3A_8 = vector.shape_cast %get3A_7 : vector<1x3x2048xf32> to vector<3x2048xf32>
    %slice3A = vector.extract_strided_slice %get3A_3 {offsets = [0, 0], sizes = [256, 1], strides = [1, 1]} : vector<256x3xf32> to vector<256x1xf32>
    %slice3A_9 = vector.extract_strided_slice %get3A_3 {offsets = [0, 1], sizes = [256, 1], strides = [1, 1]} : vector<256x3xf32> to vector<256x1xf32>
    %slice3A_10 = vector.extract_strided_slice %get3A_3 {offsets = [0, 2], sizes = [256, 1], strides = [1, 1]} : vector<256x3xf32> to vector<256x1xf32>
    %slice3A_11 = vector.extract_strided_slice %get3A_8 {offsets = [0, 0], sizes = [1, 2048], strides = [1, 1]} : vector<3x2048xf32> to vector<1x2048xf32>
    %slice3A_12 = vector.extract_strided_slice %get3A_8 {offsets = [1, 0], sizes = [1, 2048], strides = [1, 1]} : vector<3x2048xf32> to vector<1x2048xf32>
    %slice3A_13 = vector.extract_strided_slice %get3A_8 {offsets = [2, 0], sizes = [1, 2048], strides = [1, 1]} : vector<3x2048xf32> to vector<1x2048xf32>
    %mul3A = arith.mulf %slice3A, %slice3A : vector<256x1xf32>
    %mul3A_14 = arith.mulf %slice3A_9, %slice3A_9 : vector<256x1xf32>
    %add3A = arith.addf %mul3A, %mul3A_14 : vector<256x1xf32>
    %mul3A_15 = arith.mulf %slice3A_10, %slice3A_10 : vector<256x1xf32>
    %add3A_16 = arith.addf %add3A, %mul3A_15 : vector<256x1xf32>
    %mul3A_17 = arith.mulf %slice3A_11, %slice3A_11 : vector<1x2048xf32>
    %mul3A_18 = arith.mulf %slice3A_12, %slice3A_12 : vector<1x2048xf32>
    %add3A_19 = arith.addf %mul3A_17, %mul3A_18 : vector<1x2048xf32>
    %mul3A_20 = arith.mulf %slice3A_13, %slice3A_13 : vector<1x2048xf32>
    %add3A_21 = arith.addf %add3A_19, %mul3A_20 : vector<1x2048xf32>
    %dot_general3A = arith.constant dense<0.000000e+00> : vector<256x2048xf32>
    %dot_general3A_22 = tpu.matmul %get3A_3, %get3A_8, %dot_general3A {dimension_numbers = #tpu.dot_dimension_numbers<[1], [0], [0], [1], [0, 0, 1, 1], [], []>, transpose_lhs_hint = false} : vector<256x3xf32>, vector<3x2048xf32>, vector<256x2048xf32> -> vector<256x2048xf32>
    %add3A_23 = vector.broadcast %add3A_16 : vector<256x1xf32> to vector<256x2048xf32>
    %add3A_24 = vector.broadcast %add3A_21 : vector<1x2048xf32> to vector<256x2048xf32>
    %add3A_25 = arith.addf %add3A_23, %add3A_24 : vector<256x2048xf32>
    %mul3A_26 = arith.constant 2.000000e+00 : f32
    %mul3A_27 = vector.broadcast %mul3A_26 : f32 to vector<256x2048xf32>
    %mul3A_28 = arith.mulf %mul3A_27, %dot_general3A_22 : vector<256x2048xf32>
    %sub3A = arith.subf %add3A_25, %mul3A_28 : vector<256x2048xf32>
    %max3A = arith.constant 9.99999996E-13 : f32
    %max3A_29 = vector.broadcast %max3A : f32 to vector<256x2048xf32>
    %max3A_30 = arith.maximumf %sub3A, %max3A_29 : vector<256x2048xf32>
    %sqrt3A = math.sqrt %max3A_30 : vector<256x2048xf32>
    %swap3A = arith.constant 0 : index
    %swap3A_31 = arith.constant 0 : index
    %swap3A_32 = arith.constant 0 : index
    %swap3A_33 = vector.load %arg4[%swap3A, %swap3A_31, %swap3A_32] : memref<1x256x2048xf32, #tpu.memory_space<vmem>>, vector<1x256x2048xf32>
    %swap3A_34 = vector.shape_cast %swap3A_33 : vector<1x256x2048xf32> to vector<256x2048xf32>
    %swap3A_35 = vector.shape_cast %sqrt3A : vector<256x2048xf32> to vector<1x256x2048xf32>
    tpu.vector_store %arg4[%swap3A, %swap3A_31, %swap3A_32], %swap3A_35 {strides = array<i32>} : memref<1x256x2048xf32, #tpu.memory_space<vmem>>, vector<1x256x2048xf32>,
    return
  }
  func.func @transform_0(%arg0: i32, %arg1: i32) -> (i32, i32, i32) {
    %c0_i32 = arith.constant 0 : i32
    %c0_i32_0 = arith.constant 0 : i32
    return %arg0, %arg1, %c0_i32 : i32, i32, i32
  }
  func.func @transform_1(%arg0: i32, %arg1: i32) -> (i32, i32, i32) {
    %c0_i32 = arith.constant 0 : i32
    %c0_i32_0 = arith.constant 0 : i32
    %c0_i32_1 = arith.constant 0 : i32
    return %arg0, %c0_i32, %c0_i32_0 : i32, i32, i32
  }
  func.func @transform_2(%arg0: i32, %arg1: i32) -> (i32, i32, i32) {
    %c0_i32 = arith.constant 0 : i32
    %c0_i32_0 = arith.constant 0 : i32
    return %arg0, %arg1, %c0_i32 : i32, i32, i32
  }
}

module attributes {stable_mosaic.version = 14 : i64} {
  func.func @_fold_tc_kernel(%arg0: memref<2048x8xf32, #tpu.memory_space<vmem>>, %arg1: memref<1x8xf32, #tpu.memory_space<vmem>>) attributes {dimension_semantics = [], scalar_prefetch = 0 : i64, scratch_operands = 0 : i64, tpu.core_type = #tpu.core_type<tc>} {
    %broadcast_in_dim3A = arith.constant 0.000000e+00 : f32
    %broadcast_in_dim3A_0 = vector.broadcast %broadcast_in_dim3A : f32 to vector<1x8xf32>
    %scan3A = arith.constant 0 : i32
    %scan3A_1 = arith.constant 2048 : i32
    %scan3A_2 = arith.addi %scan3A, %scan3A_1 : i32
    %scan3A_3 = arith.constant 1 : i32
    %scan3A_4 = scf.for %scan3A_8 = %scan3A to %scan3A_2 step %scan3A_3 iter_args(%scan3A_9 = %broadcast_in_dim3A_0) -> (vector<1x8xf32>)  : i32 {
      %get3A = arith.index_cast %scan3A_8 : i32 to index
      %get3A_10 = arith.constant 0 : index
      %get3A_11 = vector.load %arg0[%get3A, %get3A_10] : memref<2048x8xf32, #tpu.memory_space<vmem>>, vector<1x8xf32>
      %add3A = arith.addf %scan3A_9, %get3A_11 : vector<1x8xf32>
      scf.yield %add3A : vector<1x8xf32>
    }
    %scan3A_5 = arith.constant 2048 : i32
    %swap3A = arith.constant 0 : index
    %swap3A_6 = arith.constant 0 : index
    %swap3A_7 = vector.load %arg1[%swap3A, %swap3A_6] : memref<1x8xf32, #tpu.memory_space<vmem>>, vector<1x8xf32>
    tpu.vector_store %arg1[%swap3A, %swap3A_6], %scan3A_4 {strides = array<i32>} : memref<1x8xf32, #tpu.memory_space<vmem>>, vector<1x8xf32>,
    return
  }
}

</mosaic_0001>

<sc_bundles>
// kernel: kernel.5.cloned.1.call-start
scs
__scs_entry_jumppad:
0x0: {  	(pc) =	sbr.rel $0x88, $3  }
0x1: {  	(tag) =	ssettag $0x0;
	lr =	simm.s32 $0x1  }
0x2: {  	[smem:$0x3F9F] =	sst lr;
	_ =	strace $0xD0000000  }
0x3: {  	_ = 	snop  }
0x4: {  	_ = 	snop  }
0x5: {  	_ = 	snop  }
0x6: {  	_ = 	snop  }
0x7: {  	_ = 	snop  }
__scs_overlays_trampoline_lowered:
0x8: {  	[smem:$0x3FAE] =	sst s0  }
0x9: {  	[smem:$0x3FAF] =	sst s1  }
0xa: {  	[smem:$0x3FB0] =	sst s2  }
0xb: {  	[smem:$0x3FB1] =	sst s3  }
0xc: {  	[smem:$0x3FB2] =	sst s4  }
0xd: {  	[smem:$0x3FB3] =	sst s5  }
0xe: {  	[smem:$0x3FB4] =	sst s6  }
0xf: {  	[smem:$0x3FB5] =	sst s7  }
0x10: {  	[smem:$0x3FB6] =	sst s8  }
0x11: {  	[smem:$0x3FB7] =	sst s9;
	s0 =	simm.s32 @!p0 $0x0  }
0x12: {  	s1 =	sld [smem:$0x3F9D];
	s0 =	simm.s32 @p0 $0x1  }
0x13: {  	[smem:$0x3FB8] =	sst s0;
	s0 =	simm.s32 @!p1 $0x0  }
0x14: {  	s2 =	sld [smem:$0x3F9C];
	s0 =	simm.s32 @p1 $0x1  }
0x15: {  	[smem:$0x3FB9] =	sst s0;
	s0 =	simm.s32 @!p2 $0x0  }
0x16: {  	s3 =	sld [smem:$0x3FDB];
	s0 =	simm.s32 @p2 $0x1  }
0x17: {  	s4 =	simm.s32 $0x1BF5;
	[smem:$0x3FBB] =	sst s0  }
0x18: {  	s0 =	sld [smem:$0x3F9E];
	_ =	swait.ge [sflag:s4], $0x0  }
0x19: {  	s7 =	sld [smem:$0x3F9F]  }
0x1a: {  	s8 =	sadd.s32 $0xFFFFE003, lr  }
0x1b: {  	s9 =	sadd.s32 $0xFFFFFEF7, lr;
	s5 =	simm.s32 $0xFFFFFFFF;
	p2 =	slt.u32 s8, $0xFFFFF086  }
0x1c: {  	p1 =	slt.u32 s9, $0xF7A;
	s5 =	simm.s32 @!p2 $0x0  }
0x1d: {  	s5 =	simm.s32 @p1 $0x1;
	p0 =	seq.s32 s7, s2  }
0x1e: {  	s7 =	smul.u32 @!p0 $0xF7A, s2;
	p2 =	seq.s32 @!p0 s5, $0x0  }
0x1f: {  	s9 =	smul.u32 $0xF7A, s1;
	s8 =	simm.s32 @!p0 $0x1BF5;
	p2 =	por !p2, p0  }
0x20: {  	[sflag:s8] =	ssyncset.s32 @!p0 $0xFFFFF086;
	s6 =	sadd.s32 @!p0 s3, s7;
	s7 =	simm.s32 @!p0 $0x108  }
0x21: {  	s3 =	sadd.s32 s3, s9;
	s6 =	sadd.s32 @!p0 $0x88, s6;
	s7 =	simm.s32 @p2 $0x1082  }
0x22: {  	[simem:s7], [sflag:s8] =	dma.local @!p0 [hbm:s6], $0xF7A  }
0x23: {  	s9 =	sor.u32 $0xD0000000, s2;
	s6 =	simm.s32 $0x108;
	_ =	swait.ge @!p0 [sflag:s8], $0x0  }
0x24: {  	s3 =	sadd.s32 $0x88, s3;
	s6 =	simm.s32 @!p1 $0x1082;
	[sflag:s4] =	ssyncset.s32 $0xFFFFF086  }
0x25: {  	[simem:s6], [sflag:s4] =	dma.local [hbm:s3], $0xF7A  }
0x26: {  	[smem:$0x3F9F] =	sst s1;
	(tag) =	ssettag s2;
	_ =	strace s9  }
0x27: {  	s1 =	sld [smem:$0x3FAF]  }
0x28: {  	s2 =	sld [smem:$0x3FB0]  }
0x29: {  	s4 =	sld [smem:$0x3FB2]  }
0x2a: {  	p0 =	seq.s32 s5, $0x0;
	s5 =	sld [smem:$0x3FB3]  }
0x2b: {  	s6 =	sld [smem:$0x3FB4]  }
0x2c: {  	s7 =	sld [smem:$0x3FB5]  }
0x2d: {  	s3 =	simm.s32 $0x108;
	s8 =	sld [smem:$0x3FB6]  }
0x2e: {  	s3 =	simm.s32 @!p0 $0x1082;
	s9 =	sld [smem:$0x3FB7]  }
0x2f: {  	lr =	sadd.s32 s0, s3;
	s0 =	sld [smem:$0x3FAE]  }
0x30: {  	s3 =	sld [smem:$0x3FB1]  }
0x31: {  	[smem:$0x3FBA] =	sst s10  }
0x32: {  	s10 =	sld [smem:$0x3FB8];
	_ =	sdelay $0x3  }
0x33: {  	p0 =	seq.s32 s10, $0x1;
	s10 =	sld [smem:$0x3FBA];
	_ =	sdelay $0x3  }
0x34: {  	[smem:$0x3FBA] =	sst s10  }
0x35: {  	s10 =	sld [smem:$0x3FB9];
	_ =	sdelay $0x3  }
0x36: {  	p1 =	seq.s32 s10, $0x1;
	s10 =	sld [smem:$0x3FBA];
	_ =	sdelay $0x3  }
0x37: {  	[smem:$0x3FBA] =	sst s10  }
0x38: {  	s10 =	sld [smem:$0x3FBB]  }
0x39: {  	_ = 	snop;
	(pc) =	sbr.ind lr, $3  }
0x3a: {  	_ = 	snop  }
0x3b: {  	_ = 	snop  }
0x3c: {  	p2 =	seq.s32 s10, $0x1;
	s10 =	sld [smem:$0x3FBA]  }
0x3d: {  	_ =	shalt  }
0x3e: {  	_ =	shalt  }
0x3f: {  	_ =	shalt  }
0x40: {  	_ =	shalt  }
0x41: {  	_ =	shalt  }
0x42: {  	_ =	shalt  }
0x43: {  	_ =	shalt  }
0x44: {  	_ =	shalt  }
0x45: {  	_ =	shalt  }
0x46: {  	_ =	shalt  }
0x47: {  	_ =	shalt  }
0x48: {  	_ =	shalt  }
0x49: {  	_ =	shalt  }
0x4a: {  	_ =	shalt  }
0x4b: {  	_ =	shalt  }
0x4c: {  	_ =	shalt  }
0x4d: {  	_ =	shalt  }
0x4e: {  	_ =	shalt  }
0x4f: {  	_ =	shalt  }
0x50: {  	_ =	shalt  }
0x51: {  	_ =	shalt  }
0x52: {  	_ =	shalt  }
0x53: {  	_ =	shalt  }
0x54: {  	_ =	shalt  }
0x55: {  	_ =	shalt  }
0x56: {  	_ =	shalt  }
0x57: {  	_ =	shalt  }
0x58: {  	_ =	shalt  }
0x59: {  	_ =	shalt  }
0x5a: {  	_ =	shalt  }
0x5b: {  	_ =	shalt  }
0x5c: {  	_ =	shalt  }
0x5d: {  	_ =	shalt  }
0x5e: {  	_ =	shalt  }
0x5f: {  	_ =	shalt  }
0x60: {  	_ =	shalt  }
0x61: {  	_ =	shalt  }
0x62: {  	_ =	shalt  }
0x63: {  	_ =	shalt  }
0x64: {  	_ =	shalt  }
0x65: {  	_ =	shalt  }
0x66: {  	_ =	shalt  }
0x67: {  	_ =	shalt  }
0x68: {  	_ =	shalt  }
0x69: {  	_ =	shalt  }
0x6a: {  	_ =	shalt  }
0x6b: {  	_ =	shalt  }
0x6c: {  	_ =	shalt  }
0x6d: {  	_ =	shalt  }
0x6e: {  	_ =	shalt  }
0x6f: {  	_ =	shalt  }
0x70: {  	_ =	shalt  }
0x71: {  	_ =	shalt  }
0x72: {  	_ =	shalt  }
0x73: {  	_ =	shalt  }
0x74: {  	_ =	shalt  }
0x75: {  	_ =	shalt  }
0x76: {  	_ =	shalt  }
0x77: {  	_ =	shalt  }
0x78: {  	_ =	shalt  }
0x79: {  	_ =	shalt  }
0x7a: {  	_ =	shalt  }
0x7b: {  	_ =	shalt  }
0x7c: {  	_ =	shalt  }
0x7d: {  	_ =	shalt  }
0x7e: {  	_ =	shalt  }
0x7f: {  	_ =	shalt  }
0x80: {  	_ =	shalt  }
0x81: {  	_ =	shalt  }
0x82: {  	_ =	shalt  }
0x83: {  	_ =	shalt  }
0x84: {  	_ =	shalt  }
0x85: {  	_ =	shalt  }
0x86: {  	_ =	shalt  }
0x87: {  	_ =	shalt  }
.Lfunc_end0:
.L_simem_size_0:
called_computation_lowered:
.L_overlay_start_0:
0x88: {  	s2 =	sld [smem:$0x3FD9]  }
0x89: {  	s3 =	sld [smem:$0x3FFE];
	_ =	sdelay $0x1  }
0x8a: {  	s1 =	srdreg.scid  }
0x8b: {  	s0 =	sand.u32 $0x1, s1  }
0x8c: {  	s16 =	sshll.u32 s0, $0xA;
	s2 =	sadd.s32 s3, s2  }
0x8d: {  	s2 =	sadd.s32 s2, s16  }
0x8e: {  	[smem:$0x3FC6] =	sst s2  }
0x8f: {  	_ = 	snop  }
0x90: {  	(tm) =	ssettm $0x1  }
0x91: {  	s17 =	sld [smem:$0x3FFB];
	_ =	sdelay $0x3  }
0x92: {  	_ =	strace s17  }
0x93: {  	s2 =	sld [smem:$0x3FFC];
	_ =	sdelay $0x3  }
0x94: {  	_ =	strace s2  }
0x95: {  	s2 =	sld [smem:$0x3FFD];
	_ =	sdelay $0x3  }
0x96: {  	_ =	strace s2  }
0x97: {  	_ =	strace $0x8FFFFFFF  }
0x98: {  	s18 =	sld [smem:$0x3FDB];
	_ =	sdelay $0x1  }
0x99: {  	s19 =	simm.s32 $_scs_section_size  }
0x9a: {  	s4 =	simm.s32 $_size__tile_overlayer_lowered;
	s5 =	simm.s32 $_tile_overlayer_lowered  }
0x9b: {  	s22 =	simm.s32 $0x1BFF;
	s21 =	sshll.u32 s5, $0x1;
	s2 =	sadd.s32 s19, s18  }
0x9c: {  	s6 =	simm.s32 $0x0;
	s20 =	sshll.u32 s4, $0x1;
	s4 =	sadd.s32 s21, s2  }
0x9d: {  	[timem:s6], [sflag:s22] =	dma.local [hbm:s4], s20  }
0x9e: {  	_ =	swait.ge [sflag:s22], s20  }
0x9f: {  	s3 =	ssub.s32 $0x0, s20;
	[sflag:s22] =	ssyncset.done $0x0  }
0xa0: {  	[sflag:s22] =	ssyncadd.s32 s3;
	_ =	sdelay $0x1  }
0xa1: {  	s23 =	simm.s32 $0x1B8B  }
0xa2: {  	_ =	swait.ge [sflag:s23], $0x1  }
0xa3: {  	[sflag:s23] =	ssyncset.done $0x0  }
0xa4: {  	s25 =	simm.s32 $0x1B8E;
	s24 =	sld [smem:$0x3FFE];
	[sflag:s23] =	ssyncadd.s32 $0xFFFFFFFF  }
0xa5: {  	s26 =	simm.s32 $execute0_lowered;
	[smem:$0x3FD2] =	sst s25  }
0xa6: {  	s4 =	sshll.u32 s26, $0x1;
	_ =	strace $0x80000046;
	[dreg:$0x1] =	wrdreg $0xFFFFFFFF  }
0xa7: {  	s28 =	simm.s32 $_size_execute0_lowered;
	s2 =	sadd.s32 s2, s4;
	[dreg:$0x0] =	wrdreg $0x0  }
0xa8: {  	s4 =	sshll.u32 s28, $0x1;
	[dreg:$0x2] =	wrdreg s2  }
0xa9: {  	[dreg:$0x3] =	wrdreg s4  }
0xaa: {  	[dreg:$0x4] =	wrdreg $0xC0  }
0xab: {  	_ =	task [dreg:s6], $0x5FFFF  }
0xac: {  	[dreg:$0x1] =	wrdreg $0xFFFFFFFF  }
0xad: {  	[dreg:$0x0] =	wrdreg $0x60  }
0xae: {  	[dreg:$0x2] =	wrdreg s24  }
0xaf: {  	[dreg:$0x3] =	wrdreg $0x9  }
0xb0: {  	_ =	task.clear_ibuf [dreg:s6], $0x4FFFF;
	_ =	strace $0x90000046  }
0xb1: {  	s29 =	simm.s32 $0x9;
	_ =	strace $0x80000048  }
0xb2: {  	_ =	swait.ge [sflag:s29], $0x1  }
0xb3: {  	[sflag:s29] =	ssyncadd.s32 $0xFFFFFFFF  }
0xb4: {  	_ =	strace $0x90000048  }
0xb5: {  	_ =	sfence  }
0xb6: {  	s30 =	sld [smem:$0x0];
	_ =	sdelay $0x2  }
0xb7: {  	s31 =	sshll.u32 s1, $0xD;
	s1 =	sshrl.u32 s1, $0x2  }
0xb8: {  	s3 =	sand.u32 $0x4000, s31;
	s1 =	sadd.s32 s1, s30  }
0xb9: {  	s0 =	sor.u32 s3, s0;
	s1 =	sshll.u32 s1, $0x11  }
0xba: {  	s0 =	sor.u32 s1, s0  }
0xbb: {  	s0 =	sadd.s32 $0x8F2B, s0  }
0xbc: {  	[sflag:s0] =	ssyncadd.remote.s32 $0x1  }
0xbd: {  	_ =	sfence.sel $0xFFFF  }
0xbe: {  	[dreg:$0x0] =	wrdreg $0xFFFFFFFF;
	(pc) =	sbr.abs _section_cstart, $3  }
0xbf: {  	[dreg:$0x1] =	wrdreg $0xFFFFFFFF  }
0xc0: {  	_ =	task.clear_ibuf [dreg:s6], $0x2FFFF;
	_ =	strace $0x9FFFFFFF  }
0xc1: {  	(tm) =	ssettm $0x7FFFFFFF  }
tec
execute0_lowered:
.L_overlay_start_1:
0x0: {  	(tag) =	ssettag $0x1  }
0x1: {  	s0 =	rddreg [dreg:$0x0]  }
0x2: {  	s1 =	simm.s32 $0x0;
	v0 =	vimm.s32 $0xEFCDAB89;
	v1 =	vimm.s32 $0x67452301;
	s2 =	stileid.u32;
	s4 =	srdreg.scid  }
0x3: {  	s12 =	simm.s32 $0x8000;
	s13 =	simm.s32 $0x1;
	s14 =	simm.s32 $0x5;
	v0 =	vunpack.c.l.s4.s8 v0;
	v1 =	vunpack.c.l.s4.s8 v1  }
0x4: {  	v2 =	vimm.s32 $0xDCFE98BA;
	v4 =	vimm.s32 $0x32107654;
	s15 =	simm.s32 $0x10000;
	s16 =	simm.s32 $0x10800;
	s17 =	simm.s32 $0x2  }
0x5: {  	v5 =	vimm.s32 $0xFEDCBA98;
	s18 =	simm.s32 $0x3;
	s19 =	simm.s32 $0x4;
	s22 =	simm.s32 $0x0;
	v0 =	vunpack.c.0.s8.s32 v0;
	v1 =	vunpack.c.0.s8.s32 v1  }
0x6: {  	v6 =	vimm.s32 $0x76543210;
	[smem:$0x7FF] =	sst s1;
	s3 =	sadd.s32 $0x200, s0;
	s5 =	sshll.u32 s2, $0x4;
	v2 =	vunpack.c.l.s4.s8 v2;
	v4 =	vunpack.c.l.s4.s8 v4  }
0x7: {  	s6 =	sand.u32 $0x1, s4;
	s30 =	sshll.u32 s2, $0x15;
	v5 =	vunpack.c.l.s4.s8 v5;
	v6 =	vunpack.c.l.s4.s8 v6;
	p0 =	sgt.u32 s2, $0x7;
	v3 =	vcombine.low v1, v0  }
0x8: {  	_ =	strace $0x80000047;
	s7 =	ssub.s32 $0x2, s6;
	s8 =	sshll.u32 s6, $0x18;
	v0 =	vunpack.c.0.s8.s32 v2;
	v1 =	vimm.s32 $0x54761032;
	v2 =	vimm.s32 $0xBA98FEDC  }
0x9: {  	s4 =	sand.u32 $0xC00000, s30;
	s0 =	sadd.s32 s5, s0;
	s6 =	sshll.u32 s6, $0xB;
	v5 =	vunpack.c.0.s8.s32 v5;
	v1 =	vunpack.c.l.s4.s8 v1;
	v2 =	vunpack.c.l.s4.s8 v2  }
0xa: {  	s31 =	sshrl.u32 s7, $0x1;
	s9 =	sor.u32 s8, s4;
	s0 =	sadd.s32 s6, s0;
	v4 =	vunpack.c.0.s8.s32 v4;
	v6 =	vunpack.c.0.s8.s32 v6  }
.Ltmp0:
0xb: {  	s8 =	sshrl.u32 s9, $0x3;
	s0 =	sadd.s32 $0x400200, s0;
	v5 =	vand.u32 $0xF, v5;
	v1 =	vunpack.c.0.s8.s32 v1;
	v2 =	vunpack.c.0.s8.s32 v2;
	(pc) =	sbr.rel .LBB2_1-.Ltmp0, $4  }
0xc: {  	s7 =	ssub.s32 s7, s31;
	s8 =	sadd.s32 s3, s8;
	[dreg:$0x4] =	wrdreg s0;
	v5 =	vcombine.low v5, v6  }
0xd: {  	s5 =	sxor.u32 $0x1, s2;
	s0 =	smax.u32 s7, $0x1;
	[dreg:$0x2] =	wrdreg s8;
	v7 =	vcombine.low v1, v0;
	v4 =	vcombine.low v4, v2  }
0xe: {  	s4 =	sand.u32 $0x1, s2;
	s8 =	sadd.s32 $0x1000, s8;
	v6 =	vimm.f32 $+Inf;
	[dreg:$0x5] =	wrdreg s0;
	v0 =	vimm.f32 $0.0e+00;
	v1 =	vlaneseq.u32  }
0xf: {  	[dreg:$0x3] =	wrdreg s8;
	s8 =	sor.u32 $0x10000, s9;
	s9 =	sor.u32 $0x18000, s9;
	v2 =	vand.u32 $0xF, v3;
	v3 =	vand.u32 $0xF, v7;
	v4 =	vand.u32 $0xF, v4  }
.LBB2_29:
0x10: {  	[bflag:$0x0] =	sbarrier.arrive $0xFFFF  }
.LBB2_30:
0x11: {  	s22 =	sadd.s32 $0x1, s22  }
0x12: {  	p1 =	sne.s32 s22, s0  }
.Ltmp1:
0x13: {  	_ = 	snop;
	(pc) =	sbr.rel @!p1 .LBB2_31-.Ltmp1, $1  }
0x14: {  	_ =	sdelay $0x3  }
.LBB2_1:
.Ltmp2:
0x15: {  	(pc) =	sbr.rel @p0 .LBB2_29-.Ltmp2, $1  }
0x16: {  	_ =	sdelay $0x3  }
0x17: {  	[smem:$0x0] =	sst s1  }
0x18: {  	[smem:$0x1] =	sst s1  }
0x19: {  	s0 =	simm.s32 $0x10040;
	[bflag:$0x0] =	sbarrier.arrive $0xFFFF  }
0x1a: {  	[tilespmem:s0+$0xFFFFFFC0] =	vst v0  }
0x1b: {  	[tilespmem:s0+$0x30] =	vst v0  }
0x1c: {  	[tilespmem:s0+$0x20] =	vst v0  }
0x1d: {  	[tilespmem:s0+$0x10] =	vst v0  }
0x1e: {  	[tilespmem:s0+$0x0] =	vst v0  }
0x1f: {  	[tilespmem:s0+$0xFFFFFFF0] =	vst v0  }
0x20: {  	s6 =	simm.s32 $0x0;
	[tilespmem:s0+$0xFFFFFFE0] =	vst v0  }
.LBB2_3:
0x21: {  	s6 =	sadd.s32 $0x8, s6;
	[tilespmem:s0+$0xFFFFFFD0] =	vst v0;
	s0 =	sadd.s32 $0x80, s0  }
0x22: {  	[tilespmem:s0+$0xFFFFFFC0] =	vst v0;
	p1 =	slt.u32 s6, $0x78  }
0x23: {  	[tilespmem:s0+$0x30] =	vst v0  }
.Ltmp3:
0x24: {  	[tilespmem:s0+$0x20] =	vst v0;
	(pc) =	sbr.rel @p1 .LBB2_3-.Ltmp3, $4  }
0x25: {  	[tilespmem:s0+$0x10] =	vst v0  }
0x26: {  	[tilespmem:s0+$0x0] =	vst v0  }
0x27: {  	[tilespmem:s0+$0xFFFFFFF0] =	vst v0  }
0x28: {  	[tilespmem:s0+$0xFFFFFFE0] =	vst v0  }
0x29: {  	[tilespmem:s0+$0xFFFFFFD0] =	vst v0;
	s23 =	simm.s32 $0x0;
	s30 =	rddreg [dreg:$0x2]  }
0x2a: {  	[tilespmem:s23], [sflag:$0x1] =	stream.linear.gather [hbm4b:s30+s23], $0x8000, $0x38;
	[tilespmem:$0x11000] =	vst v63  }
0x2b: {  	s31 =	rddreg [dreg:$0x3]  }
0x2c: {  	[tilespmem:s12], [sflag:$0x2] =	stream.linear.gather [hbm4b:s31+s23], $0x8000, $0x38;
	[tilespmem:$0x11000] =	vst v63  }
.LBB2_5:
.Ltmp4:
0x2d: {  	(pc) =	sbr.rel .LBB2_6-.Ltmp4, $4  }
0x2e: {  	_ = 	snop  }
0x2f: {  	_ =	swait.ge [sflag:s13], $0x8000  }
0x30: {  	s25 =	sshll.u32 s23, $0x5;
	s26 =	smov.u32 s4;
	[sflag:s13] =	ssyncset.done $0x0  }
0x31: {  	s28 =	simm.s32 $0x0;
	s29 =	simm.s32 $0x0;
	[sflag:s13] =	ssyncadd.s32 $0xFFFF8000  }
.LBB2_15:
0x32: {  	s7 =	sand.u32 $0x1, s29;
	s24 =	sshll.u32 s5, $0x10;
	s10 =	sadd.s32 $0x1, s6  }
0x33: {  	[sflag:s14] =	ssyncset.done $0x0;
	v8 =	vmov s6;
	s29 =	sadd.s32 $0x1, s29;
	s7 =	sor.u32 s24, s7  }
0x34: {  	v9 =	vmov s0;
	p1 =	sne.s32 s29, $0x8;
	[smem:s7], [sflag:$0x5] =	smem.add.s32 s10  }
.Ltmp5:
0x35: {  	_ =	swait.done [sflag:s14];
	(pc) =	sbr.rel @!p1 .LBB2_16-.Ltmp5, $4  }
0x36: {  	[sflag:s14] =	ssyncset.s32 $0x0  }
0x37: {  	[sflag:s14] =	ssyncset.done $0x0  }
0x38: {  	[tilespmem:v8+s15+$0x0] =	vst.idx.msk $0x1, v6  }
0x39: {  	s28 =	sadd.s32 $0x1000, s28;
	s26 =	sadd.s32 $0x2, s26;
	[tilespmem:v9+s16+$0x0] =	vst.idx.msk $0x1, v7  }
.LBB2_6:
0x3a: {  	s0 =	sshll.u32 s28, $0x2;
	s6 =	sand.u32 $0x7, s26  }
0x3b: {  	s0 =	sand.u32 $0xFFFF0000, s0;
	s6 =	sshll.u32 s6, $0x9  }
0x3c: {  	s0 =	sor.u32 s6, s0  }
0x3d: {  	s0 =	sshrl.u32 s0, $0x2  }
0x3e: {  	s24 =	sor.u32 $0x400, s0  }
0x3f: {  	s0 =	simm.s32 $0x10080;
	v7 =	vld [tilespmem:s24+$0xFFFFFC00]  }
0x40: {  	v8 =	vld [tilespmem:s0+$0xFFFFFF80]  }
0x41: {  	v9 =	vld [tilespmem:s24+$0xFFFFFC10]  }
0x42: {  	v10 =	vld [tilespmem:s0+$0xFFFFFF90]  }
0x43: {  	v11 =	vld [tilespmem:s24+$0xFFFFFC20]  }
0x44: {  	v12 =	vld [tilespmem:s0+$0xFFFFFFA0]  }
0x45: {  	v14 =	vld [tilespmem:s0+$0xFFFFFFB0];
	v7 =	vadd.f32 v8, v7  }
0x46: {  	v13 =	vimm.f32 $+Inf;
	v8 =	vld [tilespmem:s24+$0xFFFFFC30]  }
0x47: {  	v9 =	vadd.f32 v10, v9;
	v10 =	vld [tilespmem:s24+$0xFFFFFC40];
	vm0 =	vlt.f32 v7, v13  }
0x48: {  	v15 =	vimm.s32 $0x40000000;
	s31 =	simm.s32 $0x0;
	v7 =	vsel vm0, v7, v13;
	v13 =	vld [tilespmem:s0+$0xFFFFFFC0]  }
0x49: {  	v16 =	vor.u32 s31, v1;
	v11 =	vadd.f32 v12, v11;
	v12 =	vld [tilespmem:s24+$0xFFFFFC50];
	vm1 =	vlt.f32 v9, v7  }
0x4a: {  	s7 =	simm.s32 $0x10;
	v15 =	vsel vm0, v16, v15;
	v7 =	vsel vm1, v9, v7;
	v9 =	vld [tilespmem:s0+$0xFFFFFFD0]  }
0x4b: {  	v16 =	vor.u32 s7, v1;
	v8 =	vadd.f32 v14, v8;
	v14 =	vld [tilespmem:s24+$0xFFFFFC60];
	vm5 =	vlt.f32 v11, v7  }
0x4c: {  	s10 =	simm.s32 $0x20;
	v15 =	vsel vm1, v16, v15;
	v7 =	vsel vm5, v11, v7;
	v11 =	vld [tilespmem:s0+$0xFFFFFFE0]  }
0x4d: {  	v16 =	vor.u32 s10, v1;
	vm6 =	vlt.f32 v8, v7;
	v10 =	vadd.f32 v13, v10;
	v13 =	vld [tilespmem:s24+$0xFFFFFC70]  }
0x4e: {  	s11 =	simm.s32 $0x30;
	v15 =	vsel vm5, v16, v15;
	v7 =	vsel vm6, v8, v7;
	v8 =	vld [tilespmem:s0+$0xFFFFFFF0]  }
0x4f: {  	v16 =	vor.u32 s11, v1;
	vm7 =	vlt.f32 v10, v7;
	v9 =	vadd.f32 v9, v12;
	v12 =	vld [tilespmem:s24+$0x0]  }
0x50: {  	s20 =	simm.s32 $0x40;
	v15 =	vsel vm6, v16, v15;
	v7 =	vsel vm7, v10, v7;
	v10 =	vld [tilespmem:s0+$0x0]  }
0x51: {  	v16 =	vor.u32 s20, v1;
	vm8 =	vlt.f32 v9, v7;
	v11 =	vadd.f32 v11, v14;
	v14 =	vld [tilespmem:s24+$0x10]  }
0x52: {  	s21 =	simm.s32 $0x50;
	v15 =	vsel vm7, v16, v15;
	v7 =	vsel vm8, v9, v7;
	v9 =	vld [tilespmem:s0+$0x10]  }
0x53: {  	v16 =	vor.u32 s21, v1;
	vm9 =	vlt.f32 v11, v7;
	v8 =	vadd.f32 v8, v13;
	v13 =	vld [tilespmem:s24+$0x20]  }
0x54: {  	s31 =	simm.s32 $0x60;
	v15 =	vsel vm8, v16, v15;
	v7 =	vsel vm9, v11, v7;
	v11 =	vld [tilespmem:s0+$0x20]  }
0x55: {  	s7 =	simm.s32 $0x70;
	v16 =	vor.u32 s31, v1;
	vm10 =	vlt.f32 v8, v7;
	v10 =	vadd.f32 v10, v12;
	v12 =	vld [tilespmem:s24+$0x30]  }
0x56: {  	v15 =	vsel vm9, v16, v15;
	v16 =	vor.u32 s7, v1;
	v7 =	vsel vm10, v8, v7;
	v8 =	vld [tilespmem:s0+$0x30]  }
0x57: {  	v15 =	vsel vm10, v16, v15;
	v16 =	vld [tilespmem:s0+$0x40];
	vm11 =	vlt.f32 v10, v7;
	v9 =	vadd.f32 v9, v14  }
0x58: {  	s10 =	simm.s32 $0x80;
	v14 =	vld [tilespmem:s24+$0x40];
	v7 =	vsel vm11, v10, v7  }
0x59: {  	v10 =	vor.u32 s10, v1;
	vm12 =	vlt.f32 v9, v7;
	v11 =	vadd.f32 v11, v13;
	v13 =	vld [tilespmem:s24+$0x50]  }
0x5a: {  	s11 =	simm.s32 $0x90;
	v10 =	vsel vm11, v10, v15;
	v15 =	vld [tilespmem:s0+$0x50];
	v7 =	vsel vm12, v9, v7  }
0x5b: {  	s31 =	simm.s32 $0xC0;
	v9 =	vor.u32 s11, v1;
	vm13 =	vlt.f32 v11, v7;
	v12 =	vadd.f32 v8, v12;
	v8 =	vld [tilespmem:s24+$0x60]  }
0x5c: {  	s20 =	simm.s32 $0xA0;
	v18 =	vor.u32 s31, v1;
	v17 =	vsel vm12, v9, v10;
	v10 =	vld [tilespmem:s0+$0x60];
	v7 =	vsel vm13, v11, v7  }
0x5d: {  	s21 =	simm.s32 $0xB0;
	v9 =	vld [tilespmem:s24+$0x70];
	v11 =	vor.u32 s20, v1;
	v16 =	vadd.f32 v16, v14;
	vm14 =	vlt.f32 v12, v7  }
0x5e: {  	s7 =	sshll.u32 s29, $0x1;
	v14 =	vor.u32 s21, v1;
	s21 =	sadd.s32 $0x800, s24;
	v11 =	vsel vm13, v11, v17;
	v7 =	vsel vm14, v12, v7;
	v12 =	vld [tilespmem:s0+$0x70]  }
0x5f: {  	s6 =	simm.s32 $0xD0;
	s30 =	sor.u32 s4, s7;
	s7 =	simm.s32 $0x10180;
	v17 =	vsel vm14, v14, v11;
	v11 =	vld [tilespmem:s21+$0xFFFFFC00];
	v14 =	vadd.f32 v15, v13;
	vm15 =	vlt.f32 v16, v7  }
0x60: {  	s10 =	simm.s32 $0x2F0;
	s20 =	simm.s32 $0xF0;
	s0 =	simm.s32 $0x1F0;
	v13 =	vld [tilespmem:s7+$0xFFFFFF80];
	v15 =	vsel vm15, v16, v7;
	v7 =	vsel vm15, v18, v17  }
.LBB2_7:
0x61: {  	p1 =	sne.s32 s10, $0x7F0;
	v16 =	vld [tilespmem:s21+$0xFFFFFC10];
	v17 =	vor.u32 s6, v1;
	vm0 =	vlt.f32 v14, v15;
	v8 =	vadd.f32 v10, v8  }
0x62: {  	s6 =	sadd.s32 $0xFFFFFFF0, s20;
	v10 =	vld [tilespmem:s7+$0xFFFFFF90];
	v14 =	vsel vm0, v14, v15;
	v7 =	vsel vm0, v17, v7  }
0x63: {  	v17 =	vor.u32 s6, v1;
	v15 =	vld [tilespmem:s21+$0xFFFFFC20];
	vm0 =	vlt.f32 v8, v14;
	v9 =	vadd.f32 v12, v9  }
0x64: {  	v12 =	vld [tilespmem:s7+$0xFFFFFFA0];
	v8 =	vsel vm0, v8, v14;
	v7 =	vsel vm0, v17, v7  }
0x65: {  	v14 =	vor.u32 s20, v1;
	s20 =	smov.u32 s0;
	s0 =	smov.u32 s10;
	v11 =	vadd.f32 v13, v11;
	v13 =	vld [tilespmem:s21+$0xFFFFFC30];
	vm0 =	vlt.f32 v9, v8  }
0x66: {  	s6 =	sadd.s32 $0xFFFFFF10, s20;
	v17 =	vld [tilespmem:s7+$0xFFFFFFB0];
	v8 =	vsel vm0, v9, v8;
	v7 =	vsel vm0, v14, v7  }
0x67: {  	v9 =	vor.u32 s6, v1;
	vm0 =	vlt.f32 v11, v8;
	v10 =	vadd.f32 v10, v16;
	v14 =	vld [tilespmem:s21+$0xFFFFFC40]  }
0x68: {  	s6 =	sadd.s32 $0xFFFFFF20, s20;
	v8 =	vsel vm0, v11, v8;
	v7 =	vsel vm0, v9, v7;
	v9 =	vld [tilespmem:s7+$0xFFFFFFC0]  }
0x69: {  	v11 =	vor.u32 s6, v1;
	vm0 =	vlt.f32 v10, v8;
	v12 =	vadd.f32 v12, v15;
	v15 =	vld [tilespmem:s21+$0xFFFFFC50]  }
0x6a: {  	s6 =	sadd.s32 $0xFFFFFF30, s20;
	v8 =	vsel vm0, v10, v8;
	v7 =	vsel vm0, v11, v7;
	v10 =	vld [tilespmem:s7+$0xFFFFFFD0]  }
0x6b: {  	v11 =	vor.u32 s6, v1;
	vm0 =	vlt.f32 v12, v8;
	v13 =	vadd.f32 v17, v13;
	v16 =	vld [tilespmem:s21+$0xFFFFFC60]  }
0x6c: {  	s6 =	sadd.s32 $0xFFFFFF40, s20;
	v8 =	vsel vm0, v12, v8;
	v7 =	vsel vm0, v11, v7;
	v11 =	vld [tilespmem:s7+$0xFFFFFFE0]  }
0x6d: {  	v12 =	vor.u32 s6, v1;
	vm0 =	vlt.f32 v13, v8;
	v9 =	vadd.f32 v9, v14;
	v14 =	vld [tilespmem:s21+$0xFFFFFC70]  }
0x6e: {  	s6 =	sadd.s32 $0xFFFFFF50, s20;
	v8 =	vsel vm0, v13, v8;
	v7 =	vsel vm0, v12, v7;
	v12 =	vld [tilespmem:s7+$0xFFFFFFF0]  }
0x6f: {  	v13 =	vor.u32 s6, v1;
	vm0 =	vlt.f32 v9, v8;
	v10 =	vadd.f32 v10, v15;
	v15 =	vld [tilespmem:s21+$0x0]  }
0x70: {  	s6 =	sadd.s32 $0xFFFFFF60, s20;
	v8 =	vsel vm0, v9, v8;
	v7 =	vsel vm0, v13, v7;
	v9 =	vld [tilespmem:s7+$0x0]  }
0x71: {  	v13 =	vor.u32 s6, v1;
	vm0 =	vlt.f32 v10, v8;
	v11 =	vadd.f32 v11, v16;
	v16 =	vld [tilespmem:s21+$0x10]  }
0x72: {  	s6 =	sadd.s32 $0xFFFFFF70, s20;
	v8 =	vsel vm0, v10, v8;
	v7 =	vsel vm0, v13, v7;
	v10 =	vld [tilespmem:s7+$0x10]  }
0x73: {  	v13 =	vor.u32 s6, v1;
	vm0 =	vlt.f32 v11, v8;
	v12 =	vadd.f32 v12, v14;
	v14 =	vld [tilespmem:s21+$0x20]  }
0x74: {  	s6 =	sadd.s32 $0xFFFFFF80, s20;
	v8 =	vsel vm0, v11, v8;
	v7 =	vsel vm0, v13, v7;
	v11 =	vld [tilespmem:s7+$0x20]  }
0x75: {  	v13 =	vor.u32 s6, v1;
	vm0 =	vlt.f32 v12, v8;
	v9 =	vadd.f32 v9, v15;
	v15 =	vld [tilespmem:s21+$0x30]  }
0x76: {  	s6 =	sadd.s32 $0xFFFFFF90, s20;
	v8 =	vsel vm0, v12, v8;
	v7 =	vsel vm0, v13, v7;
	v12 =	vld [tilespmem:s7+$0x30]  }
0x77: {  	v13 =	vor.u32 s6, v1;
	vm0 =	vlt.f32 v9, v8;
	v10 =	vadd.f32 v10, v16;
	v16 =	vld [tilespmem:s21+$0x40]  }
0x78: {  	s6 =	sadd.s32 $0xFFFFFFA0, s20;
	v8 =	vsel vm0, v9, v8;
	v7 =	vsel vm0, v13, v7;
	v9 =	vld [tilespmem:s7+$0x40]  }
0x79: {  	v13 =	vor.u32 s6, v1;
	vm0 =	vlt.f32 v10, v8;
	v11 =	vadd.f32 v11, v14;
	v14 =	vld [tilespmem:s21+$0x50]  }
0x7a: {  	s6 =	sadd.s32 $0xFFFFFFB0, s20;
	v10 =	vsel vm0, v10, v8;
	v7 =	vsel vm0, v13, v7;
	v13 =	vld [tilespmem:s7+$0x50]  }
0x7b: {  	v17 =	vor.u32 s6, v1;
	vm0 =	vlt.f32 v11, v10;
	v12 =	vadd.f32 v12, v15;
	v8 =	vld [tilespmem:s21+$0x60]  }
.Ltmp6:
0x7c: {  	s6 =	sadd.s32 $0xFFFFFFC0, s20;
	v11 =	vsel vm0, v11, v10;
	v7 =	vsel vm0, v17, v7;
	v10 =	vld [tilespmem:s7+$0x60];
	(pc) =	sbr.rel @p1 .LBB2_7-.Ltmp6, $4  }
0x7d: {  	v15 =	vor.u32 s6, v1;
	vm0 =	vlt.f32 v12, v11;
	v16 =	vadd.f32 v9, v16;
	v9 =	vld [tilespmem:s21+$0x70]  }
0x7e: {  	s6 =	sadd.s32 $0xFFFFFFD0, s20;
	s21 =	sadd.s32 $0x800, s21;
	v17 =	vsel vm0, v12, v11;
	v7 =	vsel vm0, v15, v7;
	v12 =	vld [tilespmem:s7+$0x70]  }
0x7f: {  	v18 =	vor.u32 s6, v1;
	s7 =	sadd.s32 $0x100, s7;
	v11 =	vld [tilespmem:s21+$0xFFFFFC00];
	vm0 =	vlt.f32 v16, v17;
	v14 =	vadd.f32 v13, v14  }
0x80: {  	s10 =	sadd.s32 $0x100, s10;
	s6 =	sadd.s32 $0xFFFFFFE0, s20;
	v13 =	vld [tilespmem:s7+$0xFFFFFF80];
	v15 =	vsel vm0, v16, v17;
	v7 =	vsel vm0, v18, v7  }
0x81: {  	v16 =	vld [tilespmem:s21+$0xFFFFFC10];
	vm7 =	vlt.f32 v14, v15;
	v8 =	vadd.f32 v10, v8  }
0x82: {  	v59 =	vld [tilespmem:s7+$0xFFFFFF90];
	v14 =	vsel vm7, v14, v15  }
0x83: {  	v60 =	vld [tilespmem:s21+$0xFFFFFC20];
	vm3 =	vlt.f32 v8, v14;
	v9 =	vadd.f32 v12, v9  }
0x84: {  	v61 =	vld [tilespmem:s7+$0xFFFFFFA0];
	v8 =	vsel vm3, v8, v14  }
0x85: {  	v62 =	vld [tilespmem:s21+$0xFFFFFC30];
	v11 =	vadd.f32 v13, v11;
	vm5 =	vlt.f32 v9, v8  }
0x86: {  	v63 =	vld [tilespmem:s7+$0xFFFFFFB0];
	v8 =	vsel vm5, v9, v8  }
0x87: {  	v19 =	vld [tilespmem:s21+$0xFFFFFC40];
	v18 =	vadd.f32 v59, v16;
	vm0 =	vlt.f32 v11, v8  }
0x88: {  	v20 =	vld [tilespmem:s7+$0xFFFFFFC0];
	v8 =	vsel vm0, v11, v8  }
0x89: {  	v21 =	vld [tilespmem:s21+$0xFFFFFC50];
	v12 =	vadd.f32 v61, v60;
	vm1 =	vlt.f32 v18, v8  }
0x8a: {  	v22 =	vld [tilespmem:s7+$0xFFFFFFD0];
	v8 =	vsel vm1, v18, v8  }
0x8b: {  	v23 =	vld [tilespmem:s21+$0xFFFFFC60];
	v13 =	vadd.f32 v63, v62;
	vm2 =	vlt.f32 v12, v8  }
0x8c: {  	v24 =	vld [tilespmem:s7+$0xFFFFFFE0];
	v8 =	vsel vm2, v12, v8  }
0x8d: {  	v25 =	vld [tilespmem:s21+$0xFFFFFC70];
	v10 =	vadd.f32 v20, v19;
	vm4 =	vlt.f32 v13, v8  }
0x8e: {  	v26 =	vld [tilespmem:s7+$0xFFFFFFF0];
	v8 =	vsel vm4, v13, v8  }
0x8f: {  	v27 =	vld [tilespmem:s21+$0x0];
	v9 =	vadd.f32 v22, v21;
	vm6 =	vlt.f32 v10, v8  }
0x90: {  	v28 =	vld [tilespmem:s7+$0x0];
	v8 =	vsel vm6, v10, v8  }
0x91: {  	v29 =	vld [tilespmem:s21+$0x10];
	v12 =	vadd.f32 v24, v23;
	vm8 =	vlt.f32 v9, v8  }
0x92: {  	v30 =	vld [tilespmem:s7+$0x10];
	v8 =	vsel vm8, v9, v8  }
0x93: {  	v31 =	vld [tilespmem:s21+$0x20];
	v11 =	vadd.f32 v26, v25;
	vm9 =	vlt.f32 v12, v8  }
0x94: {  	v32 =	vld [tilespmem:s7+$0x20];
	v8 =	vsel vm9, v12, v8  }
0x95: {  	v33 =	vld [tilespmem:s21+$0x30];
	v10 =	vadd.f32 v28, v27;
	vm10 =	vlt.f32 v11, v8  }
0x96: {  	v34 =	vld [tilespmem:s7+$0x30];
	v8 =	vsel vm10, v11, v8  }
0x97: {  	v35 =	vld [tilespmem:s21+$0x40];
	v9 =	vadd.f32 v30, v29;
	vm11 =	vlt.f32 v10, v8  }
0x98: {  	v36 =	vld [tilespmem:s7+$0x40];
	v8 =	vsel vm11, v10, v8  }
0x99: {  	v37 =	vld [tilespmem:s21+$0x50];
	v12 =	vadd.f32 v32, v31;
	vm12 =	vlt.f32 v9, v8  }
0x9a: {  	v38 =	vld [tilespmem:s7+$0x50];
	v8 =	vsel vm12, v9, v8  }
0x9b: {  	v39 =	vld [tilespmem:s21+$0x60];
	v11 =	vadd.f32 v34, v33;
	vm13 =	vlt.f32 v12, v8  }
0x9c: {  	v40 =	vld [tilespmem:s7+$0x60];
	v8 =	vsel vm13, v12, v8  }
0x9d: {  	v42 =	vld [tilespmem:s21+$0x70];
	v10 =	vadd.f32 v36, v35;
	vm14 =	vlt.f32 v11, v8  }
0x9e: {  	v41 =	vor.u32 s6, v1;
	v43 =	vld [tilespmem:s7+$0x70];
	v8 =	vsel vm14, v11, v8  }
0x9f: {  	s10 =	sadd.s32 $0xFFFFFFF0, s20;
	v7 =	vsel vm7, v41, v7;
	v9 =	vadd.f32 v38, v37;
	vm7 =	vlt.f32 v10, v8  }
0xa0: {  	v44 =	vor.u32 s10, v1;
	v8 =	vsel vm7, v10, v8  }
0xa1: {  	s11 =	sadd.s32 $0xFFFFFF10, s0;
	v7 =	vsel vm3, v44, v7;
	v12 =	vadd.f32 v40, v39;
	vm3 =	vlt.f32 v9, v8  }
0xa2: {  	v45 =	vor.u32 s20, v1;
	v46 =	vor.u32 s11, v1;
	v8 =	vsel vm3, v9, v8  }
0xa3: {  	s20 =	sadd.s32 $0xFFFFFF20, s0;
	v7 =	vsel vm5, v45, v7;
	v47 =	vadd.f32 v43, v42;
	vm5 =	vlt.f32 v12, v8  }
0xa4: {  	s21 =	sadd.s32 $0xFFFFFF30, s0;
	v48 =	vor.u32 s20, v1;
	v7 =	vsel vm0, v46, v7;
	v8 =	vsel vm5, v12, v8  }
0xa5: {  	s31 =	sadd.s32 $0xFFFFFF40, s0;
	v49 =	vor.u32 s21, v1;
	v7 =	vsel vm1, v48, v7;
	vm15 =	vlt.f32 v47, v8  }
0xa6: {  	s7 =	sadd.s32 $0xFFFFFF50, s0;
	v50 =	vor.u32 s31, v1;
	v7 =	vsel vm2, v49, v7;
	v8 =	vsel vm15, v47, v8  }
0xa7: {  	v51 =	vor.u32 s7, v1;
	s10 =	sadd.s32 $0xFFFFFF60, s0;
	v7 =	vsel vm4, v50, v7;
	v10 =	vperm.xlane v8, v2  }
0xa8: {  	s11 =	sadd.s32 $0xFFFFFF70, s0;
	v52 =	vor.u32 s10, v1;
	v7 =	vsel vm6, v51, v7  }
0xa9: {  	s20 =	sadd.s32 $0xFFFFFF80, s0;
	v53 =	vor.u32 s11, v1;
	v7 =	vsel vm8, v52, v7;
	v10 =	vmin.f32 v8, v10  }
0xaa: {  	s21 =	sadd.s32 $0xFFFFFF90, s0;
	v54 =	vor.u32 s20, v1;
	v7 =	vsel vm9, v53, v7;
	v55 =	vperm.xlane v10, v3  }
0xab: {  	s31 =	sadd.s32 $0xFFFFFFA0, s0;
	v56 =	vor.u32 s21, v1;
	v7 =	vsel vm10, v54, v7  }
0xac: {  	s7 =	sadd.s32 $0xFFFFFFB0, s0;
	v57 =	vor.u32 s31, v1;
	v7 =	vsel vm11, v56, v7;
	v10 =	vmin.f32 v10, v55  }
0xad: {  	v58 =	vor.u32 s7, v1;
	s10 =	sadd.s32 $0xFFFFFFC0, s0;
	v7 =	vsel vm12, v57, v7;
	v11 =	vperm.xlane v10, v4  }
0xae: {  	s11 =	sadd.s32 $0xFFFFFFD0, s0;
	v59 =	vor.u32 s10, v1;
	v7 =	vsel vm13, v58, v7  }
0xaf: {  	s20 =	sadd.s32 $0xFFFFFFE0, s0;
	v60 =	vor.u32 s11, v1;
	v7 =	vsel vm14, v59, v7;
	v10 =	vmin.f32 v10, v11  }
0xb0: {  	s21 =	sadd.s32 $0xFFFFFFF0, s0;
	v61 =	vor.u32 s20, v1;
	v7 =	vsel vm7, v60, v7;
	v11 =	vperm.xlane v10, v5  }
0xb1: {  	v62 =	vor.u32 s21, v1;
	v7 =	vsel vm3, v61, v7  }
0xb2: {  	v63 =	vor.u32 s0, v1;
	v9 =	vsel vm5, v62, v7;
	v7 =	vmin.f32 v10, v11  }
0xb3: {  	v9 =	vsel vm15, v63, v9;
	vm15 =	veq.f32 v8, v7  }
0xb4: {  	v8 =	vnsel vm15, $0x40000000, v9  }
0xb5: {  	v9 =	vperm.xlane v8, v2;
	_ =	sdelay $0x1  }
0xb6: {  	vm0 =	vlt.s32 v8, v9  }
0xb7: {  	v8 =	vsel vm0, v8, v9  }
0xb8: {  	v9 =	vperm.xlane v8, v3;
	_ =	sdelay $0x1  }
0xb9: {  	vm0 =	vlt.s32 v8, v9  }
0xba: {  	v8 =	vsel vm0, v8, v9  }
0xbb: {  	v9 =	vperm.xlane v8, v4;
	_ =	sdelay $0x1  }
0xbc: {  	vm0 =	vlt.s32 v8, v9  }
0xbd: {  	v8 =	vsel vm0, v8, v9  }
0xbe: {  	v9 =	vperm.xlane v8, v5;
	_ =	sdelay $0x1  }
0xbf: {  	vm0 =	vlt.s32 v8, v9  }
0xc0: {  	v8 =	vsel vm0, v8, v9  }
0xc1: {  	v8 =	vxor.u32 $0x80000000, v8  }
0xc2: {  	(xrf0) =	vmin.scan.msk.u32 $0xffff, v8;
	_ =	sdelay $0x5  }
0xc3: {  	v8, _, _ =	vpop (xrf0)  }
0xc4: {  	(v2sf) =	vpush v8, $0xF;
	_ =	sdelay $0x9  }
0xc5: {  	s0 =	sor.u32 s25, s30  }
0xc6: {  	p1 =	seq.s32 s0, $0x0  }
.Ltmp7:
0xc7: {  	_ = 	snop;
	(pc) =	sbr.rel @p1 .LBB2_15-.Ltmp7, $3  }
0xc8: {  	_ =	sdelay $0x1  }
0xc9: {  	s31 =	spop (v2sf)  }
0xca: {  	s6 =	sxor.u32 $0x80000000, s31  }
0xcb: {  	s7 =	sadd.s32 $0xFFFFFFFF, s30  }
0xcc: {  	s7 =	sshrl.u32 s7, $0x1  }
0xcd: {  	s10 =	sshll.u32 s2, $0x10;
	s7 =	sand.u32 $0x1, s7  }
0xce: {  	[sflag:s18] =	ssyncset.done $0x0;
	s10 =	sor.u32 s10, s7  }
0xcf: {  	[smem:s10], [sflag:$0x3] =	smem.add.s32 $0x0  }
0xd0: {  	_ =	swait.done [sflag:s18]  }
0xd1: {  	s11 =	ssyncread [sflag:$0x3];
	_ =	sdelay $0x2  }
0xd2: {  	p1 =	sne.s32 s11, $0x0  }
.Ltmp8:
0xd3: {  	_ = 	snop;
	(pc) =	sbr.rel @p1 .LBB2_11-.Ltmp8, $3  }
0xd4: {  	_ =	sdelay $0x1  }
0xd5: {  	[sflag:s18] =	ssyncset.s32 $0x0  }
0xd6: {  	[sflag:s18] =	ssyncset.done $0x0  }
.LBB2_10:
0xd7: {  	[sflag:s19] =	ssyncset.done $0x0  }
0xd8: {  	[smem:s10], [sflag:$0x4] =	smem.add.s32 $0x0  }
0xd9: {  	_ =	swait.done [sflag:s19]  }
0xda: {  	s11 =	ssyncread [sflag:$0x4];
	_ =	sdelay $0x2  }
0xdb: {  	p1 =	seq.s32 s11, $0x0  }
.Ltmp9:
0xdc: {  	_ = 	snop;
	(pc) =	sbr.rel @p1 .LBB2_10-.Ltmp9, $3  }
0xdd: {  	_ =	sdelay $0x1  }
0xde: {  	[sflag:s19] =	ssyncset.s32 $0x0  }
0xdf: {  	[sflag:s19] =	ssyncset.done $0x0  }
.LBB2_11:
0xe0: {  	s10 =	sadd.s32 $0xFFFFFFFF, s11  }
0xe1: {  	v9 =	vmov s10;
	p1 =	sne.s32 s6, s10  }
.Ltmp10:
0xe2: {  	_ = 	snop;
	(pc) =	sbr.rel @p1 .LBB2_15-.Ltmp10, $3  }
0xe3: {  	_ =	sdelay $0x1  }
0xe4: {  	v8 =	vimm.f32 $+Inf  }
0xe5: {  	[smem:s7] =	sst s1;
	[tilespmem:v9+s15+$0x0] =	vst.idx.msk $0x1, v8  }
0xe6: {  	s6 =	simm.s32 $0x10080;
	v7 =	vld [tilespmem:s24+$0xFFFFFC00]  }
0xe7: {  	v9 =	vld [tilespmem:s6+$0xFFFFFF80]  }
0xe8: {  	v10 =	vld [tilespmem:s24+$0xFFFFFC10]  }
0xe9: {  	v11 =	vld [tilespmem:s6+$0xFFFFFF90]  }
0xea: {  	v12 =	vld [tilespmem:s24+$0xFFFFFC20]  }
0xeb: {  	v13 =	vld [tilespmem:s6+$0xFFFFFFA0]  }
0xec: {  	v14 =	vld [tilespmem:s6+$0xFFFFFFB0];
	v7 =	vadd.f32 v9, v7  }
0xed: {  	v9 =	vld [tilespmem:s24+$0xFFFFFC30]  }
0xee: {  	v10 =	vadd.f32 v11, v10;
	v11 =	vld [tilespmem:s24+$0xFFFFFC40];
	vm0 =	vlt.f32 v7, v8  }
0xef: {  	v15 =	vimm.s32 $0x40000000;
	s7 =	simm.s32 $0x0;
	v7 =	vsel vm0, v7, v8;
	v8 =	vld [tilespmem:s6+$0xFFFFFFC0]  }
0xf0: {  	v16 =	vor.u32 s7, v1;
	v12 =	vadd.f32 v13, v12;
	v13 =	vld [tilespmem:s24+$0xFFFFFC50];
	vm1 =	vlt.f32 v10, v7  }
0xf1: {  	s11 =	simm.s32 $0x10;
	v15 =	vsel vm0, v16, v15;
	v7 =	vsel vm1, v10, v7;
	v10 =	vld [tilespmem:s6+$0xFFFFFFD0]  }
0xf2: {  	v16 =	vor.u32 s11, v1;
	v9 =	vadd.f32 v14, v9;
	v14 =	vld [tilespmem:s24+$0xFFFFFC60];
	vm5 =	vlt.f32 v12, v7  }
0xf3: {  	s20 =	simm.s32 $0x20;
	v15 =	vsel vm1, v16, v15;
	v7 =	vsel vm5, v12, v7;
	v12 =	vld [tilespmem:s6+$0xFFFFFFE0]  }
0xf4: {  	v16 =	vor.u32 s20, v1;
	vm6 =	vlt.f32 v9, v7;
	v8 =	vadd.f32 v8, v11;
	v11 =	vld [tilespmem:s24+$0xFFFFFC70]  }
0xf5: {  	s21 =	simm.s32 $0x30;
	v15 =	vsel vm5, v16, v15;
	v7 =	vsel vm6, v9, v7;
	v9 =	vld [tilespmem:s6+$0xFFFFFFF0]  }
0xf6: {  	v16 =	vor.u32 s21, v1;
	vm7 =	vlt.f32 v8, v7;
	v10 =	vadd.f32 v10, v13;
	v13 =	vld [tilespmem:s24+$0x0]  }
0xf7: {  	s30 =	simm.s32 $0x40;
	v15 =	vsel vm6, v16, v15;
	v7 =	vsel vm7, v8, v7;
	v8 =	vld [tilespmem:s6+$0x0]  }
0xf8: {  	v16 =	vor.u32 s30, v1;
	vm8 =	vlt.f32 v10, v7;
	v12 =	vadd.f32 v12, v14;
	v14 =	vld [tilespmem:s24+$0x10]  }
0xf9: {  	s31 =	simm.s32 $0x50;
	v15 =	vsel vm7, v16, v15;
	v7 =	vsel vm8, v10, v7;
	v10 =	vld [tilespmem:s6+$0x10]  }
0xfa: {  	v16 =	vor.u32 s31, v1;
	vm9 =	vlt.f32 v12, v7;
	v9 =	vadd.f32 v9, v11;
	v11 =	vld [tilespmem:s24+$0x20]  }
0xfb: {  	s10 =	simm.s32 $0x60;
	v15 =	vsel vm8, v16, v15;
	v7 =	vsel vm9, v12, v7;
	v12 =	vld [tilespmem:s6+$0x20]  }
0xfc: {  	s11 =	simm.s32 $0x70;
	v16 =	vor.u32 s10, v1;
	vm10 =	vlt.f32 v9, v7;
	v8 =	vadd.f32 v8, v13;
	v13 =	vld [tilespmem:s24+$0x30]  }
0xfd: {  	v15 =	vsel vm9, v16, v15;
	v16 =	vor.u32 s11, v1;
	v7 =	vsel vm10, v9, v7;
	v9 =	vld [tilespmem:s6+$0x30]  }
0xfe: {  	v15 =	vsel vm10, v16, v15;
	v16 =	vld [tilespmem:s6+$0x40];
	vm11 =	vlt.f32 v8, v7;
	v10 =	vadd.f32 v10, v14  }
0xff: {  	s20 =	simm.s32 $0x80;
	v14 =	vld [tilespmem:s24+$0x40];
	v7 =	vsel vm11, v8, v7  }
0x100: {  	v17 =	vld [tilespmem:s24+$0x50];
	v8 =	vor.u32 s20, v1;
	vm12 =	vlt.f32 v10, v7;
	v11 =	vadd.f32 v12, v11  }
0x101: {  	s21 =	simm.s32 $0x90;
	v12 =	vsel vm11, v8, v15;
	v15 =	vld [tilespmem:s6+$0x50];
	v7 =	vsel vm12, v10, v7  }
0x102: {  	s10 =	simm.s32 $0xC0;
	v8 =	vld [tilespmem:s24+$0x60];
	v10 =	vor.u32 s21, v1;
	vm13 =	vlt.f32 v11, v7;
	v13 =	vadd.f32 v9, v13  }
0x103: {  	s30 =	simm.s32 $0xA0;
	v19 =	vor.u32 s10, v1;
	v12 =	vsel vm12, v10, v12;
	v10 =	vld [tilespmem:s6+$0x60];
	v7 =	vsel vm13, v11, v7  }
0x104: {  	s31 =	simm.s32 $0xB0;
	v9 =	vld [tilespmem:s24+$0x70];
	v11 =	vor.u32 s30, v1;
	v16 =	vadd.f32 v16, v14;
	vm14 =	vlt.f32 v13, v7  }
0x105: {  	s7 =	sadd.s32 $0x800, s24;
	v14 =	vor.u32 s31, v1;
	v11 =	vsel vm13, v11, v12;
	v12 =	vld [tilespmem:s6+$0x70];
	v7 =	vsel vm14, v13, v7  }
0x106: {  	s10 =	simm.s32 $0x2F0;
	s21 =	simm.s32 $0x10180;
	v18 =	vsel vm14, v14, v11;
	v11 =	vld [tilespmem:s7+$0xFFFFFC00];
	v14 =	vadd.f32 v15, v17;
	vm15 =	vlt.f32 v16, v7  }
0x107: {  	s20 =	simm.s32 $0xF0;
	s24 =	simm.s32 $0x1F0;
	s6 =	simm.s32 $0xD0;
	v13 =	vld [tilespmem:s21+$0xFFFFFF80];
	v15 =	vsel vm15, v16, v7;
	v7 =	vsel vm15, v19, v18  }
.LBB2_13:
0x108: {  	p1 =	sne.s32 s10, $0x7F0;
	v16 =	vld [tilespmem:s7+$0xFFFFFC10];
	v17 =	vor.u32 s6, v1;
	vm0 =	vlt.f32 v14, v15;
	v8 =	vadd.f32 v10, v8  }
0x109: {  	s6 =	sadd.s32 $0xFFFFFFF0, s20;
	v10 =	vld [tilespmem:s21+$0xFFFFFF90];
	v14 =	vsel vm0, v14, v15;
	v7 =	vsel vm0, v17, v7  }
0x10a: {  	v17 =	vor.u32 s6, v1;
	v15 =	vld [tilespmem:s7+$0xFFFFFC20];
	vm0 =	vlt.f32 v8, v14;
	v9 =	vadd.f32 v12, v9  }
0x10b: {  	v12 =	vld [tilespmem:s21+$0xFFFFFFA0];
	v8 =	vsel vm0, v8, v14;
	v7 =	vsel vm0, v17, v7  }
0x10c: {  	v14 =	vor.u32 s20, v1;
	s20 =	smov.u32 s24;
	s24 =	smov.u32 s10;
	v11 =	vadd.f32 v13, v11;
	v13 =	vld [tilespmem:s7+$0xFFFFFC30];
	vm0 =	vlt.f32 v9, v8  }
0x10d: {  	s6 =	sadd.s32 $0xFFFFFF10, s20;
	v17 =	vld [tilespmem:s21+$0xFFFFFFB0];
	v8 =	vsel vm0, v9, v8;
	v7 =	vsel vm0, v14, v7  }
0x10e: {  	v9 =	vor.u32 s6, v1;
	vm0 =	vlt.f32 v11, v8;
	v10 =	vadd.f32 v10, v16;
	v14 =	vld [tilespmem:s7+$0xFFFFFC40]  }
0x10f: {  	s6 =	sadd.s32 $0xFFFFFF20, s20;
	v8 =	vsel vm0, v11, v8;
	v7 =	vsel vm0, v9, v7;
	v9 =	vld [tilespmem:s21+$0xFFFFFFC0]  }
0x110: {  	v11 =	vor.u32 s6, v1;
	vm0 =	vlt.f32 v10, v8;
	v12 =	vadd.f32 v12, v15;
	v15 =	vld [tilespmem:s7+$0xFFFFFC50]  }
0x111: {  	s6 =	sadd.s32 $0xFFFFFF30, s20;
	v8 =	vsel vm0, v10, v8;
	v7 =	vsel vm0, v11, v7;
	v10 =	vld [tilespmem:s21+$0xFFFFFFD0]  }
0x112: {  	v11 =	vor.u32 s6, v1;
	vm0 =	vlt.f32 v12, v8;
	v13 =	vadd.f32 v17, v13;
	v16 =	vld [tilespmem:s7+$0xFFFFFC60]  }
0x113: {  	s6 =	sadd.s32 $0xFFFFFF40, s20;
	v8 =	vsel vm0, v12, v8;
	v7 =	vsel vm0, v11, v7;
	v11 =	vld [tilespmem:s21+$0xFFFFFFE0]  }
0x114: {  	v12 =	vor.u32 s6, v1;
	vm0 =	vlt.f32 v13, v8;
	v9 =	vadd.f32 v9, v14;
	v14 =	vld [tilespmem:s7+$0xFFFFFC70]  }
0x115: {  	s6 =	sadd.s32 $0xFFFFFF50, s20;
	v8 =	vsel vm0, v13, v8;
	v7 =	vsel vm0, v12, v7;
	v12 =	vld [tilespmem:s21+$0xFFFFFFF0]  }
0x116: {  	v13 =	vor.u32 s6, v1;
	vm0 =	vlt.f32 v9, v8;
	v10 =	vadd.f32 v10, v15;
	v15 =	vld [tilespmem:s7+$0x0]  }
0x117: {  	s6 =	sadd.s32 $0xFFFFFF60, s20;
	v8 =	vsel vm0, v9, v8;
	v7 =	vsel vm0, v13, v7;
	v9 =	vld [tilespmem:s21+$0x0]  }
0x118: {  	v13 =	vor.u32 s6, v1;
	vm0 =	vlt.f32 v10, v8;
	v11 =	vadd.f32 v11, v16;
	v16 =	vld [tilespmem:s7+$0x10]  }
0x119: {  	s6 =	sadd.s32 $0xFFFFFF70, s20;
	v8 =	vsel vm0, v10, v8;
	v7 =	vsel vm0, v13, v7;
	v10 =	vld [tilespmem:s21+$0x10]  }
0x11a: {  	v13 =	vor.u32 s6, v1;
	vm0 =	vlt.f32 v11, v8;
	v12 =	vadd.f32 v12, v14;
	v14 =	vld [tilespmem:s7+$0x20]  }
0x11b: {  	s6 =	sadd.s32 $0xFFFFFF80, s20;
	v8 =	vsel vm0, v11, v8;
	v7 =	vsel vm0, v13, v7;
	v11 =	vld [tilespmem:s21+$0x20]  }
0x11c: {  	v13 =	vor.u32 s6, v1;
	vm0 =	vlt.f32 v12, v8;
	v9 =	vadd.f32 v9, v15;
	v15 =	vld [tilespmem:s7+$0x30]  }
0x11d: {  	s6 =	sadd.s32 $0xFFFFFF90, s20;
	v8 =	vsel vm0, v12, v8;
	v7 =	vsel vm0, v13, v7;
	v12 =	vld [tilespmem:s21+$0x30]  }
0x11e: {  	v13 =	vor.u32 s6, v1;
	vm0 =	vlt.f32 v9, v8;
	v10 =	vadd.f32 v10, v16;
	v16 =	vld [tilespmem:s7+$0x40]  }
0x11f: {  	s6 =	sadd.s32 $0xFFFFFFA0, s20;
	v8 =	vsel vm0, v9, v8;
	v7 =	vsel vm0, v13, v7;
	v9 =	vld [tilespmem:s21+$0x40]  }
0x120: {  	v13 =	vor.u32 s6, v1;
	vm0 =	vlt.f32 v10, v8;
	v11 =	vadd.f32 v11, v14;
	v14 =	vld [tilespmem:s7+$0x50]  }
0x121: {  	s6 =	sadd.s32 $0xFFFFFFB0, s20;
	v10 =	vsel vm0, v10, v8;
	v7 =	vsel vm0, v13, v7;
	v13 =	vld [tilespmem:s21+$0x50]  }
0x122: {  	v17 =	vor.u32 s6, v1;
	vm0 =	vlt.f32 v11, v10;
	v12 =	vadd.f32 v12, v15;
	v8 =	vld [tilespmem:s7+$0x60]  }
.Ltmp11:
0x123: {  	s6 =	sadd.s32 $0xFFFFFFC0, s20;
	v11 =	vsel vm0, v11, v10;
	v7 =	vsel vm0, v17, v7;
	v10 =	vld [tilespmem:s21+$0x60];
	(pc) =	sbr.rel @p1 .LBB2_13-.Ltmp11, $4  }
0x124: {  	v15 =	vor.u32 s6, v1;
	vm0 =	vlt.f32 v12, v11;
	v16 =	vadd.f32 v9, v16;
	v9 =	vld [tilespmem:s7+$0x70]  }
0x125: {  	s6 =	sadd.s32 $0xFFFFFFD0, s20;
	s7 =	sadd.s32 $0x800, s7;
	v17 =	vsel vm0, v12, v11;
	v7 =	vsel vm0, v15, v7;
	v12 =	vld [tilespmem:s21+$0x70]  }
0x126: {  	v18 =	vor.u32 s6, v1;
	s21 =	sadd.s32 $0x100, s21;
	v11 =	vld [tilespmem:s7+$0xFFFFFC00];
	vm0 =	vlt.f32 v16, v17;
	v14 =	vadd.f32 v13, v14  }
0x127: {  	s10 =	sadd.s32 $0x100, s10;
	s6 =	sadd.s32 $0xFFFFFFE0, s20;
	v13 =	vld [tilespmem:s21+$0xFFFFFF80];
	v15 =	vsel vm0, v16, v17;
	v7 =	vsel vm0, v18, v7  }
0x128: {  	v16 =	vld [tilespmem:s7+$0xFFFFFC10];
	vm7 =	vlt.f32 v14, v15;
	v8 =	vadd.f32 v10, v8  }
0x129: {  	v59 =	vld [tilespmem:s21+$0xFFFFFF90];
	v14 =	vsel vm7, v14, v15  }
0x12a: {  	v60 =	vld [tilespmem:s7+$0xFFFFFC20];
	vm3 =	vlt.f32 v8, v14;
	v9 =	vadd.f32 v12, v9  }
0x12b: {  	v61 =	vld [tilespmem:s21+$0xFFFFFFA0];
	v8 =	vsel vm3, v8, v14  }
0x12c: {  	v62 =	vld [tilespmem:s7+$0xFFFFFC30];
	v11 =	vadd.f32 v13, v11;
	vm5 =	vlt.f32 v9, v8  }
0x12d: {  	v63 =	vld [tilespmem:s21+$0xFFFFFFB0];
	v8 =	vsel vm5, v9, v8  }
0x12e: {  	v19 =	vld [tilespmem:s7+$0xFFFFFC40];
	v18 =	vadd.f32 v59, v16;
	vm0 =	vlt.f32 v11, v8  }
0x12f: {  	v20 =	vld [tilespmem:s21+$0xFFFFFFC0];
	v8 =	vsel vm0, v11, v8  }
0x130: {  	v21 =	vld [tilespmem:s7+$0xFFFFFC50];
	v12 =	vadd.f32 v61, v60;
	vm1 =	vlt.f32 v18, v8  }
0x131: {  	v22 =	vld [tilespmem:s21+$0xFFFFFFD0];
	v8 =	vsel vm1, v18, v8  }
0x132: {  	v23 =	vld [tilespmem:s7+$0xFFFFFC60];
	v13 =	vadd.f32 v63, v62;
	vm2 =	vlt.f32 v12, v8  }
0x133: {  	v24 =	vld [tilespmem:s21+$0xFFFFFFE0];
	v8 =	vsel vm2, v12, v8  }
0x134: {  	v25 =	vld [tilespmem:s7+$0xFFFFFC70];
	v10 =	vadd.f32 v20, v19;
	vm4 =	vlt.f32 v13, v8  }
0x135: {  	v26 =	vld [tilespmem:s21+$0xFFFFFFF0];
	v8 =	vsel vm4, v13, v8  }
0x136: {  	v27 =	vld [tilespmem:s7+$0x0];
	v9 =	vadd.f32 v22, v21;
	vm6 =	vlt.f32 v10, v8  }
0x137: {  	v28 =	vld [tilespmem:s21+$0x0];
	v8 =	vsel vm6, v10, v8  }
0x138: {  	v29 =	vld [tilespmem:s7+$0x10];
	v12 =	vadd.f32 v24, v23;
	vm8 =	vlt.f32 v9, v8  }
0x139: {  	v30 =	vld [tilespmem:s21+$0x10];
	v8 =	vsel vm8, v9, v8  }
0x13a: {  	v31 =	vld [tilespmem:s7+$0x20];
	v11 =	vadd.f32 v26, v25;
	vm9 =	vlt.f32 v12, v8  }
0x13b: {  	v32 =	vld [tilespmem:s21+$0x20];
	v8 =	vsel vm9, v12, v8  }
0x13c: {  	v33 =	vld [tilespmem:s7+$0x30];
	v10 =	vadd.f32 v28, v27;
	vm10 =	vlt.f32 v11, v8  }
0x13d: {  	v34 =	vld [tilespmem:s21+$0x30];
	v8 =	vsel vm10, v11, v8  }
0x13e: {  	v35 =	vld [tilespmem:s7+$0x40];
	v9 =	vadd.f32 v30, v29;
	vm11 =	vlt.f32 v10, v8  }
0x13f: {  	v36 =	vld [tilespmem:s21+$0x40];
	v8 =	vsel vm11, v10, v8  }
0x140: {  	v37 =	vld [tilespmem:s7+$0x50];
	v12 =	vadd.f32 v32, v31;
	vm12 =	vlt.f32 v9, v8  }
0x141: {  	v38 =	vld [tilespmem:s21+$0x50];
	v8 =	vsel vm12, v9, v8  }
0x142: {  	v39 =	vld [tilespmem:s7+$0x60];
	v11 =	vadd.f32 v34, v33;
	vm13 =	vlt.f32 v12, v8  }
0x143: {  	v40 =	vld [tilespmem:s21+$0x60];
	v8 =	vsel vm13, v12, v8  }
0x144: {  	v42 =	vld [tilespmem:s7+$0x70];
	v10 =	vadd.f32 v36, v35;
	vm14 =	vlt.f32 v11, v8  }
0x145: {  	v41 =	vor.u32 s6, v1;
	v43 =	vld [tilespmem:s21+$0x70];
	v8 =	vsel vm14, v11, v8  }
0x146: {  	s11 =	sadd.s32 $0xFFFFFFF0, s20;
	v7 =	vsel vm7, v41, v7;
	v9 =	vadd.f32 v38, v37;
	vm7 =	vlt.f32 v10, v8  }
0x147: {  	v44 =	vor.u32 s11, v1;
	v8 =	vsel vm7, v10, v8  }
0x148: {  	s30 =	sadd.s32 $0xFFFFFF10, s24;
	v7 =	vsel vm3, v44, v7;
	v12 =	vadd.f32 v40, v39;
	vm3 =	vlt.f32 v9, v8  }
0x149: {  	v45 =	vor.u32 s20, v1;
	v46 =	vor.u32 s30, v1;
	v8 =	vsel vm3, v9, v8  }
0x14a: {  	s31 =	sadd.s32 $0xFFFFFF20, s24;
	v7 =	vsel vm5, v45, v7;
	v47 =	vadd.f32 v43, v42;
	vm5 =	vlt.f32 v12, v8  }
0x14b: {  	s7 =	sadd.s32 $0xFFFFFF30, s24;
	v48 =	vor.u32 s31, v1;
	v7 =	vsel vm0, v46, v7;
	v8 =	vsel vm5, v12, v8  }
0x14c: {  	s10 =	sadd.s32 $0xFFFFFF40, s24;
	v49 =	vor.u32 s7, v1;
	v7 =	vsel vm1, v48, v7;
	vm15 =	vlt.f32 v47, v8  }
0x14d: {  	v50 =	vor.u32 s10, v1;
	s11 =	sadd.s32 $0xFFFFFF50, s24;
	v7 =	vsel vm2, v49, v7;
	v8 =	vsel vm15, v47, v8  }
0x14e: {  	s20 =	sadd.s32 $0xFFFFFF60, s24;
	v51 =	vor.u32 s11, v1;
	v7 =	vsel vm4, v50, v7;
	v10 =	vperm.xlane v8, v2  }
0x14f: {  	s21 =	sadd.s32 $0xFFFFFF70, s24;
	v52 =	vor.u32 s20, v1;
	v7 =	vsel vm6, v51, v7  }
0x150: {  	v53 =	vor.u32 s21, v1;
	s30 =	sadd.s32 $0xFFFFFF80, s24;
	v7 =	vsel vm8, v52, v7;
	v10 =	vmin.f32 v8, v10  }
0x151: {  	s31 =	sadd.s32 $0xFFFFFF90, s24;
	v54 =	vor.u32 s30, v1;
	v7 =	vsel vm9, v53, v7;
	v55 =	vperm.xlane v10, v3  }
0x152: {  	s7 =	sadd.s32 $0xFFFFFFA0, s24;
	v56 =	vor.u32 s31, v1;
	v7 =	vsel vm10, v54, v7  }
0x153: {  	s10 =	sadd.s32 $0xFFFFFFB0, s24;
	v57 =	vor.u32 s7, v1;
	v7 =	vsel vm11, v56, v7;
	v10 =	vmin.f32 v10, v55  }
0x154: {  	v58 =	vor.u32 s10, v1;
	s11 =	sadd.s32 $0xFFFFFFC0, s24;
	v7 =	vsel vm12, v57, v7;
	v11 =	vperm.xlane v10, v4  }
0x155: {  	s20 =	sadd.s32 $0xFFFFFFD0, s24;
	v59 =	vor.u32 s11, v1;
	v7 =	vsel vm13, v58, v7  }
0x156: {  	s21 =	sadd.s32 $0xFFFFFFE0, s24;
	v60 =	vor.u32 s20, v1;
	v7 =	vsel vm14, v59, v7;
	v10 =	vmin.f32 v10, v11  }
0x157: {  	s30 =	sadd.s32 $0xFFFFFFF0, s24;
	v61 =	vor.u32 s21, v1;
	v7 =	vsel vm7, v60, v7;
	v11 =	vperm.xlane v10, v5  }
0x158: {  	v62 =	vor.u32 s30, v1;
	v7 =	vsel vm3, v61, v7  }
0x159: {  	v63 =	vor.u32 s24, v1;
	v9 =	vsel vm5, v62, v7;
	v7 =	vmin.f32 v10, v11  }
0x15a: {  	v9 =	vsel vm15, v63, v9;
	vm15 =	veq.f32 v8, v7  }
0x15b: {  	v8 =	vnsel vm15, $0x40000000, v9  }
0x15c: {  	v9 =	vperm.xlane v8, v2;
	_ =	sdelay $0x1  }
0x15d: {  	vm0 =	vlt.s32 v8, v9  }
0x15e: {  	v8 =	vsel vm0, v8, v9  }
0x15f: {  	v9 =	vperm.xlane v8, v3;
	_ =	sdelay $0x1  }
0x160: {  	vm0 =	vlt.s32 v8, v9  }
0x161: {  	v8 =	vsel vm0, v8, v9  }
0x162: {  	v9 =	vperm.xlane v8, v4;
	_ =	sdelay $0x1  }
0x163: {  	vm0 =	vlt.s32 v8, v9  }
0x164: {  	v8 =	vsel vm0, v8, v9  }
0x165: {  	v9 =	vperm.xlane v8, v5;
	_ =	sdelay $0x1  }
0x166: {  	vm0 =	vlt.s32 v8, v9  }
0x167: {  	v8 =	vsel vm0, v8, v9  }
0x168: {  	v8 =	vxor.u32 $0x80000000, v8  }
0x169: {  	(xrf0) =	vmin.scan.msk.u32 $0xffff, v8;
	_ =	sdelay $0x5  }
0x16a: {  	v8, _, _ =	vpop (xrf0)  }
0x16b: {  	(v2sf) =	vpush v8, $0xF;
	_ =	sdelay $0xb  }
.Ltmp12:
0x16c: {  	_ = 	snop;
	(pc) =	sbr.rel .LBB2_15-.Ltmp12, $3  }
0x16d: {  	_ =	sdelay $0x1  }
0x16e: {  	s31 =	spop (v2sf)  }
0x16f: {  	s6 =	sxor.u32 $0x80000000, s31  }
.LBB2_16:
0x170: {  	s26 =	sshll.u32 s23, $0x10;
	p1 =	seq.s32 s23, $0x3F  }
0x171: {  	s0 =	sadd.s32 @!p1 s26, s8  }
0x172: {  	s0 =	sshrl.u32 @!p1 s0, $0x3  }
.Ltmp13:
0x173: {  	s6 =	simm.s32 @!p1 $0x0;
	s0 =	sadd.s32 @!p1 s3, s0;
	(pc) =	sbr.rel .LBB2_17-.Ltmp13, $4  }
0x174: {  	[tilespmem:s6], [sflag:$0x1] =	stream.linear.gather @!p1 [hbm4b:s0+s6], $0x8000, $0x38;
	[tilespmem:$0x11000] =	vst v63  }
0x175: {  	_ =	swait.ge [sflag:s17], $0x8000  }
0x176: {  	s25 =	sor.u32 $0x10, s25;
	s28 =	simm.s32 $0x0;
	[sflag:s17] =	ssyncset.done $0x0  }
0x177: {  	s29 =	smov.u32 s4;
	s30 =	simm.s32 $0x0;
	[sflag:s17] =	ssyncadd.s32 $0xFFFF8000  }
.LBB2_24:
0x178: {  	v16 =	vld [tilespmem:s7+$0xFFFFFC10];
	vm7 =	vlt.f32 v14, v15;
	v8 =	vadd.f32 v10, v8  }
0x179: {  	v59 =	vld [tilespmem:s10+$0xFFFFFF90];
	v14 =	vsel vm7, v14, v15  }
0x17a: {  	v60 =	vld [tilespmem:s7+$0xFFFFFC20];
	v9 =	vadd.f32 v12, v9;
	vm3 =	vlt.f32 v8, v14  }
0x17b: {  	v61 =	vld [tilespmem:s10+$0xFFFFFFA0];
	v8 =	vsel vm3, v8, v14  }
0x17c: {  	v11 =	vadd.f32 v13, v11;
	v62 =	vld [tilespmem:s7+$0xFFFFFC30];
	vm5 =	vlt.f32 v9, v8  }
0x17d: {  	v63 =	vld [tilespmem:s10+$0xFFFFFFB0];
	v8 =	vsel vm5, v9, v8  }
0x17e: {  	v19 =	vld [tilespmem:s7+$0xFFFFFC40];
	v18 =	vadd.f32 v59, v16;
	vm0 =	vlt.f32 v11, v8  }
0x17f: {  	v20 =	vld [tilespmem:s10+$0xFFFFFFC0];
	v8 =	vsel vm0, v11, v8  }
0x180: {  	v21 =	vld [tilespmem:s7+$0xFFFFFC50];
	v12 =	vadd.f32 v61, v60;
	vm1 =	vlt.f32 v18, v8  }
0x181: {  	v22 =	vld [tilespmem:s10+$0xFFFFFFD0];
	v8 =	vsel vm1, v18, v8  }
0x182: {  	v23 =	vld [tilespmem:s7+$0xFFFFFC60];
	v13 =	vadd.f32 v63, v62;
	vm2 =	vlt.f32 v12, v8  }
0x183: {  	v24 =	vld [tilespmem:s10+$0xFFFFFFE0];
	v8 =	vsel vm2, v12, v8  }
0x184: {  	v25 =	vld [tilespmem:s7+$0xFFFFFC70];
	v10 =	vadd.f32 v20, v19;
	vm4 =	vlt.f32 v13, v8  }
0x185: {  	v26 =	vld [tilespmem:s10+$0xFFFFFFF0];
	v8 =	vsel vm4, v13, v8  }
0x186: {  	v27 =	vld [tilespmem:s7+$0x0];
	v9 =	vadd.f32 v22, v21;
	vm6 =	vlt.f32 v10, v8  }
0x187: {  	v28 =	vld [tilespmem:s10+$0x0];
	v8 =	vsel vm6, v10, v8  }
0x188: {  	v29 =	vld [tilespmem:s7+$0x10];
	v12 =	vadd.f32 v24, v23;
	vm8 =	vlt.f32 v9, v8  }
0x189: {  	v30 =	vld [tilespmem:s10+$0x10];
	v8 =	vsel vm8, v9, v8  }
0x18a: {  	v31 =	vld [tilespmem:s7+$0x20];
	v11 =	vadd.f32 v26, v25;
	vm9 =	vlt.f32 v12, v8  }
0x18b: {  	v32 =	vld [tilespmem:s10+$0x20];
	v8 =	vsel vm9, v12, v8  }
0x18c: {  	v33 =	vld [tilespmem:s7+$0x30];
	v10 =	vadd.f32 v28, v27;
	vm10 =	vlt.f32 v11, v8  }
0x18d: {  	v34 =	vld [tilespmem:s10+$0x30];
	v8 =	vsel vm10, v11, v8  }
0x18e: {  	v35 =	vld [tilespmem:s7+$0x40];
	v9 =	vadd.f32 v30, v29;
	vm11 =	vlt.f32 v10, v8  }
0x18f: {  	v36 =	vld [tilespmem:s10+$0x40];
	v8 =	vsel vm11, v10, v8  }
0x190: {  	v37 =	vld [tilespmem:s7+$0x50];
	v12 =	vadd.f32 v32, v31;
	vm12 =	vlt.f32 v9, v8  }
0x191: {  	v38 =	vld [tilespmem:s10+$0x50];
	v8 =	vsel vm12, v9, v8  }
0x192: {  	v39 =	vld [tilespmem:s7+$0x60];
	v11 =	vadd.f32 v34, v33;
	vm13 =	vlt.f32 v12, v8  }
0x193: {  	v40 =	vld [tilespmem:s10+$0x60];
	v8 =	vsel vm13, v12, v8  }
0x194: {  	v42 =	vld [tilespmem:s7+$0x70];
	v10 =	vadd.f32 v36, v35;
	vm14 =	vlt.f32 v11, v8  }
0x195: {  	v41 =	vor.u32 s11, v1;
	v43 =	vld [tilespmem:s10+$0x70];
	v8 =	vsel vm14, v11, v8  }
0x196: {  	s6 =	sadd.s32 $0xFFFFFFF0, s20;
	v7 =	vsel vm7, v41, v7;
	v9 =	vadd.f32 v38, v37;
	vm7 =	vlt.f32 v10, v8  }
0x197: {  	v44 =	vor.u32 s6, v1;
	v8 =	vsel vm7, v10, v8  }
0x198: {  	s21 =	sadd.s32 $0xFFFFFF10, s0;
	v7 =	vsel vm3, v44, v7;
	v12 =	vadd.f32 v40, v39;
	vm3 =	vlt.f32 v9, v8  }
0x199: {  	v45 =	vor.u32 s20, v1;
	v46 =	vor.u32 s21, v1;
	v8 =	vsel vm3, v9, v8  }
0x19a: {  	s7 =	sadd.s32 $0xFFFFFF20, s0;
	v7 =	vsel vm5, v45, v7;
	v47 =	vadd.f32 v43, v42;
	vm5 =	vlt.f32 v12, v8  }
0x19b: {  	s10 =	sadd.s32 $0xFFFFFF30, s0;
	v48 =	vor.u32 s7, v1;
	v7 =	vsel vm0, v46, v7;
	v8 =	vsel vm5, v12, v8  }
0x19c: {  	s11 =	sadd.s32 $0xFFFFFF40, s0;
	v49 =	vor.u32 s10, v1;
	v7 =	vsel vm1, v48, v7;
	vm15 =	vlt.f32 v47, v8  }
0x19d: {  	s20 =	sadd.s32 $0xFFFFFF50, s0;
	v50 =	vor.u32 s11, v1;
	v7 =	vsel vm2, v49, v7;
	v8 =	vsel vm15, v47, v8  }
0x19e: {  	v51 =	vor.u32 s20, v1;
	s21 =	sadd.s32 $0xFFFFFF60, s0;
	v7 =	vsel vm4, v50, v7;
	v10 =	vperm.xlane v8, v2  }
0x19f: {  	s7 =	sadd.s32 $0xFFFFFF70, s0;
	v52 =	vor.u32 s21, v1;
	v7 =	vsel vm6, v51, v7  }
0x1a0: {  	s10 =	sadd.s32 $0xFFFFFF80, s0;
	v53 =	vor.u32 s7, v1;
	v7 =	vsel vm8, v52, v7;
	v10 =	vmin.f32 v8, v10  }
0x1a1: {  	s11 =	sadd.s32 $0xFFFFFF90, s0;
	v54 =	vor.u32 s10, v1;
	v7 =	vsel vm9, v53, v7;
	v55 =	vperm.xlane v10, v3  }
0x1a2: {  	s20 =	sadd.s32 $0xFFFFFFA0, s0;
	v56 =	vor.u32 s11, v1;
	v7 =	vsel vm10, v54, v7  }
0x1a3: {  	v57 =	vor.u32 s20, v1;
	s21 =	sadd.s32 $0xFFFFFFB0, s0;
	v7 =	vsel vm11, v56, v7;
	v10 =	vmin.f32 v10, v55  }
0x1a4: {  	s7 =	sadd.s32 $0xFFFFFFC0, s0;
	v58 =	vor.u32 s21, v1;
	v7 =	vsel vm12, v57, v7;
	v11 =	vperm.xlane v10, v4  }
0x1a5: {  	s10 =	sadd.s32 $0xFFFFFFD0, s0;
	v59 =	vor.u32 s7, v1;
	v7 =	vsel vm13, v58, v7  }
0x1a6: {  	s11 =	sadd.s32 $0xFFFFFFE0, s0;
	v60 =	vor.u32 s10, v1;
	v7 =	vsel vm14, v59, v7;
	v10 =	vmin.f32 v10, v11  }
0x1a7: {  	s20 =	sadd.s32 $0xFFFFFFF0, s0;
	v61 =	vor.u32 s11, v1;
	v7 =	vsel vm7, v60, v7;
	v11 =	vperm.xlane v10, v5  }
0x1a8: {  	v62 =	vor.u32 s20, v1;
	v7 =	vsel vm3, v61, v7  }
0x1a9: {  	v63 =	vor.u32 s0, v1;
	v9 =	vsel vm5, v62, v7;
	v7 =	vmin.f32 v10, v11  }
0x1aa: {  	v9 =	vsel vm15, v63, v9;
	vm15 =	veq.f32 v8, v7  }
0x1ab: {  	v8 =	vnsel vm15, $0x40000000, v9  }
0x1ac: {  	v9 =	vperm.xlane v8, v2;
	_ =	sdelay $0x1  }
0x1ad: {  	vm0 =	vlt.s32 v8, v9  }
0x1ae: {  	v8 =	vsel vm0, v8, v9  }
0x1af: {  	v9 =	vperm.xlane v8, v3;
	_ =	sdelay $0x1  }
0x1b0: {  	vm0 =	vlt.s32 v8, v9  }
0x1b1: {  	v8 =	vsel vm0, v8, v9  }
0x1b2: {  	v9 =	vperm.xlane v8, v4;
	_ =	sdelay $0x1  }
0x1b3: {  	vm0 =	vlt.s32 v8, v9  }
0x1b4: {  	v8 =	vsel vm0, v8, v9  }
0x1b5: {  	v9 =	vperm.xlane v8, v5;
	_ =	sdelay $0x1  }
0x1b6: {  	vm0 =	vlt.s32 v8, v9  }
0x1b7: {  	v8 =	vsel vm0, v8, v9  }
0x1b8: {  	v8 =	vxor.u32 $0x80000000, v8  }
0x1b9: {  	(xrf0) =	vmin.scan.msk.u32 $0xffff, v8;
	_ =	sdelay $0x5  }
0x1ba: {  	v8, _, _ =	vpop (xrf0)  }
0x1bb: {  	(v2sf) =	vpush v8, $0xF;
	_ =	sdelay $0xe  }
0x1bc: {  	s21 =	spop (v2sf)  }
0x1bd: {  	s7 =	sxor.u32 $0x80000000, s21  }
.LBB2_25:
0x1be: {  	s0 =	sor.u32 s25, s31;
	s6 =	sand.u32 $0x1, s30;
	s10 =	sadd.s32 $0x1, s7  }
0x1bf: {  	[sflag:s14] =	ssyncset.done $0x0;
	v8 =	vmov s7;
	s30 =	sadd.s32 $0x1, s30;
	s6 =	sor.u32 s24, s6  }
0x1c0: {  	v9 =	vmov s0;
	p2 =	sne.s32 s30, $0x8;
	[smem:s6], [sflag:$0x5] =	smem.add.s32 s10  }
.Ltmp14:
0x1c1: {  	_ =	swait.done [sflag:s14];
	(pc) =	sbr.rel @!p2 .LBB2_26-.Ltmp14, $4  }
0x1c2: {  	[sflag:s14] =	ssyncset.s32 $0x0  }
0x1c3: {  	[sflag:s14] =	ssyncset.done $0x0  }
0x1c4: {  	[tilespmem:v8+s15+$0x0] =	vst.idx.msk $0x1, v6  }
0x1c5: {  	s28 =	sadd.s32 $0x1000, s28;
	s29 =	sadd.s32 $0x2, s29;
	[tilespmem:v9+s16+$0x0] =	vst.idx.msk $0x1, v7  }
.LBB2_17:
0x1c6: {  	s0 =	sshll.u32 s28, $0x2;
	s6 =	sand.u32 $0x7, s29  }
0x1c7: {  	s0 =	sand.u32 $0xFFFF0000, s0;
	s6 =	sshll.u32 s6, $0x9  }
0x1c8: {  	s0 =	sor.u32 s6, s0  }
0x1c9: {  	s6 =	simm.s32 $0x10080;
	s0 =	sshrl.u32 s0, $0x2  }
0x1ca: {  	v8 =	vld [tilespmem:s6+$0xFFFFFF80];
	s0 =	sadd.s32 $0x8400, s0  }
0x1cb: {  	v7 =	vld [tilespmem:s0+$0xFFFFFC00]  }
0x1cc: {  	v10 =	vld [tilespmem:s6+$0xFFFFFF90]  }
0x1cd: {  	v9 =	vld [tilespmem:s0+$0xFFFFFC10]  }
0x1ce: {  	v12 =	vld [tilespmem:s6+$0xFFFFFFA0]  }
0x1cf: {  	v11 =	vld [tilespmem:s0+$0xFFFFFC20]  }
0x1d0: {  	v14 =	vld [tilespmem:s6+$0xFFFFFFB0];
	v7 =	vadd.f32 v8, v7  }
0x1d1: {  	v13 =	vimm.f32 $+Inf;
	v8 =	vld [tilespmem:s0+$0xFFFFFC30]  }
0x1d2: {  	v9 =	vadd.f32 v10, v9;
	v10 =	vld [tilespmem:s0+$0xFFFFFC40];
	vm0 =	vlt.f32 v7, v13  }
0x1d3: {  	v15 =	vimm.s32 $0x40000000;
	s7 =	simm.s32 $0x0;
	v7 =	vsel vm0, v7, v13;
	v13 =	vld [tilespmem:s6+$0xFFFFFFC0]  }
0x1d4: {  	v16 =	vor.u32 s7, v1;
	v11 =	vadd.f32 v12, v11;
	v12 =	vld [tilespmem:s0+$0xFFFFFC50];
	vm1 =	vlt.f32 v9, v7  }
0x1d5: {  	s11 =	simm.s32 $0x10;
	v15 =	vsel vm0, v16, v15;
	v7 =	vsel vm1, v9, v7;
	v9 =	vld [tilespmem:s6+$0xFFFFFFD0]  }
0x1d6: {  	v16 =	vor.u32 s11, v1;
	v8 =	vadd.f32 v14, v8;
	v14 =	vld [tilespmem:s0+$0xFFFFFC60];
	vm5 =	vlt.f32 v11, v7  }
0x1d7: {  	s20 =	simm.s32 $0x20;
	v15 =	vsel vm1, v16, v15;
	v7 =	vsel vm5, v11, v7;
	v11 =	vld [tilespmem:s6+$0xFFFFFFE0]  }
0x1d8: {  	v16 =	vor.u32 s20, v1;
	vm6 =	vlt.f32 v8, v7;
	v10 =	vadd.f32 v13, v10;
	v13 =	vld [tilespmem:s0+$0xFFFFFC70]  }
0x1d9: {  	s21 =	simm.s32 $0x30;
	v15 =	vsel vm5, v16, v15;
	v7 =	vsel vm6, v8, v7;
	v8 =	vld [tilespmem:s6+$0xFFFFFFF0]  }
0x1da: {  	v16 =	vor.u32 s21, v1;
	vm7 =	vlt.f32 v10, v7;
	v9 =	vadd.f32 v9, v12;
	v12 =	vld [tilespmem:s0+$0x0]  }
0x1db: {  	s10 =	simm.s32 $0x40;
	v15 =	vsel vm6, v16, v15;
	v7 =	vsel vm7, v10, v7;
	v10 =	vld [tilespmem:s6+$0x0]  }
0x1dc: {  	v16 =	vor.u32 s10, v1;
	vm8 =	vlt.f32 v9, v7;
	v11 =	vadd.f32 v11, v14;
	v14 =	vld [tilespmem:s0+$0x10]  }
0x1dd: {  	s11 =	simm.s32 $0x50;
	v15 =	vsel vm7, v16, v15;
	v7 =	vsel vm8, v9, v7;
	v9 =	vld [tilespmem:s6+$0x10]  }
0x1de: {  	v16 =	vor.u32 s11, v1;
	vm9 =	vlt.f32 v11, v7;
	v8 =	vadd.f32 v8, v13;
	v13 =	vld [tilespmem:s0+$0x20]  }
0x1df: {  	s20 =	simm.s32 $0x60;
	v15 =	vsel vm8, v16, v15;
	v7 =	vsel vm9, v11, v7;
	v11 =	vld [tilespmem:s6+$0x20]  }
0x1e0: {  	s21 =	simm.s32 $0x70;
	v16 =	vor.u32 s20, v1;
	vm10 =	vlt.f32 v8, v7;
	v10 =	vadd.f32 v10, v12;
	v12 =	vld [tilespmem:s0+$0x30]  }
0x1e1: {  	v15 =	vsel vm9, v16, v15;
	v16 =	vor.u32 s21, v1;
	v7 =	vsel vm10, v8, v7;
	v8 =	vld [tilespmem:s6+$0x30]  }
0x1e2: {  	v15 =	vsel vm10, v16, v15;
	v16 =	vld [tilespmem:s6+$0x40];
	vm11 =	vlt.f32 v10, v7;
	v9 =	vadd.f32 v9, v14  }
0x1e3: {  	s10 =	simm.s32 $0x80;
	v14 =	vld [tilespmem:s0+$0x40];
	v7 =	vsel vm11, v10, v7  }
0x1e4: {  	v10 =	vor.u32 s10, v1;
	vm12 =	vlt.f32 v9, v7;
	v11 =	vadd.f32 v11, v13;
	v13 =	vld [tilespmem:s0+$0x50]  }
0x1e5: {  	s11 =	simm.s32 $0x90;
	v10 =	vsel vm11, v10, v15;
	v15 =	vld [tilespmem:s6+$0x50];
	v7 =	vsel vm12, v9, v7  }
0x1e6: {  	v9 =	vor.u32 s11, v1;
	s11 =	simm.s32 $0xC0;
	vm13 =	vlt.f32 v11, v7;
	v12 =	vadd.f32 v8, v12;
	v8 =	vld [tilespmem:s0+$0x60]  }
0x1e7: {  	s20 =	simm.s32 $0xA0;
	v17 =	vsel vm12, v9, v10;
	v10 =	vld [tilespmem:s6+$0x60];
	v18 =	vor.u32 s11, v1;
	v7 =	vsel vm13, v11, v7  }
0x1e8: {  	s21 =	simm.s32 $0xB0;
	v9 =	vld [tilespmem:s0+$0x70];
	v11 =	vor.u32 s20, v1;
	v16 =	vadd.f32 v16, v14;
	vm14 =	vlt.f32 v12, v7  }
0x1e9: {  	s7 =	sadd.s32 $0x800, s0;
	s10 =	sshll.u32 s30, $0x1;
	v14 =	vor.u32 s21, v1;
	v11 =	vsel vm13, v11, v17;
	v7 =	vsel vm14, v12, v7;
	v12 =	vld [tilespmem:s6+$0x70]  }
0x1ea: {  	s31 =	sor.u32 s4, s10;
	s10 =	simm.s32 $0x10180;
	s11 =	simm.s32 $0xD0;
	v17 =	vsel vm14, v14, v11;
	v11 =	vld [tilespmem:s7+$0xFFFFFC00];
	v14 =	vadd.f32 v15, v13;
	vm15 =	vlt.f32 v16, v7  }
0x1eb: {  	s21 =	simm.s32 $0xF0;
	s20 =	simm.s32 $0x1F0;
	v13 =	vld [tilespmem:s10+$0xFFFFFF80];
	s6 =	simm.s32 $0x2F0;
	v15 =	vsel vm15, v16, v7;
	v7 =	vsel vm15, v18, v17  }
.LBB2_18:
0x1ec: {  	p2 =	sne.s32 s6, $0x7F0;
	v16 =	vld [tilespmem:s7+$0xFFFFFC10];
	v17 =	vor.u32 s11, v1;
	vm0 =	vlt.f32 v14, v15;
	v8 =	vadd.f32 v10, v8  }
0x1ed: {  	s11 =	sadd.s32 $0xFFFFFFF0, s21;
	v10 =	vld [tilespmem:s10+$0xFFFFFF90];
	v14 =	vsel vm0, v14, v15;
	v7 =	vsel vm0, v17, v7  }
0x1ee: {  	v17 =	vor.u32 s11, v1;
	v15 =	vld [tilespmem:s7+$0xFFFFFC20];
	vm0 =	vlt.f32 v8, v14;
	v9 =	vadd.f32 v12, v9  }
0x1ef: {  	v12 =	vld [tilespmem:s10+$0xFFFFFFA0];
	v8 =	vsel vm0, v8, v14;
	v7 =	vsel vm0, v17, v7  }
0x1f0: {  	v14 =	vor.u32 s21, v1;
	s21 =	smov.u32 s20;
	s20 =	smov.u32 s6;
	v11 =	vadd.f32 v13, v11;
	v13 =	vld [tilespmem:s7+$0xFFFFFC30];
	vm0 =	vlt.f32 v9, v8  }
0x1f1: {  	s11 =	sadd.s32 $0xFFFFFF10, s21;
	v17 =	vld [tilespmem:s10+$0xFFFFFFB0];
	v8 =	vsel vm0, v9, v8;
	v7 =	vsel vm0, v14, v7  }
0x1f2: {  	v9 =	vor.u32 s11, v1;
	vm0 =	vlt.f32 v11, v8;
	v10 =	vadd.f32 v10, v16;
	v14 =	vld [tilespmem:s7+$0xFFFFFC40]  }
0x1f3: {  	s11 =	sadd.s32 $0xFFFFFF20, s21;
	v8 =	vsel vm0, v11, v8;
	v7 =	vsel vm0, v9, v7;
	v9 =	vld [tilespmem:s10+$0xFFFFFFC0]  }
0x1f4: {  	v11 =	vor.u32 s11, v1;
	vm0 =	vlt.f32 v10, v8;
	v12 =	vadd.f32 v12, v15;
	v15 =	vld [tilespmem:s7+$0xFFFFFC50]  }
0x1f5: {  	s11 =	sadd.s32 $0xFFFFFF30, s21;
	v8 =	vsel vm0, v10, v8;
	v7 =	vsel vm0, v11, v7;
	v10 =	vld [tilespmem:s10+$0xFFFFFFD0]  }
0x1f6: {  	v11 =	vor.u32 s11, v1;
	vm0 =	vlt.f32 v12, v8;
	v13 =	vadd.f32 v17, v13;
	v16 =	vld [tilespmem:s7+$0xFFFFFC60]  }
0x1f7: {  	s11 =	sadd.s32 $0xFFFFFF40, s21;
	v8 =	vsel vm0, v12, v8;
	v7 =	vsel vm0, v11, v7;
	v11 =	vld [tilespmem:s10+$0xFFFFFFE0]  }
0x1f8: {  	v12 =	vor.u32 s11, v1;
	vm0 =	vlt.f32 v13, v8;
	v9 =	vadd.f32 v9, v14;
	v14 =	vld [tilespmem:s7+$0xFFFFFC70]  }
0x1f9: {  	s11 =	sadd.s32 $0xFFFFFF50, s21;
	v8 =	vsel vm0, v13, v8;
	v7 =	vsel vm0, v12, v7;
	v12 =	vld [tilespmem:s10+$0xFFFFFFF0]  }
0x1fa: {  	v13 =	vor.u32 s11, v1;
	vm0 =	vlt.f32 v9, v8;
	v10 =	vadd.f32 v10, v15;
	v15 =	vld [tilespmem:s7+$0x0]  }
0x1fb: {  	s11 =	sadd.s32 $0xFFFFFF60, s21;
	v8 =	vsel vm0, v9, v8;
	v7 =	vsel vm0, v13, v7;
	v9 =	vld [tilespmem:s10+$0x0]  }
0x1fc: {  	v13 =	vor.u32 s11, v1;
	vm0 =	vlt.f32 v10, v8;
	v11 =	vadd.f32 v11, v16;
	v16 =	vld [tilespmem:s7+$0x10]  }
0x1fd: {  	s11 =	sadd.s32 $0xFFFFFF70, s21;
	v8 =	vsel vm0, v10, v8;
	v7 =	vsel vm0, v13, v7;
	v10 =	vld [tilespmem:s10+$0x10]  }
0x1fe: {  	v13 =	vor.u32 s11, v1;
	vm0 =	vlt.f32 v11, v8;
	v12 =	vadd.f32 v12, v14;
	v14 =	vld [tilespmem:s7+$0x20]  }
0x1ff: {  	s11 =	sadd.s32 $0xFFFFFF80, s21;
	v8 =	vsel vm0, v11, v8;
	v7 =	vsel vm0, v13, v7;
	v11 =	vld [tilespmem:s10+$0x20]  }
0x200: {  	v13 =	vor.u32 s11, v1;
	vm0 =	vlt.f32 v12, v8;
	v9 =	vadd.f32 v9, v15;
	v15 =	vld [tilespmem:s7+$0x30]  }
0x201: {  	s11 =	sadd.s32 $0xFFFFFF90, s21;
	v8 =	vsel vm0, v12, v8;
	v7 =	vsel vm0, v13, v7;
	v12 =	vld [tilespmem:s10+$0x30]  }
0x202: {  	v13 =	vor.u32 s11, v1;
	vm0 =	vlt.f32 v9, v8;
	v10 =	vadd.f32 v10, v16;
	v16 =	vld [tilespmem:s7+$0x40]  }
0x203: {  	s11 =	sadd.s32 $0xFFFFFFA0, s21;
	v8 =	vsel vm0, v9, v8;
	v7 =	vsel vm0, v13, v7;
	v9 =	vld [tilespmem:s10+$0x40]  }
0x204: {  	v13 =	vor.u32 s11, v1;
	vm0 =	vlt.f32 v10, v8;
	v11 =	vadd.f32 v11, v14;
	v14 =	vld [tilespmem:s7+$0x50]  }
0x205: {  	s11 =	sadd.s32 $0xFFFFFFB0, s21;
	v10 =	vsel vm0, v10, v8;
	v7 =	vsel vm0, v13, v7;
	v13 =	vld [tilespmem:s10+$0x50]  }
0x206: {  	v17 =	vor.u32 s11, v1;
	vm0 =	vlt.f32 v11, v10;
	v12 =	vadd.f32 v12, v15;
	v8 =	vld [tilespmem:s7+$0x60]  }
.Ltmp15:
0x207: {  	s11 =	sadd.s32 $0xFFFFFFC0, s21;
	v11 =	vsel vm0, v11, v10;
	v7 =	vsel vm0, v17, v7;
	v10 =	vld [tilespmem:s10+$0x60];
	(pc) =	sbr.rel @p2 .LBB2_18-.Ltmp15, $4  }
0x208: {  	v15 =	vor.u32 s11, v1;
	vm0 =	vlt.f32 v12, v11;
	v16 =	vadd.f32 v9, v16;
	v9 =	vld [tilespmem:s7+$0x70]  }
0x209: {  	s11 =	sadd.s32 $0xFFFFFFD0, s21;
	s7 =	sadd.s32 $0x800, s7;
	v17 =	vsel vm0, v12, v11;
	v7 =	vsel vm0, v15, v7;
	v12 =	vld [tilespmem:s10+$0x70]  }
0x20a: {  	v18 =	vor.u32 s11, v1;
	s10 =	sadd.s32 $0x100, s10;
	v11 =	vld [tilespmem:s7+$0xFFFFFC00];
	vm0 =	vlt.f32 v16, v17;
	v14 =	vadd.f32 v13, v14  }
0x20b: {  	s6 =	sadd.s32 $0x100, s6;
	s11 =	sadd.s32 $0xFFFFFFE0, s21;
	v13 =	vld [tilespmem:s10+$0xFFFFFF80];
	v15 =	vsel vm0, v16, v17;
	v7 =	vsel vm0, v18, v7  }
0x20c: {  	v16 =	vld [tilespmem:s7+$0xFFFFFC10];
	vm7 =	vlt.f32 v14, v15;
	v8 =	vadd.f32 v10, v8  }
0x20d: {  	v59 =	vld [tilespmem:s10+$0xFFFFFF90];
	v14 =	vsel vm7, v14, v15  }
0x20e: {  	v60 =	vld [tilespmem:s7+$0xFFFFFC20];
	vm3 =	vlt.f32 v8, v14;
	v9 =	vadd.f32 v12, v9  }
0x20f: {  	v61 =	vld [tilespmem:s10+$0xFFFFFFA0];
	v8 =	vsel vm3, v8, v14  }
0x210: {  	v62 =	vld [tilespmem:s7+$0xFFFFFC30];
	v11 =	vadd.f32 v13, v11;
	vm5 =	vlt.f32 v9, v8  }
0x211: {  	v63 =	vld [tilespmem:s10+$0xFFFFFFB0];
	v8 =	vsel vm5, v9, v8  }
0x212: {  	v19 =	vld [tilespmem:s7+$0xFFFFFC40];
	v18 =	vadd.f32 v59, v16;
	vm0 =	vlt.f32 v11, v8  }
0x213: {  	v20 =	vld [tilespmem:s10+$0xFFFFFFC0];
	v8 =	vsel vm0, v11, v8  }
0x214: {  	v21 =	vld [tilespmem:s7+$0xFFFFFC50];
	v12 =	vadd.f32 v61, v60;
	vm1 =	vlt.f32 v18, v8  }
0x215: {  	v22 =	vld [tilespmem:s10+$0xFFFFFFD0];
	v8 =	vsel vm1, v18, v8  }
0x216: {  	v23 =	vld [tilespmem:s7+$0xFFFFFC60];
	v13 =	vadd.f32 v63, v62;
	vm2 =	vlt.f32 v12, v8  }
0x217: {  	v24 =	vld [tilespmem:s10+$0xFFFFFFE0];
	v8 =	vsel vm2, v12, v8  }
0x218: {  	v25 =	vld [tilespmem:s7+$0xFFFFFC70];
	v10 =	vadd.f32 v20, v19;
	vm4 =	vlt.f32 v13, v8  }
0x219: {  	v26 =	vld [tilespmem:s10+$0xFFFFFFF0];
	v8 =	vsel vm4, v13, v8  }
0x21a: {  	v27 =	vld [tilespmem:s7+$0x0];
	v9 =	vadd.f32 v22, v21;
	vm6 =	vlt.f32 v10, v8  }
0x21b: {  	v28 =	vld [tilespmem:s10+$0x0];
	v8 =	vsel vm6, v10, v8  }
0x21c: {  	v29 =	vld [tilespmem:s7+$0x10];
	v12 =	vadd.f32 v24, v23;
	vm8 =	vlt.f32 v9, v8  }
0x21d: {  	v30 =	vld [tilespmem:s10+$0x10];
	v8 =	vsel vm8, v9, v8  }
0x21e: {  	v31 =	vld [tilespmem:s7+$0x20];
	v11 =	vadd.f32 v26, v25;
	vm9 =	vlt.f32 v12, v8  }
0x21f: {  	v32 =	vld [tilespmem:s10+$0x20];
	v8 =	vsel vm9, v12, v8  }
0x220: {  	v33 =	vld [tilespmem:s7+$0x30];
	v10 =	vadd.f32 v28, v27;
	vm10 =	vlt.f32 v11, v8  }
0x221: {  	v34 =	vld [tilespmem:s10+$0x30];
	v8 =	vsel vm10, v11, v8  }
0x222: {  	v35 =	vld [tilespmem:s7+$0x40];
	v9 =	vadd.f32 v30, v29;
	vm11 =	vlt.f32 v10, v8  }
0x223: {  	v36 =	vld [tilespmem:s10+$0x40];
	v8 =	vsel vm11, v10, v8  }
0x224: {  	v37 =	vld [tilespmem:s7+$0x50];
	v12 =	vadd.f32 v32, v31;
	vm12 =	vlt.f32 v9, v8  }
0x225: {  	v38 =	vld [tilespmem:s10+$0x50];
	v8 =	vsel vm12, v9, v8  }
0x226: {  	v39 =	vld [tilespmem:s7+$0x60];
	v11 =	vadd.f32 v34, v33;
	vm13 =	vlt.f32 v12, v8  }
0x227: {  	v40 =	vld [tilespmem:s10+$0x60];
	v8 =	vsel vm13, v12, v8  }
0x228: {  	v42 =	vld [tilespmem:s7+$0x70];
	v10 =	vadd.f32 v36, v35;
	vm14 =	vlt.f32 v11, v8  }
0x229: {  	v41 =	vor.u32 s11, v1;
	v43 =	vld [tilespmem:s10+$0x70];
	v8 =	vsel vm14, v11, v8  }
0x22a: {  	s6 =	sadd.s32 $0xFFFFFFF0, s21;
	v7 =	vsel vm7, v41, v7;
	v9 =	vadd.f32 v38, v37;
	vm7 =	vlt.f32 v10, v8  }
0x22b: {  	v44 =	vor.u32 s6, v1;
	v8 =	vsel vm7, v10, v8  }
0x22c: {  	s7 =	sadd.s32 $0xFFFFFF10, s20;
	v7 =	vsel vm3, v44, v7;
	v12 =	vadd.f32 v40, v39;
	vm3 =	vlt.f32 v9, v8  }
0x22d: {  	v45 =	vor.u32 s21, v1;
	v46 =	vor.u32 s7, v1;
	v8 =	vsel vm3, v9, v8  }
0x22e: {  	s10 =	sadd.s32 $0xFFFFFF20, s20;
	v7 =	vsel vm5, v45, v7;
	v47 =	vadd.f32 v43, v42;
	vm5 =	vlt.f32 v12, v8  }
0x22f: {  	s11 =	sadd.s32 $0xFFFFFF30, s20;
	v48 =	vor.u32 s10, v1;
	v7 =	vsel vm0, v46, v7;
	v8 =	vsel vm5, v12, v8  }
0x230: {  	s21 =	sadd.s32 $0xFFFFFF40, s20;
	v49 =	vor.u32 s11, v1;
	v7 =	vsel vm1, v48, v7;
	vm15 =	vlt.f32 v47, v8  }
0x231: {  	v50 =	vor.u32 s21, v1;
	s7 =	sadd.s32 $0xFFFFFF50, s20;
	v7 =	vsel vm2, v49, v7;
	v8 =	vsel vm15, v47, v8  }
0x232: {  	s10 =	sadd.s32 $0xFFFFFF60, s20;
	v51 =	vor.u32 s7, v1;
	v7 =	vsel vm4, v50, v7;
	v10 =	vperm.xlane v8, v2  }
0x233: {  	s11 =	sadd.s32 $0xFFFFFF70, s20;
	v52 =	vor.u32 s10, v1;
	v7 =	vsel vm6, v51, v7  }
0x234: {  	s21 =	sadd.s32 $0xFFFFFF80, s20;
	v53 =	vor.u32 s11, v1;
	v7 =	vsel vm8, v52, v7;
	v10 =	vmin.f32 v8, v10  }
0x235: {  	v54 =	vor.u32 s21, v1;
	s7 =	sadd.s32 $0xFFFFFF90, s20;
	v7 =	vsel vm9, v53, v7;
	v55 =	vperm.xlane v10, v3  }
0x236: {  	s10 =	sadd.s32 $0xFFFFFFA0, s20;
	v56 =	vor.u32 s7, v1;
	v7 =	vsel vm10, v54, v7  }
0x237: {  	s11 =	sadd.s32 $0xFFFFFFB0, s20;
	v57 =	vor.u32 s10, v1;
	v7 =	vsel vm11, v56, v7;
	v10 =	vmin.f32 v10, v55  }
0x238: {  	s21 =	sadd.s32 $0xFFFFFFC0, s20;
	v58 =	vor.u32 s11, v1;
	v7 =	vsel vm12, v57, v7;
	v11 =	vperm.xlane v10, v4  }
0x239: {  	s7 =	sadd.s32 $0xFFFFFFD0, s20;
	v59 =	vor.u32 s21, v1;
	v7 =	vsel vm13, v58, v7  }
0x23a: {  	s10 =	sadd.s32 $0xFFFFFFE0, s20;
	v60 =	vor.u32 s7, v1;
	v7 =	vsel vm14, v59, v7;
	v10 =	vmin.f32 v10, v11  }
0x23b: {  	s11 =	sadd.s32 $0xFFFFFFF0, s20;
	v61 =	vor.u32 s10, v1;
	v7 =	vsel vm7, v60, v7;
	v11 =	vperm.xlane v10, v5  }
0x23c: {  	v62 =	vor.u32 s11, v1;
	v7 =	vsel vm3, v61, v7  }
0x23d: {  	v63 =	vor.u32 s20, v1;
	v9 =	vsel vm5, v62, v7;
	v7 =	vmin.f32 v10, v11  }
0x23e: {  	v9 =	vsel vm15, v63, v9;
	vm15 =	veq.f32 v8, v7  }
0x23f: {  	v8 =	vnsel vm15, $0x40000000, v9  }
0x240: {  	v9 =	vperm.xlane v8, v2;
	_ =	sdelay $0x1  }
0x241: {  	vm0 =	vlt.s32 v8, v9  }
0x242: {  	v8 =	vsel vm0, v8, v9  }
0x243: {  	v9 =	vperm.xlane v8, v3;
	_ =	sdelay $0x1  }
0x244: {  	vm0 =	vlt.s32 v8, v9  }
0x245: {  	v8 =	vsel vm0, v8, v9  }
0x246: {  	v9 =	vperm.xlane v8, v4;
	_ =	sdelay $0x1  }
0x247: {  	vm0 =	vlt.s32 v8, v9  }
0x248: {  	v8 =	vsel vm0, v8, v9  }
0x249: {  	v9 =	vperm.xlane v8, v5;
	_ =	sdelay $0x1  }
0x24a: {  	vm0 =	vlt.s32 v8, v9  }
0x24b: {  	v8 =	vsel vm0, v8, v9  }
0x24c: {  	v8 =	vxor.u32 $0x80000000, v8  }
0x24d: {  	(xrf0) =	vmin.scan.msk.u32 $0xffff, v8;
	_ =	sdelay $0x5  }
0x24e: {  	v8, _, _ =	vpop (xrf0)  }
0x24f: {  	(v2sf) =	vpush v8, $0xF;
	_ =	sdelay $0xa  }
0x250: {  	s20 =	sadd.s32 $0xFFFFFFFF, s31  }
0x251: {  	s6 =	sshrl.u32 s20, $0x1  }
0x252: {  	s21 =	sshll.u32 s2, $0x10;
	s6 =	sand.u32 $0x1, s6  }
0x253: {  	[sflag:s18] =	ssyncset.done $0x0;
	s10 =	sor.u32 s21, s6  }
0x254: {  	[smem:s10], [sflag:$0x3] =	smem.add.s32 $0x0;
	s7 =	spop (v2sf)  }
0x255: {  	_ =	swait.done [sflag:s18]  }
0x256: {  	s11 =	ssyncread [sflag:$0x3];
	_ =	sdelay $0x2  }
0x257: {  	p2 =	sne.s32 s11, $0x0  }
.Ltmp16:
0x258: {  	_ = 	snop;
	(pc) =	sbr.rel @p2 .LBB2_21-.Ltmp16, $3  }
0x259: {  	_ =	sdelay $0x1  }
0x25a: {  	[sflag:s18] =	ssyncset.s32 $0x0  }
0x25b: {  	[sflag:s18] =	ssyncset.done $0x0  }
.LBB2_20:
0x25c: {  	[sflag:s19] =	ssyncset.done $0x0  }
0x25d: {  	[smem:s10], [sflag:$0x4] =	smem.add.s32 $0x0  }
0x25e: {  	_ =	swait.done [sflag:s19]  }
0x25f: {  	s11 =	ssyncread [sflag:$0x4];
	_ =	sdelay $0x2  }
0x260: {  	p2 =	seq.s32 s11, $0x0  }
.Ltmp17:
0x261: {  	_ = 	snop;
	(pc) =	sbr.rel @p2 .LBB2_20-.Ltmp17, $3  }
0x262: {  	_ =	sdelay $0x1  }
0x263: {  	[sflag:s19] =	ssyncset.s32 $0x0  }
0x264: {  	[sflag:s19] =	ssyncset.done $0x0  }
.LBB2_21:
0x265: {  	s10 =	sadd.s32 $0xFFFFFFFF, s11;
	s7 =	sxor.u32 $0x80000000, s7  }
0x266: {  	v9 =	vmov s10;
	p2 =	sne.s32 s7, s10  }
.Ltmp18:
0x267: {  	_ = 	snop;
	(pc) =	sbr.rel @p2 .LBB2_25-.Ltmp18, $3  }
0x268: {  	_ =	sdelay $0x1  }
0x269: {  	v8 =	vimm.f32 $+Inf  }
0x26a: {  	[smem:s6] =	sst s1;
	[tilespmem:v9+s15+$0x0] =	vst.idx.msk $0x1, v8  }
0x26b: {  	s6 =	simm.s32 $0x10080;
	v7 =	vld [tilespmem:s0+$0xFFFFFC00]  }
0x26c: {  	v9 =	vld [tilespmem:s6+$0xFFFFFF80]  }
0x26d: {  	v10 =	vld [tilespmem:s0+$0xFFFFFC10]  }
0x26e: {  	v11 =	vld [tilespmem:s6+$0xFFFFFF90]  }
0x26f: {  	v12 =	vld [tilespmem:s0+$0xFFFFFC20]  }
0x270: {  	v13 =	vld [tilespmem:s6+$0xFFFFFFA0]  }
0x271: {  	v14 =	vld [tilespmem:s6+$0xFFFFFFB0];
	v7 =	vadd.f32 v9, v7  }
0x272: {  	v9 =	vld [tilespmem:s0+$0xFFFFFC30]  }
0x273: {  	v10 =	vadd.f32 v11, v10;
	v11 =	vld [tilespmem:s0+$0xFFFFFC40];
	vm0 =	vlt.f32 v7, v8  }
0x274: {  	v15 =	vimm.s32 $0x40000000;
	s7 =	simm.s32 $0x0;
	v7 =	vsel vm0, v7, v8;
	v8 =	vld [tilespmem:s6+$0xFFFFFFC0]  }
0x275: {  	v16 =	vor.u32 s7, v1;
	v12 =	vadd.f32 v13, v12;
	v13 =	vld [tilespmem:s0+$0xFFFFFC50];
	vm1 =	vlt.f32 v10, v7  }
0x276: {  	s11 =	simm.s32 $0x10;
	v15 =	vsel vm0, v16, v15;
	v7 =	vsel vm1, v10, v7;
	v10 =	vld [tilespmem:s6+$0xFFFFFFD0]  }
0x277: {  	v16 =	vor.u32 s11, v1;
	v9 =	vadd.f32 v14, v9;
	v14 =	vld [tilespmem:s0+$0xFFFFFC60];
	vm5 =	vlt.f32 v12, v7  }
0x278: {  	s20 =	simm.s32 $0x20;
	v15 =	vsel vm1, v16, v15;
	v7 =	vsel vm5, v12, v7;
	v12 =	vld [tilespmem:s6+$0xFFFFFFE0]  }
0x279: {  	v16 =	vor.u32 s20, v1;
	vm6 =	vlt.f32 v9, v7;
	v8 =	vadd.f32 v8, v11;
	v11 =	vld [tilespmem:s0+$0xFFFFFC70]  }
0x27a: {  	s21 =	simm.s32 $0x30;
	v15 =	vsel vm5, v16, v15;
	v7 =	vsel vm6, v9, v7;
	v9 =	vld [tilespmem:s6+$0xFFFFFFF0]  }
0x27b: {  	v16 =	vor.u32 s21, v1;
	vm7 =	vlt.f32 v8, v7;
	v10 =	vadd.f32 v10, v13;
	v13 =	vld [tilespmem:s0+$0x0]  }
0x27c: {  	s10 =	simm.s32 $0x40;
	v15 =	vsel vm6, v16, v15;
	v7 =	vsel vm7, v8, v7;
	v8 =	vld [tilespmem:s6+$0x0]  }
0x27d: {  	v16 =	vor.u32 s10, v1;
	vm8 =	vlt.f32 v10, v7;
	v12 =	vadd.f32 v12, v14;
	v14 =	vld [tilespmem:s0+$0x10]  }
0x27e: {  	s11 =	simm.s32 $0x50;
	v15 =	vsel vm7, v16, v15;
	v7 =	vsel vm8, v10, v7;
	v10 =	vld [tilespmem:s6+$0x10]  }
0x27f: {  	v16 =	vor.u32 s11, v1;
	vm9 =	vlt.f32 v12, v7;
	v9 =	vadd.f32 v9, v11;
	v11 =	vld [tilespmem:s0+$0x20]  }
0x280: {  	s20 =	simm.s32 $0x60;
	v15 =	vsel vm8, v16, v15;
	v7 =	vsel vm9, v12, v7;
	v12 =	vld [tilespmem:s6+$0x20]  }
0x281: {  	s21 =	simm.s32 $0x70;
	v16 =	vor.u32 s20, v1;
	vm10 =	vlt.f32 v9, v7;
	v8 =	vadd.f32 v8, v13;
	v13 =	vld [tilespmem:s0+$0x30]  }
0x282: {  	v15 =	vsel vm9, v16, v15;
	v16 =	vor.u32 s21, v1;
	v7 =	vsel vm10, v9, v7;
	v9 =	vld [tilespmem:s6+$0x30]  }
0x283: {  	v15 =	vsel vm10, v16, v15;
	v16 =	vld [tilespmem:s6+$0x40];
	vm11 =	vlt.f32 v8, v7;
	v10 =	vadd.f32 v10, v14  }
0x284: {  	s10 =	simm.s32 $0x80;
	v14 =	vld [tilespmem:s0+$0x40];
	v7 =	vsel vm11, v8, v7  }
0x285: {  	v17 =	vld [tilespmem:s0+$0x50];
	v8 =	vor.u32 s10, v1;
	vm12 =	vlt.f32 v10, v7;
	v11 =	vadd.f32 v12, v11  }
0x286: {  	s11 =	simm.s32 $0x90;
	v12 =	vsel vm11, v8, v15;
	v15 =	vld [tilespmem:s6+$0x50];
	v7 =	vsel vm12, v10, v7  }
0x287: {  	s10 =	simm.s32 $0xC0;
	v8 =	vld [tilespmem:s0+$0x60];
	v10 =	vor.u32 s11, v1;
	vm13 =	vlt.f32 v11, v7;
	v13 =	vadd.f32 v9, v13  }
0x288: {  	s20 =	simm.s32 $0xA0;
	v19 =	vor.u32 s10, v1;
	v12 =	vsel vm12, v10, v12;
	v10 =	vld [tilespmem:s6+$0x60];
	v7 =	vsel vm13, v11, v7  }
0x289: {  	s21 =	simm.s32 $0xB0;
	v9 =	vld [tilespmem:s0+$0x70];
	v11 =	vor.u32 s20, v1;
	v16 =	vadd.f32 v16, v14;
	vm14 =	vlt.f32 v13, v7  }
0x28a: {  	s7 =	sadd.s32 $0x800, s0;
	v14 =	vor.u32 s21, v1;
	v11 =	vsel vm13, v11, v12;
	v12 =	vld [tilespmem:s6+$0x70];
	v7 =	vsel vm14, v13, v7  }
0x28b: {  	s10 =	simm.s32 $0x10180;
	s11 =	simm.s32 $0xD0;
	v18 =	vsel vm14, v14, v11;
	v11 =	vld [tilespmem:s7+$0xFFFFFC00];
	v14 =	vadd.f32 v15, v17;
	vm15 =	vlt.f32 v16, v7  }
0x28c: {  	s0 =	simm.s32 $0x1F0;
	s20 =	simm.s32 $0xF0;
	s6 =	simm.s32 $0x2F0;
	v13 =	vld [tilespmem:s10+$0xFFFFFF80];
	v15 =	vsel vm15, v16, v7;
	v7 =	vsel vm15, v19, v18  }
.LBB2_23:
0x28d: {  	p2 =	sne.s32 s6, $0x7F0;
	v16 =	vld [tilespmem:s7+$0xFFFFFC10];
	v17 =	vor.u32 s11, v1;
	vm0 =	vlt.f32 v14, v15;
	v8 =	vadd.f32 v10, v8  }
0x28e: {  	s11 =	sadd.s32 $0xFFFFFFF0, s20;
	v10 =	vld [tilespmem:s10+$0xFFFFFF90];
	v14 =	vsel vm0, v14, v15;
	v7 =	vsel vm0, v17, v7  }
0x28f: {  	v9 =	vadd.f32 v12, v9;
	v17 =	vor.u32 s11, v1;
	v15 =	vld [tilespmem:s7+$0xFFFFFC20];
	vm0 =	vlt.f32 v8, v14  }
0x290: {  	v12 =	vld [tilespmem:s10+$0xFFFFFFA0];
	v8 =	vsel vm0, v8, v14;
	v7 =	vsel vm0, v17, v7  }
0x291: {  	v11 =	vadd.f32 v13, v11;
	v14 =	vor.u32 s20, v1;
	s20 =	smov.u32 s0;
	s0 =	smov.u32 s6;
	v13 =	vld [tilespmem:s7+$0xFFFFFC30];
	vm0 =	vlt.f32 v9, v8  }
0x292: {  	s11 =	sadd.s32 $0xFFFFFF10, s20;
	v17 =	vld [tilespmem:s10+$0xFFFFFFB0];
	v8 =	vsel vm0, v9, v8;
	v7 =	vsel vm0, v14, v7  }
0x293: {  	v9 =	vor.u32 s11, v1;
	vm0 =	vlt.f32 v11, v8;
	v10 =	vadd.f32 v10, v16;
	v14 =	vld [tilespmem:s7+$0xFFFFFC40]  }
0x294: {  	s11 =	sadd.s32 $0xFFFFFF20, s20;
	v8 =	vsel vm0, v11, v8;
	v7 =	vsel vm0, v9, v7;
	v9 =	vld [tilespmem:s10+$0xFFFFFFC0]  }
0x295: {  	v11 =	vor.u32 s11, v1;
	vm0 =	vlt.f32 v10, v8;
	v12 =	vadd.f32 v12, v15;
	v15 =	vld [tilespmem:s7+$0xFFFFFC50]  }
0x296: {  	s11 =	sadd.s32 $0xFFFFFF30, s20;
	v8 =	vsel vm0, v10, v8;
	v7 =	vsel vm0, v11, v7;
	v10 =	vld [tilespmem:s10+$0xFFFFFFD0]  }
0x297: {  	v11 =	vor.u32 s11, v1;
	vm0 =	vlt.f32 v12, v8;
	v13 =	vadd.f32 v17, v13;
	v16 =	vld [tilespmem:s7+$0xFFFFFC60]  }
0x298: {  	s11 =	sadd.s32 $0xFFFFFF40, s20;
	v8 =	vsel vm0, v12, v8;
	v7 =	vsel vm0, v11, v7;
	v11 =	vld [tilespmem:s10+$0xFFFFFFE0]  }
0x299: {  	v12 =	vor.u32 s11, v1;
	vm0 =	vlt.f32 v13, v8;
	v9 =	vadd.f32 v9, v14;
	v14 =	vld [tilespmem:s7+$0xFFFFFC70]  }
0x29a: {  	s11 =	sadd.s32 $0xFFFFFF50, s20;
	v8 =	vsel vm0, v13, v8;
	v7 =	vsel vm0, v12, v7;
	v12 =	vld [tilespmem:s10+$0xFFFFFFF0]  }
0x29b: {  	v13 =	vor.u32 s11, v1;
	vm0 =	vlt.f32 v9, v8;
	v10 =	vadd.f32 v10, v15;
	v15 =	vld [tilespmem:s7+$0x0]  }
0x29c: {  	s11 =	sadd.s32 $0xFFFFFF60, s20;
	v8 =	vsel vm0, v9, v8;
	v7 =	vsel vm0, v13, v7;
	v9 =	vld [tilespmem:s10+$0x0]  }
0x29d: {  	v13 =	vor.u32 s11, v1;
	vm0 =	vlt.f32 v10, v8;
	v11 =	vadd.f32 v11, v16;
	v16 =	vld [tilespmem:s7+$0x10]  }
0x29e: {  	s11 =	sadd.s32 $0xFFFFFF70, s20;
	v8 =	vsel vm0, v10, v8;
	v7 =	vsel vm0, v13, v7;
	v10 =	vld [tilespmem:s10+$0x10]  }
0x29f: {  	v13 =	vor.u32 s11, v1;
	vm0 =	vlt.f32 v11, v8;
	v12 =	vadd.f32 v12, v14;
	v14 =	vld [tilespmem:s7+$0x20]  }
0x2a0: {  	s11 =	sadd.s32 $0xFFFFFF80, s20;
	v8 =	vsel vm0, v11, v8;
	v7 =	vsel vm0, v13, v7;
	v11 =	vld [tilespmem:s10+$0x20]  }
0x2a1: {  	v13 =	vor.u32 s11, v1;
	vm0 =	vlt.f32 v12, v8;
	v9 =	vadd.f32 v9, v15;
	v15 =	vld [tilespmem:s7+$0x30]  }
0x2a2: {  	s11 =	sadd.s32 $0xFFFFFF90, s20;
	v8 =	vsel vm0, v12, v8;
	v7 =	vsel vm0, v13, v7;
	v12 =	vld [tilespmem:s10+$0x30]  }
0x2a3: {  	v13 =	vor.u32 s11, v1;
	vm0 =	vlt.f32 v9, v8;
	v10 =	vadd.f32 v10, v16;
	v16 =	vld [tilespmem:s7+$0x40]  }
0x2a4: {  	s11 =	sadd.s32 $0xFFFFFFA0, s20;
	v8 =	vsel vm0, v9, v8;
	v7 =	vsel vm0, v13, v7;
	v9 =	vld [tilespmem:s10+$0x40]  }
0x2a5: {  	v13 =	vor.u32 s11, v1;
	vm0 =	vlt.f32 v10, v8;
	v11 =	vadd.f32 v11, v14;
	v14 =	vld [tilespmem:s7+$0x50]  }
0x2a6: {  	s11 =	sadd.s32 $0xFFFFFFB0, s20;
	v10 =	vsel vm0, v10, v8;
	v7 =	vsel vm0, v13, v7;
	v13 =	vld [tilespmem:s10+$0x50]  }
0x2a7: {  	v17 =	vor.u32 s11, v1;
	vm0 =	vlt.f32 v11, v10;
	v12 =	vadd.f32 v12, v15;
	v8 =	vld [tilespmem:s7+$0x60]  }
.Ltmp19:
0x2a8: {  	s11 =	sadd.s32 $0xFFFFFFC0, s20;
	v11 =	vsel vm0, v11, v10;
	v7 =	vsel vm0, v17, v7;
	v10 =	vld [tilespmem:s10+$0x60];
	(pc) =	sbr.rel @p2 .LBB2_23-.Ltmp19, $4  }
0x2a9: {  	v15 =	vor.u32 s11, v1;
	vm0 =	vlt.f32 v12, v11;
	v16 =	vadd.f32 v9, v16;
	v9 =	vld [tilespmem:s7+$0x70]  }
0x2aa: {  	s11 =	sadd.s32 $0xFFFFFFD0, s20;
	s7 =	sadd.s32 $0x800, s7;
	v17 =	vsel vm0, v12, v11;
	v7 =	vsel vm0, v15, v7;
	v12 =	vld [tilespmem:s10+$0x70]  }
0x2ab: {  	v18 =	vor.u32 s11, v1;
	s10 =	sadd.s32 $0x100, s10;
	v11 =	vld [tilespmem:s7+$0xFFFFFC00];
	vm0 =	vlt.f32 v16, v17;
	v14 =	vadd.f32 v13, v14  }
0x2ac: {  	s6 =	sadd.s32 $0x100, s6;
	s11 =	sadd.s32 $0xFFFFFFE0, s20;
	v13 =	vld [tilespmem:s10+$0xFFFFFF80];
	v15 =	vsel vm0, v16, v17;
	v7 =	vsel vm0, v18, v7  }
.Ltmp20:
0x2ad: {  	_ = 	snop;
	(pc) =	sbr.rel .LBB2_24-.Ltmp20, $1  }
0x2ae: {  	_ =	sdelay $0x3  }
.LBB2_26:
.Ltmp21:
0x2af: {  	(pc) =	sbr.rel @p1 .LBB2_28-.Ltmp21, $1  }
0x2b0: {  	_ =	sdelay $0x3  }
.Ltmp22:
0x2b1: {  	(pc) =	sbr.rel .LBB2_5-.Ltmp22, $4  }
0x2b2: {  	s0 =	sadd.s32 s26, s9  }
0x2b3: {  	s0 =	sshrl.u32 s0, $0x3  }
0x2b4: {  	s23 =	sadd.s32 $0x1, s23;
	s0 =	sadd.s32 s3, s0  }
0x2b5: {  	[tilespmem:s12], [sflag:$0x2] =	stream.linear.gather [hbm4b:s0+s1], $0x8000, $0x38;
	[tilespmem:$0x11000] =	vst v63  }
.LBB2_28:
0x2b6: {  	s0 =	rddreg [dreg:$0x4]  }
.Ltmp23:
0x2b7: {  	s6 =	simm.s32 $0x80;
	s7 =	simm.s32 $0x400;
	(pc) =	sbr.rel .LBB2_30-.Ltmp23, $4  }
0x2b8: {  	[hbm4b:s0+s6] =	stream.strided.scatter [tilespmem:s16], [sflag:$0x3], $0x800, s7, s6, $0x38;
	[tilespmem:$0x11000] =	vst v63  }
0x2b9: {  	_ =	swait.ge [sflag:s18], $0x800  }
0x2ba: {  	[sflag:s18] =	ssyncset.done $0x0  }
0x2bb: {  	s0 =	rddreg [dreg:$0x5];
	[sflag:s18] =	ssyncadd.s32 $0xFFFFF800  }
.LBB2_31:
0x2bc: {  	_ =	sfence.sel $0x180000  }
0x2bd: {  	[bflag:$0x0] =	sbarrier.arrive $0xFFFF  }
0x2be: {  	_ =	strace $0x90000047  }
0x2bf: {  	[bflag:$0x2] =	sbarrier.arrive $0xFFFF  }
0x2c0: {  	p0 =	sne.s32 s2, $0x0;
	s0 =	rddreg [dreg:$0x1]  }
0x2c1: {  	s0 =	sadd.s32 @!p0 $0x100000, s0  }
0x2c2: {  	[sflag:s0] =	ssyncadd.tile.s32 @!p0 $0x1;
	_ =	shalt  }
.Lfunc_end2:
_tile_overlayer_lowered:
.L_overlay_start_2:
0x2c3: {  	(tag) =	ssettag $0x2  }
0x2c4: {  	s0 =	rddreg [dreg:$0x0];
	s2 =	stileid.u32  }
0x2c5: {  	s1 =	rddreg [dreg:$0x1];
	p0 =	sne.s32 s2, $0x0  }
0x2c6: {  	s3 =	rddreg [dreg:$0x2];
	[bflag:$0x3] =	sbarrier.arrive $0xFFFF;
	s2 =	simm.s32 @!p0 $0x1C03  }
0x2c7: {  	[timem:s3], [sflag:s2] =	dma.local @!p0 [hbm:s0], s1  }
0x2c8: {  	s0 =	simm.s32 @!p0 $0x3  }
0x2c9: {  	_ =	swait.ge @!p0 [sflag:s0], s1  }
0x2ca: {  	s1 =	ssub.s32 @!p0 $0x0, s1;
	[sflag:s0] =	ssyncset.done @!p0 $0x0  }
0x2cb: {  	[sflag:s0] =	ssyncadd.s32 @!p0 s1  }
0x2cc: {  	[bflag:$0x3] =	sbarrier.arrive $0xFFFF  }
0x2cd: {  	_ =	shalt  }

</sc_bundles>
